<compile_context>
chip_gen: v7x
topology: tpu7x:2x2x1
jax: 0.10.2.dev20260603
libtpu: 0.0.44.dev20260713+nightly
codegen_flags: <defaults>
</compile_context>

<pallas_src>
import functools

import jax
import jax.numpy as jnp
from jax import lax
from jax.experimental import pallas as pl
from jax.experimental.pallas import tpu as pltpu
from jax.experimental.pallas import tpu_sc as plsc

_L = 16
_U = 8
_HEAD = 4


def _row_sparsemax(rows_v, row_base, cand_v, n_cols):
    n_chunks = n_cols // _L

    m0 = jnp.full((_L,), -jnp.inf, jnp.float32)

    @plsc.parallel_loop(0, n_chunks, unroll=_U, carry=(m0, jnp.int32(0)))
    def pass1(i, carry):
        m, off = carry
        v = rows_v[pl.ds(row_base + i * _L, _L)]
        m = jnp.maximum(m, v)
        msk = v > m - 1.0
        plsc.store_compressed(cand_v.at[pl.ds(off, _L)], v, mask=msk)
        return m, off + plsc.all_reduce_population_count(msk)[0]

    m, off = pass1
    mx = jnp.max(m)
    thr = mx - 1.0
    pad_v = jnp.full((_L,), thr - 1.0, jnp.float32)

    cand_v[pl.ds(off, _L)] = pad_v
    n_sup_chunks = (off + _L - 1) // _L

    def recompact_body(i, carry):
        off2, s_acc = carry
        v = cand_v[pl.ds(i * _L, _L)]
        msk = v > thr
        plsc.store_compressed(cand_v.at[pl.ds(off2, _L)], v, mask=msk)
        return (off2 + plsc.all_reduce_population_count(msk)[0],
                s_acc + jnp.where(msk, v, 0.0))

    off2, s_acc = lax.fori_loop(0, n_sup_chunks, recompact_body,
                                (jnp.int32(0), jnp.zeros((_L,), jnp.float32)))

    for k in range(_HEAD):
        cand_v[pl.ds(off2 + k * _L, _L)] = pad_v
    n_cand_chunks = (off2 + _L - 1) // _L

    head = [cand_v[pl.ds(k * _L, _L)] for k in range(_HEAD)]

    def masked_stats(tau_v):
        s_vec = jnp.zeros((_L,), jnp.float32)
        cnt = jnp.int32(0)
        for cv in head:
            msk = cv > tau_v
            s_vec = s_vec + jnp.where(msk, cv, 0.0)
            cnt = cnt + plsc.all_reduce_population_count(msk)[0]

        def tail(i, carry):
            sv, c = carry
            v = cand_v[pl.ds(i * _L, _L)]
            msk = v > tau_v
            return (sv + jnp.where(msk, v, 0.0),
                    c + plsc.all_reduce_population_count(msk)[0])

        return lax.fori_loop(_HEAD, n_cand_chunks, tail, (s_vec, cnt))

    def fp_cond(carry):
        _, cnt_prev, cnt, _ = carry
        return cnt != cnt_prev

    def fp_body(carry):
        tau_v, _, cnt, s_vec = carry
        num_v = jnp.full((_L,), jnp.sum(s_vec) - 1.0, jnp.float32)
        den_v = jnp.full((_L,), cnt.astype(jnp.float32), jnp.float32)
        new_tau = jnp.maximum(num_v / den_v, tau_v)
        s2, cnt2 = masked_stats(new_tau)
        return new_tau, cnt, cnt2, s2

    thr_v = jnp.full((_L,), thr, jnp.float32)
    tau_v, _, _, _ = lax.while_loop(
        fp_cond, fp_body, (thr_v, jnp.int32(-1), off2, s_acc))

    @plsc.parallel_loop(0, n_chunks, unroll=_U)
    def pass4(i):
        idx = row_base + i * _L
        v = rows_v[pl.ds(idx, _L)]
        rows_v[pl.ds(idx, _L)] = jnp.maximum(v - tau_v, 0.0)


def _make_sc_kernel(n_rows, n_cols):
    info = plsc.get_sparse_core_info()
    nw = info.num_cores * info.num_subcores
    rows_per_w = n_rows // nw
    mesh = plsc.VectorSubcoreMesh(core_axis_name="c", subcore_axis_name="s")

    @functools.partial(
        pl.kernel,
        out_type=jax.ShapeDtypeStruct((n_rows * n_cols,), jnp.float32),
        mesh=mesh,
        scratch_types=[
            pltpu.VMEM((rows_per_w * n_cols,), jnp.float32),
            pltpu.VMEM((n_cols + _HEAD * _L,), jnp.float32),
        ] + [pltpu.SemaphoreType.DMA] * (2 * rows_per_w),
        compiler_params=pltpu.CompilerParams(needs_layout_passes=False),
    )
    def k(x_hbm, out_hbm, rows_v, cand_v, *sems):
        in_sems, out_sems = sems[:rows_per_w], sems[rows_per_w:]
        wid = lax.axis_index("s") * info.num_cores + lax.axis_index("c")
        base = wid * rows_per_w * n_cols
        in_copies = [
            pltpu.async_copy(x_hbm.at[pl.ds(base + r * n_cols, n_cols)],
                             rows_v.at[pl.ds(r * n_cols, n_cols)],
                             in_sems[r])
            for r in range(rows_per_w)
        ]
        out_copies = []
        for r in range(rows_per_w):
            in_copies[r].wait()
            _row_sparsemax(rows_v, r * n_cols, cand_v, n_cols)
            out_copies.append(
                pltpu.async_copy(rows_v.at[pl.ds(r * n_cols, n_cols)],
                                 out_hbm.at[pl.ds(base + r * n_cols, n_cols)],
                                 out_sems[r]))
        for c in out_copies:
            c.wait()

    return k


def kernel(x):
    n_rows, n_cols = x.shape
    y = _make_sc_kernel(n_rows, n_cols)(x.reshape(-1))
    return y.reshape(n_rows, n_cols)

# --- scband reference (transcript-rebuilt; emitter-appended) ---
"""Pipeline reference for scband-sparsemax-11261404250141 (READ-ONLY COPY).

The authoritative reference and input builder live on the scoring server;
editing this copy changes nothing except your own understanding.
"""

import jax, jax.numpy as jnp
import numpy as np

def setup_inputs(seed: int = 0) -> dict:
    key = jax.random.key(seed)
    x = jax.random.normal(key, (128, 8192), dtype=jnp.float32)
    return {"x": x}

def reference(x):
    # Sparsemax along dim=-1 (Martins & Astudillo, 2016)
    # 1) sort descending
    z = jnp.sort(x, axis=-1)[..., ::-1]
    # 2) cumulative sums
    cs = jnp.cumsum(z, axis=-1)
    K = z.shape[-1]
    k = jnp.arange(1, K + 1, dtype=x.dtype)
    # 3) support: 1 + k*z_k > cumsum_k
    support = (1.0 + k * z) > cs
    k_z = jnp.sum(support, axis=-1, keepdims=True)  # size of support, >= 1
    k_z_idx = (k_z - 1).astype(jnp.int32)
    # 4) threshold tau = (sum of top k_z entries - 1) / k_z
    cs_kz = jnp.take_along_axis(cs, k_z_idx, axis=-1)
    tau = (cs_kz - 1.0) / k_z.astype(x.dtype)
    # 5) project
    return jnp.maximum(x - tau, 0.0)

if __name__ == "__main__":
    import jax
    _d = setup_inputs()
    print(jax.jit(kernel)(*tuple(_d.values())))

</pallas_src>

<mosaic_0001>
#map = affine_map<(d0, d1) -> (0)>
module attributes {stable_mosaic.version = 14 : i64} {
  func.func @k(%arg0: i32, %arg1: i32, %arg2: memref<1048576xf32, #tpu.memory_space<hbm>>, %arg3: memref<1048576xf32, #tpu.memory_space<hbm>>, %arg4: memref<32768xf32, #tpu.memory_space<vmem>>, %arg5: memref<8256xf32, #tpu.memory_space<vmem>>, %arg6: memref<!tpu.dma_semaphore, #tpu.memory_space<semaphore_mem>>, %arg7: memref<!tpu.dma_semaphore, #tpu.memory_space<semaphore_mem>>, %arg8: memref<!tpu.dma_semaphore, #tpu.memory_space<semaphore_mem>>, %arg9: memref<!tpu.dma_semaphore, #tpu.memory_space<semaphore_mem>>, %arg10: memref<!tpu.dma_semaphore, #tpu.memory_space<semaphore_mem>>, %arg11: memref<!tpu.dma_semaphore, #tpu.memory_space<semaphore_mem>>, %arg12: memref<!tpu.dma_semaphore, #tpu.memory_space<semaphore_mem>>, %arg13: memref<!tpu.dma_semaphore, #tpu.memory_space<semaphore_mem>>) attributes {dimension_semantics = [#tpu.dimension_semantics<core_parallel>, #tpu.dimension_semantics<subcore_parallel>], iteration_bounds = array<i64: 2, 16>, scalar_prefetch = 0 : i64, scratch_operands = 10 : i64, tpu.core_type = #tpu.core_type<sc_vector_subcore>, window_params = [{transform_indices = #map}, {transform_indices = #map}]} {
    %mul3A = arith.constant 2 : i32
    %mul3A_0 = arith.muli %arg1, %mul3A : i32
    %add3A = arith.addi %mul3A_0, %arg0 : i32
    %mul3A_1 = arith.constant 4 : i32
    %mul3A_2 = arith.muli %add3A, %mul3A_1 : i32
    %mul3A_3 = arith.constant 8192 : i32
    %mul3A_4 = arith.muli %mul3A_2, %mul3A_3 : i32
    %add3A_5 = arith.constant 0 : i32
    %add3A_6 = arith.addi %mul3A_4, %add3A_5 : i32
    %dma_start3A = arith.constant 0 : i32
    %dma_start3A_7 = tpu.memref_slice %arg4[%dma_start3A] : memref<32768xf32, #tpu.memory_space<vmem>> -> memref<8192xf32, #tpu.memory_space<vmem>>
    %dma_start3A_8 = tpu.memref_slice %arg2[%add3A_6] : memref<1048576xf32, #tpu.memory_space<hbm>> -> memref<8192xf32, #tpu.memory_space<hbm>>
    %dma_start3A_9 = arith.constant 0 : i32
    %dma_start3A_10 = tpu.memref_slice %arg4[%dma_start3A_9] : memref<32768xf32, #tpu.memory_space<vmem>> -> memref<8192xf32, #tpu.memory_space<vmem>>
    %dma_start3A_11 = tpu.memref_slice %arg2[%add3A_6] : memref<1048576xf32, #tpu.memory_space<hbm>> -> memref<8192xf32, #tpu.memory_space<hbm>>
    tpu.enqueue_dma source(%dma_start3A_11 : memref<8192xf32, #tpu.memory_space<hbm>>) target(%dma_start3A_10 : memref<8192xf32, #tpu.memory_space<vmem>>) target_semaphore(%arg6 : memref<!tpu.dma_semaphore, #tpu.memory_space<semaphore_mem>>)
    %add3A_12 = arith.constant 8192 : i32
    %add3A_13 = arith.addi %mul3A_4, %add3A_12 : i32
    %dma_start3A_14 = arith.constant 8192 : i32
    %dma_start3A_15 = tpu.memref_slice %arg4[%dma_start3A_14] : memref<32768xf32, #tpu.memory_space<vmem>> -> memref<8192xf32, #tpu.memory_space<vmem>>
    %dma_start3A_16 = tpu.memref_slice %arg2[%add3A_13] : memref<1048576xf32, #tpu.memory_space<hbm>> -> memref<8192xf32, #tpu.memory_space<hbm>>
    %dma_start3A_17 = arith.constant 8192 : i32
    %dma_start3A_18 = tpu.memref_slice %arg4[%dma_start3A_17] : memref<32768xf32, #tpu.memory_space<vmem>> -> memref<8192xf32, #tpu.memory_space<vmem>>
    %dma_start3A_19 = tpu.memref_slice %arg2[%add3A_13] : memref<1048576xf32, #tpu.memory_space<hbm>> -> memref<8192xf32, #tpu.memory_space<hbm>>
    tpu.enqueue_dma source(%dma_start3A_19 : memref<8192xf32, #tpu.memory_space<hbm>>) target(%dma_start3A_18 : memref<8192xf32, #tpu.memory_space<vmem>>) target_semaphore(%arg7 : memref<!tpu.dma_semaphore, #tpu.memory_space<semaphore_mem>>)
    %add3A_20 = arith.constant 16384 : i32
    %add3A_21 = arith.addi %mul3A_4, %add3A_20 : i32
    %dma_start3A_22 = arith.constant 16384 : i32
    %dma_start3A_23 = tpu.memref_slice %arg4[%dma_start3A_22] : memref<32768xf32, #tpu.memory_space<vmem>> -> memref<8192xf32, #tpu.memory_space<vmem>>
    %dma_start3A_24 = tpu.memref_slice %arg2[%add3A_21] : memref<1048576xf32, #tpu.memory_space<hbm>> -> memref<8192xf32, #tpu.memory_space<hbm>>
    %dma_start3A_25 = arith.constant 16384 : i32
    %dma_start3A_26 = tpu.memref_slice %arg4[%dma_start3A_25] : memref<32768xf32, #tpu.memory_space<vmem>> -> memref<8192xf32, #tpu.memory_space<vmem>>
    %dma_start3A_27 = tpu.memref_slice %arg2[%add3A_21] : memref<1048576xf32, #tpu.memory_space<hbm>> -> memref<8192xf32, #tpu.memory_space<hbm>>
    tpu.enqueue_dma source(%dma_start3A_27 : memref<8192xf32, #tpu.memory_space<hbm>>) target(%dma_start3A_26 : memref<8192xf32, #tpu.memory_space<vmem>>) target_semaphore(%arg8 : memref<!tpu.dma_semaphore, #tpu.memory_space<semaphore_mem>>)
    %add3A_28 = arith.constant 24576 : i32
    %add3A_29 = arith.addi %mul3A_4, %add3A_28 : i32
    %dma_start3A_30 = arith.constant 24576 : i32
    %dma_start3A_31 = tpu.memref_slice %arg4[%dma_start3A_30] : memref<32768xf32, #tpu.memory_space<vmem>> -> memref<8192xf32, #tpu.memory_space<vmem>>
    %dma_start3A_32 = tpu.memref_slice %arg2[%add3A_29] : memref<1048576xf32, #tpu.memory_space<hbm>> -> memref<8192xf32, #tpu.memory_space<hbm>>
    %dma_start3A_33 = arith.constant 24576 : i32
    %dma_start3A_34 = tpu.memref_slice %arg4[%dma_start3A_33] : memref<32768xf32, #tpu.memory_space<vmem>> -> memref<8192xf32, #tpu.memory_space<vmem>>
    %dma_start3A_35 = tpu.memref_slice %arg2[%add3A_29] : memref<1048576xf32, #tpu.memory_space<hbm>> -> memref<8192xf32, #tpu.memory_space<hbm>>
    tpu.enqueue_dma source(%dma_start3A_35 : memref<8192xf32, #tpu.memory_space<hbm>>) target(%dma_start3A_34 : memref<8192xf32, #tpu.memory_space<vmem>>) target_semaphore(%arg9 : memref<!tpu.dma_semaphore, #tpu.memory_space<semaphore_mem>>)
    %dma_wait3A = arith.constant 0 : i32
    %dma_wait3A_36 = tpu.memref_slice %arg4[%dma_wait3A] : memref<32768xf32, #tpu.memory_space<vmem>> -> memref<8192xf32, #tpu.memory_space<vmem>>
    %dma_wait3A_37 = tpu.memref_slice %arg2[%add3A_6] : memref<1048576xf32, #tpu.memory_space<hbm>> -> memref<8192xf32, #tpu.memory_space<hbm>>
    %dma_wait3A_38 = arith.constant 0 : i32
    %dma_wait3A_39 = tpu.memref_slice %arg4[%dma_wait3A_38] : memref<32768xf32, #tpu.memory_space<vmem>> -> memref<8192xf32, #tpu.memory_space<vmem>>
    %dma_wait3A_40 = tpu.memref_slice %arg2[%add3A_6] : memref<1048576xf32, #tpu.memory_space<hbm>> -> memref<8192xf32, #tpu.memory_space<hbm>>
    tpu.wait_dma2 semaphore(%arg6 : memref<!tpu.dma_semaphore, #tpu.memory_space<semaphore_mem>>) src(%dma_wait3A_40 : memref<8192xf32, #tpu.memory_space<hbm>>) dst(%dma_wait3A_39 : memref<8192xf32, #tpu.memory_space<vmem>>)
    %broadcast_in_dim3A = arith.constant 0xFF800000 : f32
    %broadcast_in_dim3A_41 = vector.broadcast %broadcast_in_dim3A : f32 to vector<16xf32>
    %parallel_loop3A = arith.constant 0 : i32
    %parallel_loop3A_42 = arith.constant 512 : i32
    %parallel_loop3A_43 = arith.constant 1 : i32
    %parallel_loop3A_44 = arith.constant 0 : i32
    %parallel_loop3A_45:2 = scf.for %parallel_loop3A_573 = %parallel_loop3A to %parallel_loop3A_42 step %parallel_loop3A_43 iter_args(%parallel_loop3A_574 = %broadcast_in_dim3A_41, %parallel_loop3A_575 = %parallel_loop3A_44) -> (vector<16xf32>, i32)  : i32 {
      %parallel_loop3A_576 = arith.constant 16 : i32
      %parallel_loop3A_577 = arith.muli %parallel_loop3A_573, %parallel_loop3A_576 : i32
      %parallel_loop3A_578 = arith.constant 0 : i32
      %parallel_loop3A_579 = arith.addi %parallel_loop3A_578, %parallel_loop3A_577 : i32
      %parallel_loop3A_580 = arith.index_cast %parallel_loop3A_579 : i32 to index
      %parallel_loop3A_581 = tpu.vector_load %arg4[%parallel_loop3A_580] {strides = array<i32>} : memref<32768xf32, #tpu.memory_space<vmem>>, vector<16xf32>,
      %parallel_loop3A_582 = arith.maximumf %parallel_loop3A_574, %parallel_loop3A_581 : vector<16xf32>
      %parallel_loop3A_583 = arith.constant 1.000000e+00 : f32
      %parallel_loop3A_584 = vector.broadcast %parallel_loop3A_583 : f32 to vector<16xf32>
      %parallel_loop3A_585 = arith.subf %parallel_loop3A_582, %parallel_loop3A_584 : vector<16xf32>
      %parallel_loop3A_586 = arith.cmpf ogt, %parallel_loop3A_581, %parallel_loop3A_585 : vector<16xf32>
      %parallel_loop3A_587 = arith.index_cast %parallel_loop3A_575 : i32 to index
      %parallel_loop3A_588 = tpu.vector_load %arg5[%parallel_loop3A_587] masked %parallel_loop3A_586 {strides = array<i32>} : memref<8256xf32, #tpu.memory_space<vmem>>, vector<16xf32>, vector<16xi1>
      tpu.vector_store %arg5[%parallel_loop3A_587], %parallel_loop3A_581 masked %parallel_loop3A_586 {strides = array<i32>} : memref<8256xf32, #tpu.memory_space<vmem>>, vector<16xf32>, vector<16xi1>
      %parallel_loop3A_589 = tpu.all_reduce %parallel_loop3A_586 {dim = 0 : i64, kind = #tpu.reduction_kind<sum>} : vector<16xi1> -> vector<16xi32>
      %parallel_loop3A_590 = vector.extract_strided_slice %parallel_loop3A_589 {offsets = [0], sizes = [1], strides = [1]} : vector<16xi32> to vector<1xi32>
      %parallel_loop3A_591 = vector.extract %parallel_loop3A_590[0] : i32 from vector<1xi32>
      %parallel_loop3A_592 = arith.addi %parallel_loop3A_575, %parallel_loop3A_591 : i32
      scf.yield %parallel_loop3A_582, %parallel_loop3A_592 : vector<16xf32>, i32
    } {sc.loop_unroll_factor = 8 : i64, sc.parallel_access}
    %reduce_max3A = arith.constant true
    %reduce_max3A_46 = vector.broadcast %reduce_max3A : i1 to vector<16xi1>
    %reduce_max3A_47 = tpu.scan <max>, %parallel_loop3A_45#0 masked %reduce_max3A_46 : vector<16xf32>, vector<16xi1> -> vector<16xf32>
    %reduce_max3A_48 = vector.extract %reduce_max3A_47[15] : f32 from vector<16xf32>
    %sub3A = arith.constant 1.000000e+00 : f32
    %sub3A_49 = arith.subf %reduce_max3A_48, %sub3A : f32
    %sub3A_50 = arith.constant 1.000000e+00 : f32
    %sub3A_51 = arith.subf %sub3A_49, %sub3A_50 : f32
    %broadcast_in_dim3A_52 = vector.broadcast %sub3A_51 : f32 to vector<16xf32>
    %swap3A = arith.index_cast %parallel_loop3A_45#1 : i32 to index
    %swap3A_53 = tpu.vector_load %arg5[%swap3A] {strides = array<i32>} : memref<8256xf32, #tpu.memory_space<vmem>>, vector<16xf32>,
    tpu.vector_store %arg5[%swap3A], %broadcast_in_dim3A_52 {strides = array<i32>} : memref<8256xf32, #tpu.memory_space<vmem>>, vector<16xf32>,
    %add3A_54 = arith.constant 16 : i32
    %add3A_55 = arith.addi %parallel_loop3A_45#1, %add3A_54 : i32
    %sub3A_56 = arith.constant 1 : i32
    %sub3A_57 = arith.subi %add3A_55, %sub3A_56 : i32
    %jit3A = arith.constant 16 : i32
    %div3A = arith.divsi %sub3A_57, %jit3A : i32
    %sign3A = arith.constant 0 : i32
    %sign3A_58 = arith.cmpi sgt, %sub3A_57, %sign3A : i32
    %sign3A_59 = arith.extui %sign3A_58 : i1 to i32
    %sign3A_60 = arith.constant 0 : i32
    %sign3A_61 = arith.cmpi slt, %sub3A_57, %sign3A_60 : i32
    %sign3A_62 = arith.extui %sign3A_61 : i1 to i32
    %sign3A_63 = arith.subi %sign3A_59, %sign3A_62 : i32
    %sign3A_64 = arith.constant 0 : i32
    %sign3A_65 = arith.cmpi sgt, %jit3A, %sign3A_64 : i32
    %sign3A_66 = arith.extui %sign3A_65 : i1 to i32
    %sign3A_67 = arith.constant 0 : i32
    %sign3A_68 = arith.cmpi slt, %jit3A, %sign3A_67 : i32
    %sign3A_69 = arith.extui %sign3A_68 : i1 to i32
    %sign3A_70 = arith.subi %sign3A_66, %sign3A_69 : i32
    %ne3A = arith.cmpi ne, %sign3A_63, %sign3A_70 : i32
    %rem3A = arith.remsi %sub3A_57, %jit3A : i32
    %ne3A_71 = arith.constant 0 : i32
    %ne3A_72 = arith.cmpi ne, %rem3A, %ne3A_71 : i32
    %and3A = arith.andi %ne3A, %ne3A_72 : i1
    %sub3A_73 = arith.constant 1 : i32
    %sub3A_74 = arith.subi %div3A, %sub3A_73 : i32
    %select_n3A = arith.select %and3A, %sub3A_74, %div3A : i32
    %broadcast_in_dim3A_75 = arith.constant 0.000000e+00 : f32
    %broadcast_in_dim3A_76 = vector.broadcast %broadcast_in_dim3A_75 : f32 to vector<16xf32>
    %while3A = arith.constant 0 : i32
    %while3A_77 = arith.constant 0 : i32
    %while3A_78 = arith.subi %select_n3A, %while3A : i32
    %while3A_79 = arith.addi %while3A, %while3A_78 : i32
    %while3A_80 = arith.constant 1 : i32
    %while3A_81 = arith.divsi %while3A_78, %while3A_80 : i32
    %while3A_82 = arith.muli %while3A_81, %while3A_80 : i32
    %while3A_83 = arith.addi %while3A, %while3A_82 : i32
    %while3A_84 = arith.constant 1 : i32
    %while3A_85:2 = scf.for %while3A_573 = %while3A to %while3A_83 step %while3A_84 iter_args(%while3A_574 = %while3A_77, %while3A_575 = %broadcast_in_dim3A_76) -> (i32, vector<16xf32>)  : i32 {
      %mul3A_576 = arith.constant 16 : i32
      %mul3A_577 = arith.muli %while3A_573, %mul3A_576 : i32
      %get3A_578 = arith.index_cast %mul3A_577 : i32 to index
      %get3A_579 = tpu.vector_load %arg5[%get3A_578] {strides = array<i32>} : memref<8256xf32, #tpu.memory_space<vmem>>, vector<16xf32>,
      %gt3A = vector.broadcast %sub3A_49 : f32 to vector<16xf32>
      %gt3A_580 = arith.cmpf ogt, %get3A_579, %gt3A : vector<16xf32>
      %swap3A_581 = arith.index_cast %while3A_574 : i32 to index
      %swap3A_582 = tpu.vector_load %arg5[%swap3A_581] masked %gt3A_580 {strides = array<i32>} : memref<8256xf32, #tpu.memory_space<vmem>>, vector<16xf32>, vector<16xi1>
      tpu.vector_store %arg5[%swap3A_581], %get3A_579 masked %gt3A_580 {strides = array<i32>} : memref<8256xf32, #tpu.memory_space<vmem>>, vector<16xf32>, vector<16xi1>
      %all_reduce_population_count3A = tpu.all_reduce %gt3A_580 {dim = 0 : i64, kind = #tpu.reduction_kind<sum>} : vector<16xi1> -> vector<16xi32>
      %slice3A = vector.extract_strided_slice %all_reduce_population_count3A {offsets = [0], sizes = [1], strides = [1]} : vector<16xi32> to vector<1xi32>
      %squeeze3A = vector.extract %slice3A[0] : i32 from vector<1xi32>
      %add3A_583 = arith.addi %while3A_574, %squeeze3A : i32
      %jit3A_584 = arith.constant 0.000000e+00 : f32
      %broadcast_in_dim3A_585 = vector.broadcast %jit3A_584 : f32 to vector<16xf32>
      %select_n3A_586 = arith.select %gt3A_580, %get3A_579, %broadcast_in_dim3A_585 : vector<16xi1>, vector<16xf32>
      %add3A_587 = arith.addf %while3A_575, %select_n3A_586 : vector<16xf32>
      scf.yield %add3A_583, %add3A_587 : i32, vector<16xf32>
    }
    %while3A_86 = arith.constant 1 : i32
    %while3A_87:2 = scf.for %while3A_573 = %while3A_83 to %while3A_79 step %while3A_86 iter_args(%while3A_574 = %while3A_85#0, %while3A_575 = %while3A_85#1) -> (i32, vector<16xf32>)  : i32 {
      %mul3A_576 = arith.constant 16 : i32
      %mul3A_577 = arith.muli %while3A_573, %mul3A_576 : i32
      %get3A_578 = arith.index_cast %mul3A_577 : i32 to index
      %get3A_579 = tpu.vector_load %arg5[%get3A_578] {strides = array<i32>} : memref<8256xf32, #tpu.memory_space<vmem>>, vector<16xf32>,
      %gt3A = vector.broadcast %sub3A_49 : f32 to vector<16xf32>
      %gt3A_580 = arith.cmpf ogt, %get3A_579, %gt3A : vector<16xf32>
      %swap3A_581 = arith.index_cast %while3A_574 : i32 to index
      %swap3A_582 = tpu.vector_load %arg5[%swap3A_581] masked %gt3A_580 {strides = array<i32>} : memref<8256xf32, #tpu.memory_space<vmem>>, vector<16xf32>, vector<16xi1>
      tpu.vector_store %arg5[%swap3A_581], %get3A_579 masked %gt3A_580 {strides = array<i32>} : memref<8256xf32, #tpu.memory_space<vmem>>, vector<16xf32>, vector<16xi1>
      %all_reduce_population_count3A = tpu.all_reduce %gt3A_580 {dim = 0 : i64, kind = #tpu.reduction_kind<sum>} : vector<16xi1> -> vector<16xi32>
      %slice3A = vector.extract_strided_slice %all_reduce_population_count3A {offsets = [0], sizes = [1], strides = [1]} : vector<16xi32> to vector<1xi32>
      %squeeze3A = vector.extract %slice3A[0] : i32 from vector<1xi32>
      %add3A_583 = arith.addi %while3A_574, %squeeze3A : i32
      %jit3A_584 = arith.constant 0.000000e+00 : f32
      %broadcast_in_dim3A_585 = vector.broadcast %jit3A_584 : f32 to vector<16xf32>
      %select_n3A_586 = arith.select %gt3A_580, %get3A_579, %broadcast_in_dim3A_585 : vector<16xi1>, vector<16xf32>
      %add3A_587 = arith.addf %while3A_575, %select_n3A_586 : vector<16xf32>
      scf.yield %add3A_583, %add3A_587 : i32, vector<16xf32>
    }
    %add3A_88 = arith.constant 0 : i32
    %add3A_89 = arith.addi %while3A_87#0, %add3A_88 : i32
    %swap3A_90 = arith.index_cast %add3A_89 : i32 to index
    %swap3A_91 = tpu.vector_load %arg5[%swap3A_90] {strides = array<i32>} : memref<8256xf32, #tpu.memory_space<vmem>>, vector<16xf32>,
    tpu.vector_store %arg5[%swap3A_90], %broadcast_in_dim3A_52 {strides = array<i32>} : memref<8256xf32, #tpu.memory_space<vmem>>, vector<16xf32>,
    %add3A_92 = arith.constant 16 : i32
    %add3A_93 = arith.addi %while3A_87#0, %add3A_92 : i32
    %swap3A_94 = arith.index_cast %add3A_93 : i32 to index
    %swap3A_95 = tpu.vector_load %arg5[%swap3A_94] {strides = array<i32>} : memref<8256xf32, #tpu.memory_space<vmem>>, vector<16xf32>,
    tpu.vector_store %arg5[%swap3A_94], %broadcast_in_dim3A_52 {strides = array<i32>} : memref<8256xf32, #tpu.memory_space<vmem>>, vector<16xf32>,
    %add3A_96 = arith.constant 32 : i32
    %add3A_97 = arith.addi %while3A_87#0, %add3A_96 : i32
    %swap3A_98 = arith.index_cast %add3A_97 : i32 to index
    %swap3A_99 = tpu.vector_load %arg5[%swap3A_98] {strides = array<i32>} : memref<8256xf32, #tpu.memory_space<vmem>>, vector<16xf32>,
    tpu.vector_store %arg5[%swap3A_98], %broadcast_in_dim3A_52 {strides = array<i32>} : memref<8256xf32, #tpu.memory_space<vmem>>, vector<16xf32>,
    %add3A_100 = arith.constant 48 : i32
    %add3A_101 = arith.addi %while3A_87#0, %add3A_100 : i32
    %swap3A_102 = arith.index_cast %add3A_101 : i32 to index
    %swap3A_103 = tpu.vector_load %arg5[%swap3A_102] {strides = array<i32>} : memref<8256xf32, #tpu.memory_space<vmem>>, vector<16xf32>,
    tpu.vector_store %arg5[%swap3A_102], %broadcast_in_dim3A_52 {strides = array<i32>} : memref<8256xf32, #tpu.memory_space<vmem>>, vector<16xf32>,
    %add3A_104 = arith.constant 16 : i32
    %add3A_105 = arith.addi %while3A_87#0, %add3A_104 : i32
    %sub3A_106 = arith.constant 1 : i32
    %sub3A_107 = arith.subi %add3A_105, %sub3A_106 : i32
    %jit3A_108 = arith.constant 16 : i32
    %div3A_109 = arith.divsi %sub3A_107, %jit3A_108 : i32
    %sign3A_110 = arith.constant 0 : i32
    %sign3A_111 = arith.cmpi sgt, %sub3A_107, %sign3A_110 : i32
    %sign3A_112 = arith.extui %sign3A_111 : i1 to i32
    %sign3A_113 = arith.constant 0 : i32
    %sign3A_114 = arith.cmpi slt, %sub3A_107, %sign3A_113 : i32
    %sign3A_115 = arith.extui %sign3A_114 : i1 to i32
    %sign3A_116 = arith.subi %sign3A_112, %sign3A_115 : i32
    %sign3A_117 = arith.constant 0 : i32
    %sign3A_118 = arith.cmpi sgt, %jit3A_108, %sign3A_117 : i32
    %sign3A_119 = arith.extui %sign3A_118 : i1 to i32
    %sign3A_120 = arith.constant 0 : i32
    %sign3A_121 = arith.cmpi slt, %jit3A_108, %sign3A_120 : i32
    %sign3A_122 = arith.extui %sign3A_121 : i1 to i32
    %sign3A_123 = arith.subi %sign3A_119, %sign3A_122 : i32
    %ne3A_124 = arith.cmpi ne, %sign3A_116, %sign3A_123 : i32
    %rem3A_125 = arith.remsi %sub3A_107, %jit3A_108 : i32
    %ne3A_126 = arith.constant 0 : i32
    %ne3A_127 = arith.cmpi ne, %rem3A_125, %ne3A_126 : i32
    %and3A_128 = arith.andi %ne3A_124, %ne3A_127 : i1
    %sub3A_129 = arith.constant 1 : i32
    %sub3A_130 = arith.subi %div3A_109, %sub3A_129 : i32
    %select_n3A_131 = arith.select %and3A_128, %sub3A_130, %div3A_109 : i32
    %get3A = arith.constant 0 : index
    %get3A_132 = tpu.vector_load %arg5[%get3A] {strides = array<i32>} : memref<8256xf32, #tpu.memory_space<vmem>>, vector<16xf32>,
    %get3A_133 = arith.constant 16 : index
    %get3A_134 = tpu.vector_load %arg5[%get3A_133] {strides = array<i32>} : memref<8256xf32, #tpu.memory_space<vmem>>, vector<16xf32>,
    %get3A_135 = arith.constant 32 : index
    %get3A_136 = tpu.vector_load %arg5[%get3A_135] {strides = array<i32>} : memref<8256xf32, #tpu.memory_space<vmem>>, vector<16xf32>,
    %get3A_137 = arith.constant 48 : index
    %get3A_138 = tpu.vector_load %arg5[%get3A_137] {strides = array<i32>} : memref<8256xf32, #tpu.memory_space<vmem>>, vector<16xf32>,
    %broadcast_in_dim3A_139 = vector.broadcast %sub3A_49 : f32 to vector<16xf32>
    %while3A_140 = arith.constant -1 : i32
    %while3A_141:4 = scf.while (%while3A_573 = %broadcast_in_dim3A_139, %while3A_574 = %while3A_140, %while3A_575 = %while3A_87#0, %while3A_576 = %while3A_87#1) : (vector<16xf32>, i32, i32, vector<16xf32>) -> (vector<16xf32>, i32, i32, vector<16xf32>) {
      %ne3A_577 = arith.cmpi ne, %while3A_575, %while3A_574 : i32
      scf.condition(%ne3A_577) %while3A_573, %while3A_574, %while3A_575, %while3A_576 : vector<16xf32>, i32, i32, vector<16xf32>
    } do {
    ^bb0(%while3A_573: vector<16xf32>, %while3A_574: i32, %while3A_575: i32, %while3A_576: vector<16xf32>):
      %reduce_sum3A = arith.constant true
      %reduce_sum3A_577 = vector.broadcast %reduce_sum3A : i1 to vector<16xi1>
      %reduce_sum3A_578 = tpu.scan <sum>, %while3A_576 masked %reduce_sum3A_577 : vector<16xf32>, vector<16xi1> -> vector<16xf32>
      %reduce_sum3A_579 = vector.extract %reduce_sum3A_578[15] : f32 from vector<16xf32>
      %sub3A_580 = arith.constant 1.000000e+00 : f32
      %sub3A_581 = arith.subf %reduce_sum3A_579, %sub3A_580 : f32
      %broadcast_in_dim3A_582 = vector.broadcast %sub3A_581 : f32 to vector<16xf32>
      %convert_element_type3A = arith.sitofp %while3A_575 : i32 to f32
      %broadcast_in_dim3A_583 = vector.broadcast %convert_element_type3A : f32 to vector<16xf32>
      %div3A_584 = arith.divf %broadcast_in_dim3A_582, %broadcast_in_dim3A_583 : vector<16xf32>
      %max3A = arith.maximumf %div3A_584, %while3A_573 : vector<16xf32>
      %broadcast_in_dim3A_585 = arith.constant 0.000000e+00 : f32
      %broadcast_in_dim3A_586 = vector.broadcast %broadcast_in_dim3A_585 : f32 to vector<16xf32>
      %gt3A = arith.cmpf ogt, %get3A_132, %max3A : vector<16xf32>
      %jit3A_587 = arith.constant 0.000000e+00 : f32
      %broadcast_in_dim3A_588 = vector.broadcast %jit3A_587 : f32 to vector<16xf32>
      %select_n3A_589 = arith.select %gt3A, %get3A_132, %broadcast_in_dim3A_588 : vector<16xi1>, vector<16xf32>
      %add3A_590 = arith.addf %broadcast_in_dim3A_586, %select_n3A_589 : vector<16xf32>
      %all_reduce_population_count3A = tpu.all_reduce %gt3A {dim = 0 : i64, kind = #tpu.reduction_kind<sum>} : vector<16xi1> -> vector<16xi32>
      %slice3A = vector.extract_strided_slice %all_reduce_population_count3A {offsets = [0], sizes = [1], strides = [1]} : vector<16xi32> to vector<1xi32>
      %squeeze3A = vector.extract %slice3A[0] : i32 from vector<1xi32>
      %add3A_591 = arith.constant 0 : i32
      %add3A_592 = arith.addi %add3A_591, %squeeze3A : i32
      %gt3A_593 = arith.cmpf ogt, %get3A_134, %max3A : vector<16xf32>
      %jit3A_594 = arith.constant 0.000000e+00 : f32
      %broadcast_in_dim3A_595 = vector.broadcast %jit3A_594 : f32 to vector<16xf32>
      %select_n3A_596 = arith.select %gt3A_593, %get3A_134, %broadcast_in_dim3A_595 : vector<16xi1>, vector<16xf32>
      %add3A_597 = arith.addf %add3A_590, %select_n3A_596 : vector<16xf32>
      %all_reduce_population_count3A_598 = tpu.all_reduce %gt3A_593 {dim = 0 : i64, kind = #tpu.reduction_kind<sum>} : vector<16xi1> -> vector<16xi32>
      %slice3A_599 = vector.extract_strided_slice %all_reduce_population_count3A_598 {offsets = [0], sizes = [1], strides = [1]} : vector<16xi32> to vector<1xi32>
      %squeeze3A_600 = vector.extract %slice3A_599[0] : i32 from vector<1xi32>
      %add3A_601 = arith.addi %add3A_592, %squeeze3A_600 : i32
      %gt3A_602 = arith.cmpf ogt, %get3A_136, %max3A : vector<16xf32>
      %jit3A_603 = arith.constant 0.000000e+00 : f32
      %broadcast_in_dim3A_604 = vector.broadcast %jit3A_603 : f32 to vector<16xf32>
      %select_n3A_605 = arith.select %gt3A_602, %get3A_136, %broadcast_in_dim3A_604 : vector<16xi1>, vector<16xf32>
      %add3A_606 = arith.addf %add3A_597, %select_n3A_605 : vector<16xf32>
      %all_reduce_population_count3A_607 = tpu.all_reduce %gt3A_602 {dim = 0 : i64, kind = #tpu.reduction_kind<sum>} : vector<16xi1> -> vector<16xi32>
      %slice3A_608 = vector.extract_strided_slice %all_reduce_population_count3A_607 {offsets = [0], sizes = [1], strides = [1]} : vector<16xi32> to vector<1xi32>
      %squeeze3A_609 = vector.extract %slice3A_608[0] : i32 from vector<1xi32>
      %add3A_610 = arith.addi %add3A_601, %squeeze3A_609 : i32
      %gt3A_611 = arith.cmpf ogt, %get3A_138, %max3A : vector<16xf32>
      %jit3A_612 = arith.constant 0.000000e+00 : f32
      %broadcast_in_dim3A_613 = vector.broadcast %jit3A_612 : f32 to vector<16xf32>
      %select_n3A_614 = arith.select %gt3A_611, %get3A_138, %broadcast_in_dim3A_613 : vector<16xi1>, vector<16xf32>
      %add3A_615 = arith.addf %add3A_606, %select_n3A_614 : vector<16xf32>
      %all_reduce_population_count3A_616 = tpu.all_reduce %gt3A_611 {dim = 0 : i64, kind = #tpu.reduction_kind<sum>} : vector<16xi1> -> vector<16xi32>
      %slice3A_617 = vector.extract_strided_slice %all_reduce_population_count3A_616 {offsets = [0], sizes = [1], strides = [1]} : vector<16xi32> to vector<1xi32>
      %squeeze3A_618 = vector.extract %slice3A_617[0] : i32 from vector<1xi32>
      %add3A_619 = arith.addi %add3A_610, %squeeze3A_618 : i32
      %while3A_620 = arith.constant 4 : i32
      %while3A_621 = arith.subi %select_n3A_131, %while3A_620 : i32
      %while3A_622 = arith.addi %while3A_620, %while3A_621 : i32
      %while3A_623 = arith.constant 1 : i32
      %while3A_624 = arith.divsi %while3A_621, %while3A_623 : i32
      %while3A_625 = arith.muli %while3A_624, %while3A_623 : i32
      %while3A_626 = arith.addi %while3A_620, %while3A_625 : i32
      %while3A_627 = arith.constant 1 : i32
      %while3A_628:2 = scf.for %while3A_631 = %while3A_620 to %while3A_626 step %while3A_627 iter_args(%while3A_632 = %add3A_615, %while3A_633 = %add3A_619) -> (vector<16xf32>, i32)  : i32 {
        %mul3A_634 = arith.constant 16 : i32
        %mul3A_635 = arith.muli %while3A_631, %mul3A_634 : i32
        %get3A_636 = arith.index_cast %mul3A_635 : i32 to index
        %get3A_637 = tpu.vector_load %arg5[%get3A_636] {strides = array<i32>} : memref<8256xf32, #tpu.memory_space<vmem>>, vector<16xf32>,
        %gt3A_638 = arith.cmpf ogt, %get3A_637, %max3A : vector<16xf32>
        %jit3A_639 = arith.constant 0.000000e+00 : f32
        %broadcast_in_dim3A_640 = vector.broadcast %jit3A_639 : f32 to vector<16xf32>
        %select_n3A_641 = arith.select %gt3A_638, %get3A_637, %broadcast_in_dim3A_640 : vector<16xi1>, vector<16xf32>
        %add3A_642 = arith.addf %while3A_632, %select_n3A_641 : vector<16xf32>
        %all_reduce_population_count3A_643 = tpu.all_reduce %gt3A_638 {dim = 0 : i64, kind = #tpu.reduction_kind<sum>} : vector<16xi1> -> vector<16xi32>
        %slice3A_644 = vector.extract_strided_slice %all_reduce_population_count3A_643 {offsets = [0], sizes = [1], strides = [1]} : vector<16xi32> to vector<1xi32>
        %squeeze3A_645 = vector.extract %slice3A_644[0] : i32 from vector<1xi32>
        %add3A_646 = arith.addi %while3A_633, %squeeze3A_645 : i32
        scf.yield %add3A_642, %add3A_646 : vector<16xf32>, i32
      }
      %while3A_629 = arith.constant 1 : i32
      %while3A_630:2 = scf.for %while3A_631 = %while3A_626 to %while3A_622 step %while3A_629 iter_args(%while3A_632 = %while3A_628#0, %while3A_633 = %while3A_628#1) -> (vector<16xf32>, i32)  : i32 {
        %mul3A_634 = arith.constant 16 : i32
        %mul3A_635 = arith.muli %while3A_631, %mul3A_634 : i32
        %get3A_636 = arith.index_cast %mul3A_635 : i32 to index
        %get3A_637 = tpu.vector_load %arg5[%get3A_636] {strides = array<i32>} : memref<8256xf32, #tpu.memory_space<vmem>>, vector<16xf32>,
        %gt3A_638 = arith.cmpf ogt, %get3A_637, %max3A : vector<16xf32>
        %jit3A_639 = arith.constant 0.000000e+00 : f32
        %broadcast_in_dim3A_640 = vector.broadcast %jit3A_639 : f32 to vector<16xf32>
        %select_n3A_641 = arith.select %gt3A_638, %get3A_637, %broadcast_in_dim3A_640 : vector<16xi1>, vector<16xf32>
        %add3A_642 = arith.addf %while3A_632, %select_n3A_641 : vector<16xf32>
        %all_reduce_population_count3A_643 = tpu.all_reduce %gt3A_638 {dim = 0 : i64, kind = #tpu.reduction_kind<sum>} : vector<16xi1> -> vector<16xi32>
        %slice3A_644 = vector.extract_strided_slice %all_reduce_population_count3A_643 {offsets = [0], sizes = [1], strides = [1]} : vector<16xi32> to vector<1xi32>
        %squeeze3A_645 = vector.extract %slice3A_644[0] : i32 from vector<1xi32>
        %add3A_646 = arith.addi %while3A_633, %squeeze3A_645 : i32
        scf.yield %add3A_642, %add3A_646 : vector<16xf32>, i32
      }
      scf.yield %max3A, %while3A_575, %while3A_630#1, %while3A_630#0 : vector<16xf32>, i32, i32, vector<16xf32>
    }
    %parallel_loop3A_142 = arith.constant 0 : i32
    %parallel_loop3A_143 = arith.constant 512 : i32
    %parallel_loop3A_144 = arith.constant 1 : i32
    scf.for %parallel_loop3A_573 = %parallel_loop3A_142 to %parallel_loop3A_143 step %parallel_loop3A_144  : i32 {
      %parallel_loop3A_574 = arith.constant 16 : i32
      %parallel_loop3A_575 = arith.muli %parallel_loop3A_573, %parallel_loop3A_574 : i32
      %parallel_loop3A_576 = arith.constant 0 : i32
      %parallel_loop3A_577 = arith.addi %parallel_loop3A_576, %parallel_loop3A_575 : i32
      %parallel_loop3A_578 = arith.index_cast %parallel_loop3A_577 : i32 to index
      %parallel_loop3A_579 = tpu.vector_load %arg4[%parallel_loop3A_578] {strides = array<i32>} : memref<32768xf32, #tpu.memory_space<vmem>>, vector<16xf32>,
      %parallel_loop3A_580 = arith.subf %parallel_loop3A_579, %while3A_141#0 : vector<16xf32>
      %parallel_loop3A_581 = arith.constant 0.000000e+00 : f32
      %parallel_loop3A_582 = vector.broadcast %parallel_loop3A_581 : f32 to vector<16xf32>
      %parallel_loop3A_583 = arith.maximumf %parallel_loop3A_580, %parallel_loop3A_582 : vector<16xf32>
      %parallel_loop3A_584 = arith.index_cast %parallel_loop3A_577 : i32 to index
      %parallel_loop3A_585 = tpu.vector_load %arg4[%parallel_loop3A_584] {strides = array<i32>} : memref<32768xf32, #tpu.memory_space<vmem>>, vector<16xf32>,
      tpu.vector_store %arg4[%parallel_loop3A_584], %parallel_loop3A_583 {strides = array<i32>} : memref<32768xf32, #tpu.memory_space<vmem>>, vector<16xf32>,
    } {sc.loop_unroll_factor = 8 : i64, sc.parallel_access}
    %add3A_145 = arith.constant 0 : i32
    %add3A_146 = arith.addi %mul3A_4, %add3A_145 : i32
    %dma_start3A_147 = arith.constant 0 : i32
    %dma_start3A_148 = tpu.memref_slice %arg4[%dma_start3A_147] : memref<32768xf32, #tpu.memory_space<vmem>> -> memref<8192xf32, #tpu.memory_space<vmem>>
    %dma_start3A_149 = tpu.memref_slice %arg3[%add3A_146] : memref<1048576xf32, #tpu.memory_space<hbm>> -> memref<8192xf32, #tpu.memory_space<hbm>>
    %dma_start3A_150 = tpu.memref_slice %arg3[%add3A_146] : memref<1048576xf32, #tpu.memory_space<hbm>> -> memref<8192xf32, #tpu.memory_space<hbm>>
    %dma_start3A_151 = arith.constant 0 : i32
    %dma_start3A_152 = tpu.memref_slice %arg4[%dma_start3A_151] : memref<32768xf32, #tpu.memory_space<vmem>> -> memref<8192xf32, #tpu.memory_space<vmem>>
    tpu.enqueue_dma source(%dma_start3A_152 : memref<8192xf32, #tpu.memory_space<vmem>>) target(%dma_start3A_150 : memref<8192xf32, #tpu.memory_space<hbm>>) target_semaphore(%arg10 : memref<!tpu.dma_semaphore, #tpu.memory_space<semaphore_mem>>)
    %dma_wait3A_153 = arith.constant 8192 : i32
    %dma_wait3A_154 = tpu.memref_slice %arg4[%dma_wait3A_153] : memref<32768xf32, #tpu.memory_space<vmem>> -> memref<8192xf32, #tpu.memory_space<vmem>>
    %dma_wait3A_155 = tpu.memref_slice %arg2[%add3A_13] : memref<1048576xf32, #tpu.memory_space<hbm>> -> memref<8192xf32, #tpu.memory_space<hbm>>
    %dma_wait3A_156 = arith.constant 8192 : i32
    %dma_wait3A_157 = tpu.memref_slice %arg4[%dma_wait3A_156] : memref<32768xf32, #tpu.memory_space<vmem>> -> memref<8192xf32, #tpu.memory_space<vmem>>
    %dma_wait3A_158 = tpu.memref_slice %arg2[%add3A_13] : memref<1048576xf32, #tpu.memory_space<hbm>> -> memref<8192xf32, #tpu.memory_space<hbm>>
    tpu.wait_dma2 semaphore(%arg7 : memref<!tpu.dma_semaphore, #tpu.memory_space<semaphore_mem>>) src(%dma_wait3A_158 : memref<8192xf32, #tpu.memory_space<hbm>>) dst(%dma_wait3A_157 : memref<8192xf32, #tpu.memory_space<vmem>>)
    %broadcast_in_dim3A_159 = arith.constant 0xFF800000 : f32
    %broadcast_in_dim3A_160 = vector.broadcast %broadcast_in_dim3A_159 : f32 to vector<16xf32>
    %parallel_loop3A_161 = arith.constant 0 : i32
    %parallel_loop3A_162 = arith.constant 512 : i32
    %parallel_loop3A_163 = arith.constant 1 : i32
    %parallel_loop3A_164 = arith.constant 0 : i32
    %parallel_loop3A_165:2 = scf.for %parallel_loop3A_573 = %parallel_loop3A_161 to %parallel_loop3A_162 step %parallel_loop3A_163 iter_args(%parallel_loop3A_574 = %broadcast_in_dim3A_160, %parallel_loop3A_575 = %parallel_loop3A_164) -> (vector<16xf32>, i32)  : i32 {
      %parallel_loop3A_576 = arith.constant 16 : i32
      %parallel_loop3A_577 = arith.muli %parallel_loop3A_573, %parallel_loop3A_576 : i32
      %parallel_loop3A_578 = arith.constant 8192 : i32
      %parallel_loop3A_579 = arith.addi %parallel_loop3A_578, %parallel_loop3A_577 : i32
      %parallel_loop3A_580 = arith.index_cast %parallel_loop3A_579 : i32 to index
      %parallel_loop3A_581 = tpu.vector_load %arg4[%parallel_loop3A_580] {strides = array<i32>} : memref<32768xf32, #tpu.memory_space<vmem>>, vector<16xf32>,
      %parallel_loop3A_582 = arith.maximumf %parallel_loop3A_574, %parallel_loop3A_581 : vector<16xf32>
      %parallel_loop3A_583 = arith.constant 1.000000e+00 : f32
      %parallel_loop3A_584 = vector.broadcast %parallel_loop3A_583 : f32 to vector<16xf32>
      %parallel_loop3A_585 = arith.subf %parallel_loop3A_582, %parallel_loop3A_584 : vector<16xf32>
      %parallel_loop3A_586 = arith.cmpf ogt, %parallel_loop3A_581, %parallel_loop3A_585 : vector<16xf32>
      %parallel_loop3A_587 = arith.index_cast %parallel_loop3A_575 : i32 to index
      %parallel_loop3A_588 = tpu.vector_load %arg5[%parallel_loop3A_587] masked %parallel_loop3A_586 {strides = array<i32>} : memref<8256xf32, #tpu.memory_space<vmem>>, vector<16xf32>, vector<16xi1>
      tpu.vector_store %arg5[%parallel_loop3A_587], %parallel_loop3A_581 masked %parallel_loop3A_586 {strides = array<i32>} : memref<8256xf32, #tpu.memory_space<vmem>>, vector<16xf32>, vector<16xi1>
      %parallel_loop3A_589 = tpu.all_reduce %parallel_loop3A_586 {dim = 0 : i64, kind = #tpu.reduction_kind<sum>} : vector<16xi1> -> vector<16xi32>
      %parallel_loop3A_590 = vector.extract_strided_slice %parallel_loop3A_589 {offsets = [0], sizes = [1], strides = [1]} : vector<16xi32> to vector<1xi32>
      %parallel_loop3A_591 = vector.extract %parallel_loop3A_590[0] : i32 from vector<1xi32>
      %parallel_loop3A_592 = arith.addi %parallel_loop3A_575, %parallel_loop3A_591 : i32
      scf.yield %parallel_loop3A_582, %parallel_loop3A_592 : vector<16xf32>, i32
    } {sc.loop_unroll_factor = 8 : i64, sc.parallel_access}
    %reduce_max3A_166 = arith.constant true
    %reduce_max3A_167 = vector.broadcast %reduce_max3A_166 : i1 to vector<16xi1>
    %reduce_max3A_168 = tpu.scan <max>, %parallel_loop3A_165#0 masked %reduce_max3A_167 : vector<16xf32>, vector<16xi1> -> vector<16xf32>
    %reduce_max3A_169 = vector.extract %reduce_max3A_168[15] : f32 from vector<16xf32>
    %sub3A_170 = arith.constant 1.000000e+00 : f32
    %sub3A_171 = arith.subf %reduce_max3A_169, %sub3A_170 : f32
    %sub3A_172 = arith.constant 1.000000e+00 : f32
    %sub3A_173 = arith.subf %sub3A_171, %sub3A_172 : f32
    %broadcast_in_dim3A_174 = vector.broadcast %sub3A_173 : f32 to vector<16xf32>
    %swap3A_175 = arith.index_cast %parallel_loop3A_165#1 : i32 to index
    %swap3A_176 = tpu.vector_load %arg5[%swap3A_175] {strides = array<i32>} : memref<8256xf32, #tpu.memory_space<vmem>>, vector<16xf32>,
    tpu.vector_store %arg5[%swap3A_175], %broadcast_in_dim3A_174 {strides = array<i32>} : memref<8256xf32, #tpu.memory_space<vmem>>, vector<16xf32>,
    %add3A_177 = arith.constant 16 : i32
    %add3A_178 = arith.addi %parallel_loop3A_165#1, %add3A_177 : i32
    %sub3A_179 = arith.constant 1 : i32
    %sub3A_180 = arith.subi %add3A_178, %sub3A_179 : i32
    %jit3A_181 = arith.constant 16 : i32
    %div3A_182 = arith.divsi %sub3A_180, %jit3A_181 : i32
    %sign3A_183 = arith.constant 0 : i32
    %sign3A_184 = arith.cmpi sgt, %sub3A_180, %sign3A_183 : i32
    %sign3A_185 = arith.extui %sign3A_184 : i1 to i32
    %sign3A_186 = arith.constant 0 : i32
    %sign3A_187 = arith.cmpi slt, %sub3A_180, %sign3A_186 : i32
    %sign3A_188 = arith.extui %sign3A_187 : i1 to i32
    %sign3A_189 = arith.subi %sign3A_185, %sign3A_188 : i32
    %sign3A_190 = arith.constant 0 : i32
    %sign3A_191 = arith.cmpi sgt, %jit3A_181, %sign3A_190 : i32
    %sign3A_192 = arith.extui %sign3A_191 : i1 to i32
    %sign3A_193 = arith.constant 0 : i32
    %sign3A_194 = arith.cmpi slt, %jit3A_181, %sign3A_193 : i32
    %sign3A_195 = arith.extui %sign3A_194 : i1 to i32
    %sign3A_196 = arith.subi %sign3A_192, %sign3A_195 : i32
    %ne3A_197 = arith.cmpi ne, %sign3A_189, %sign3A_196 : i32
    %rem3A_198 = arith.remsi %sub3A_180, %jit3A_181 : i32
    %ne3A_199 = arith.constant 0 : i32
    %ne3A_200 = arith.cmpi ne, %rem3A_198, %ne3A_199 : i32
    %and3A_201 = arith.andi %ne3A_197, %ne3A_200 : i1
    %sub3A_202 = arith.constant 1 : i32
    %sub3A_203 = arith.subi %div3A_182, %sub3A_202 : i32
    %select_n3A_204 = arith.select %and3A_201, %sub3A_203, %div3A_182 : i32
    %broadcast_in_dim3A_205 = arith.constant 0.000000e+00 : f32
    %broadcast_in_dim3A_206 = vector.broadcast %broadcast_in_dim3A_205 : f32 to vector<16xf32>
    %while3A_207 = arith.constant 0 : i32
    %while3A_208 = arith.constant 0 : i32
    %while3A_209 = arith.subi %select_n3A_204, %while3A_207 : i32
    %while3A_210 = arith.addi %while3A_207, %while3A_209 : i32
    %while3A_211 = arith.constant 1 : i32
    %while3A_212 = arith.divsi %while3A_209, %while3A_211 : i32
    %while3A_213 = arith.muli %while3A_212, %while3A_211 : i32
    %while3A_214 = arith.addi %while3A_207, %while3A_213 : i32
    %while3A_215 = arith.constant 1 : i32
    %while3A_216:2 = scf.for %while3A_573 = %while3A_207 to %while3A_214 step %while3A_215 iter_args(%while3A_574 = %while3A_208, %while3A_575 = %broadcast_in_dim3A_206) -> (i32, vector<16xf32>)  : i32 {
      %mul3A_576 = arith.constant 16 : i32
      %mul3A_577 = arith.muli %while3A_573, %mul3A_576 : i32
      %get3A_578 = arith.index_cast %mul3A_577 : i32 to index
      %get3A_579 = tpu.vector_load %arg5[%get3A_578] {strides = array<i32>} : memref<8256xf32, #tpu.memory_space<vmem>>, vector<16xf32>,
      %gt3A = vector.broadcast %sub3A_171 : f32 to vector<16xf32>
      %gt3A_580 = arith.cmpf ogt, %get3A_579, %gt3A : vector<16xf32>
      %swap3A_581 = arith.index_cast %while3A_574 : i32 to index
      %swap3A_582 = tpu.vector_load %arg5[%swap3A_581] masked %gt3A_580 {strides = array<i32>} : memref<8256xf32, #tpu.memory_space<vmem>>, vector<16xf32>, vector<16xi1>
      tpu.vector_store %arg5[%swap3A_581], %get3A_579 masked %gt3A_580 {strides = array<i32>} : memref<8256xf32, #tpu.memory_space<vmem>>, vector<16xf32>, vector<16xi1>
      %all_reduce_population_count3A = tpu.all_reduce %gt3A_580 {dim = 0 : i64, kind = #tpu.reduction_kind<sum>} : vector<16xi1> -> vector<16xi32>
      %slice3A = vector.extract_strided_slice %all_reduce_population_count3A {offsets = [0], sizes = [1], strides = [1]} : vector<16xi32> to vector<1xi32>
      %squeeze3A = vector.extract %slice3A[0] : i32 from vector<1xi32>
      %add3A_583 = arith.addi %while3A_574, %squeeze3A : i32
      %jit3A_584 = arith.constant 0.000000e+00 : f32
      %broadcast_in_dim3A_585 = vector.broadcast %jit3A_584 : f32 to vector<16xf32>
      %select_n3A_586 = arith.select %gt3A_580, %get3A_579, %broadcast_in_dim3A_585 : vector<16xi1>, vector<16xf32>
      %add3A_587 = arith.addf %while3A_575, %select_n3A_586 : vector<16xf32>
      scf.yield %add3A_583, %add3A_587 : i32, vector<16xf32>
    }
    %while3A_217 = arith.constant 1 : i32
    %while3A_218:2 = scf.for %while3A_573 = %while3A_214 to %while3A_210 step %while3A_217 iter_args(%while3A_574 = %while3A_216#0, %while3A_575 = %while3A_216#1) -> (i32, vector<16xf32>)  : i32 {
      %mul3A_576 = arith.constant 16 : i32
      %mul3A_577 = arith.muli %while3A_573, %mul3A_576 : i32
      %get3A_578 = arith.index_cast %mul3A_577 : i32 to index
      %get3A_579 = tpu.vector_load %arg5[%get3A_578] {strides = array<i32>} : memref<8256xf32, #tpu.memory_space<vmem>>, vector<16xf32>,
      %gt3A = vector.broadcast %sub3A_171 : f32 to vector<16xf32>
      %gt3A_580 = arith.cmpf ogt, %get3A_579, %gt3A : vector<16xf32>
      %swap3A_581 = arith.index_cast %while3A_574 : i32 to index
      %swap3A_582 = tpu.vector_load %arg5[%swap3A_581] masked %gt3A_580 {strides = array<i32>} : memref<8256xf32, #tpu.memory_space<vmem>>, vector<16xf32>, vector<16xi1>
      tpu.vector_store %arg5[%swap3A_581], %get3A_579 masked %gt3A_580 {strides = array<i32>} : memref<8256xf32, #tpu.memory_space<vmem>>, vector<16xf32>, vector<16xi1>
      %all_reduce_population_count3A = tpu.all_reduce %gt3A_580 {dim = 0 : i64, kind = #tpu.reduction_kind<sum>} : vector<16xi1> -> vector<16xi32>
      %slice3A = vector.extract_strided_slice %all_reduce_population_count3A {offsets = [0], sizes = [1], strides = [1]} : vector<16xi32> to vector<1xi32>
      %squeeze3A = vector.extract %slice3A[0] : i32 from vector<1xi32>
      %add3A_583 = arith.addi %while3A_574, %squeeze3A : i32
      %jit3A_584 = arith.constant 0.000000e+00 : f32
      %broadcast_in_dim3A_585 = vector.broadcast %jit3A_584 : f32 to vector<16xf32>
      %select_n3A_586 = arith.select %gt3A_580, %get3A_579, %broadcast_in_dim3A_585 : vector<16xi1>, vector<16xf32>
      %add3A_587 = arith.addf %while3A_575, %select_n3A_586 : vector<16xf32>
      scf.yield %add3A_583, %add3A_587 : i32, vector<16xf32>
    }
    %add3A_219 = arith.constant 0 : i32
    %add3A_220 = arith.addi %while3A_218#0, %add3A_219 : i32
    %swap3A_221 = arith.index_cast %add3A_220 : i32 to index
    %swap3A_222 = tpu.vector_load %arg5[%swap3A_221] {strides = array<i32>} : memref<8256xf32, #tpu.memory_space<vmem>>, vector<16xf32>,
    tpu.vector_store %arg5[%swap3A_221], %broadcast_in_dim3A_174 {strides = array<i32>} : memref<8256xf32, #tpu.memory_space<vmem>>, vector<16xf32>,
    %add3A_223 = arith.constant 16 : i32
    %add3A_224 = arith.addi %while3A_218#0, %add3A_223 : i32
    %swap3A_225 = arith.index_cast %add3A_224 : i32 to index
    %swap3A_226 = tpu.vector_load %arg5[%swap3A_225] {strides = array<i32>} : memref<8256xf32, #tpu.memory_space<vmem>>, vector<16xf32>,
    tpu.vector_store %arg5[%swap3A_225], %broadcast_in_dim3A_174 {strides = array<i32>} : memref<8256xf32, #tpu.memory_space<vmem>>, vector<16xf32>,
    %add3A_227 = arith.constant 32 : i32
    %add3A_228 = arith.addi %while3A_218#0, %add3A_227 : i32
    %swap3A_229 = arith.index_cast %add3A_228 : i32 to index
    %swap3A_230 = tpu.vector_load %arg5[%swap3A_229] {strides = array<i32>} : memref<8256xf32, #tpu.memory_space<vmem>>, vector<16xf32>,
    tpu.vector_store %arg5[%swap3A_229], %broadcast_in_dim3A_174 {strides = array<i32>} : memref<8256xf32, #tpu.memory_space<vmem>>, vector<16xf32>,
    %add3A_231 = arith.constant 48 : i32
    %add3A_232 = arith.addi %while3A_218#0, %add3A_231 : i32
    %swap3A_233 = arith.index_cast %add3A_232 : i32 to index
    %swap3A_234 = tpu.vector_load %arg5[%swap3A_233] {strides = array<i32>} : memref<8256xf32, #tpu.memory_space<vmem>>, vector<16xf32>,
    tpu.vector_store %arg5[%swap3A_233], %broadcast_in_dim3A_174 {strides = array<i32>} : memref<8256xf32, #tpu.memory_space<vmem>>, vector<16xf32>,
    %add3A_235 = arith.constant 16 : i32
    %add3A_236 = arith.addi %while3A_218#0, %add3A_235 : i32
    %sub3A_237 = arith.constant 1 : i32
    %sub3A_238 = arith.subi %add3A_236, %sub3A_237 : i32
    %jit3A_239 = arith.constant 16 : i32
    %div3A_240 = arith.divsi %sub3A_238, %jit3A_239 : i32
    %sign3A_241 = arith.constant 0 : i32
    %sign3A_242 = arith.cmpi sgt, %sub3A_238, %sign3A_241 : i32
    %sign3A_243 = arith.extui %sign3A_242 : i1 to i32
    %sign3A_244 = arith.constant 0 : i32
    %sign3A_245 = arith.cmpi slt, %sub3A_238, %sign3A_244 : i32
    %sign3A_246 = arith.extui %sign3A_245 : i1 to i32
    %sign3A_247 = arith.subi %sign3A_243, %sign3A_246 : i32
    %sign3A_248 = arith.constant 0 : i32
    %sign3A_249 = arith.cmpi sgt, %jit3A_239, %sign3A_248 : i32
    %sign3A_250 = arith.extui %sign3A_249 : i1 to i32
    %sign3A_251 = arith.constant 0 : i32
    %sign3A_252 = arith.cmpi slt, %jit3A_239, %sign3A_251 : i32
    %sign3A_253 = arith.extui %sign3A_252 : i1 to i32
    %sign3A_254 = arith.subi %sign3A_250, %sign3A_253 : i32
    %ne3A_255 = arith.cmpi ne, %sign3A_247, %sign3A_254 : i32
    %rem3A_256 = arith.remsi %sub3A_238, %jit3A_239 : i32
    %ne3A_257 = arith.constant 0 : i32
    %ne3A_258 = arith.cmpi ne, %rem3A_256, %ne3A_257 : i32
    %and3A_259 = arith.andi %ne3A_255, %ne3A_258 : i1
    %sub3A_260 = arith.constant 1 : i32
    %sub3A_261 = arith.subi %div3A_240, %sub3A_260 : i32
    %select_n3A_262 = arith.select %and3A_259, %sub3A_261, %div3A_240 : i32
    %get3A_263 = arith.constant 0 : index
    %get3A_264 = tpu.vector_load %arg5[%get3A_263] {strides = array<i32>} : memref<8256xf32, #tpu.memory_space<vmem>>, vector<16xf32>,
    %get3A_265 = arith.constant 16 : index
    %get3A_266 = tpu.vector_load %arg5[%get3A_265] {strides = array<i32>} : memref<8256xf32, #tpu.memory_space<vmem>>, vector<16xf32>,
    %get3A_267 = arith.constant 32 : index
    %get3A_268 = tpu.vector_load %arg5[%get3A_267] {strides = array<i32>} : memref<8256xf32, #tpu.memory_space<vmem>>, vector<16xf32>,
    %get3A_269 = arith.constant 48 : index
    %get3A_270 = tpu.vector_load %arg5[%get3A_269] {strides = array<i32>} : memref<8256xf32, #tpu.memory_space<vmem>>, vector<16xf32>,
    %broadcast_in_dim3A_271 = vector.broadcast %sub3A_171 : f32 to vector<16xf32>
    %while3A_272 = arith.constant -1 : i32
    %while3A_273:4 = scf.while (%while3A_573 = %broadcast_in_dim3A_271, %while3A_574 = %while3A_272, %while3A_575 = %while3A_218#0, %while3A_576 = %while3A_218#1) : (vector<16xf32>, i32, i32, vector<16xf32>) -> (vector<16xf32>, i32, i32, vector<16xf32>) {
      %ne3A_577 = arith.cmpi ne, %while3A_575, %while3A_574 : i32
      scf.condition(%ne3A_577) %while3A_573, %while3A_574, %while3A_575, %while3A_576 : vector<16xf32>, i32, i32, vector<16xf32>
    } do {
    ^bb0(%while3A_573: vector<16xf32>, %while3A_574: i32, %while3A_575: i32, %while3A_576: vector<16xf32>):
      %reduce_sum3A = arith.constant true
      %reduce_sum3A_577 = vector.broadcast %reduce_sum3A : i1 to vector<16xi1>
      %reduce_sum3A_578 = tpu.scan <sum>, %while3A_576 masked %reduce_sum3A_577 : vector<16xf32>, vector<16xi1> -> vector<16xf32>
      %reduce_sum3A_579 = vector.extract %reduce_sum3A_578[15] : f32 from vector<16xf32>
      %sub3A_580 = arith.constant 1.000000e+00 : f32
      %sub3A_581 = arith.subf %reduce_sum3A_579, %sub3A_580 : f32
      %broadcast_in_dim3A_582 = vector.broadcast %sub3A_581 : f32 to vector<16xf32>
      %convert_element_type3A = arith.sitofp %while3A_575 : i32 to f32
      %broadcast_in_dim3A_583 = vector.broadcast %convert_element_type3A : f32 to vector<16xf32>
      %div3A_584 = arith.divf %broadcast_in_dim3A_582, %broadcast_in_dim3A_583 : vector<16xf32>
      %max3A = arith.maximumf %div3A_584, %while3A_573 : vector<16xf32>
      %broadcast_in_dim3A_585 = arith.constant 0.000000e+00 : f32
      %broadcast_in_dim3A_586 = vector.broadcast %broadcast_in_dim3A_585 : f32 to vector<16xf32>
      %gt3A = arith.cmpf ogt, %get3A_264, %max3A : vector<16xf32>
      %jit3A_587 = arith.constant 0.000000e+00 : f32
      %broadcast_in_dim3A_588 = vector.broadcast %jit3A_587 : f32 to vector<16xf32>
      %select_n3A_589 = arith.select %gt3A, %get3A_264, %broadcast_in_dim3A_588 : vector<16xi1>, vector<16xf32>
      %add3A_590 = arith.addf %broadcast_in_dim3A_586, %select_n3A_589 : vector<16xf32>
      %all_reduce_population_count3A = tpu.all_reduce %gt3A {dim = 0 : i64, kind = #tpu.reduction_kind<sum>} : vector<16xi1> -> vector<16xi32>
      %slice3A = vector.extract_strided_slice %all_reduce_population_count3A {offsets = [0], sizes = [1], strides = [1]} : vector<16xi32> to vector<1xi32>
      %squeeze3A = vector.extract %slice3A[0] : i32 from vector<1xi32>
      %add3A_591 = arith.constant 0 : i32
      %add3A_592 = arith.addi %add3A_591, %squeeze3A : i32
      %gt3A_593 = arith.cmpf ogt, %get3A_266, %max3A : vector<16xf32>
      %jit3A_594 = arith.constant 0.000000e+00 : f32
      %broadcast_in_dim3A_595 = vector.broadcast %jit3A_594 : f32 to vector<16xf32>
      %select_n3A_596 = arith.select %gt3A_593, %get3A_266, %broadcast_in_dim3A_595 : vector<16xi1>, vector<16xf32>
      %add3A_597 = arith.addf %add3A_590, %select_n3A_596 : vector<16xf32>
      %all_reduce_population_count3A_598 = tpu.all_reduce %gt3A_593 {dim = 0 : i64, kind = #tpu.reduction_kind<sum>} : vector<16xi1> -> vector<16xi32>
      %slice3A_599 = vector.extract_strided_slice %all_reduce_population_count3A_598 {offsets = [0], sizes = [1], strides = [1]} : vector<16xi32> to vector<1xi32>
      %squeeze3A_600 = vector.extract %slice3A_599[0] : i32 from vector<1xi32>
      %add3A_601 = arith.addi %add3A_592, %squeeze3A_600 : i32
      %gt3A_602 = arith.cmpf ogt, %get3A_268, %max3A : vector<16xf32>
      %jit3A_603 = arith.constant 0.000000e+00 : f32
      %broadcast_in_dim3A_604 = vector.broadcast %jit3A_603 : f32 to vector<16xf32>
      %select_n3A_605 = arith.select %gt3A_602, %get3A_268, %broadcast_in_dim3A_604 : vector<16xi1>, vector<16xf32>
      %add3A_606 = arith.addf %add3A_597, %select_n3A_605 : vector<16xf32>
      %all_reduce_population_count3A_607 = tpu.all_reduce %gt3A_602 {dim = 0 : i64, kind = #tpu.reduction_kind<sum>} : vector<16xi1> -> vector<16xi32>
      %slice3A_608 = vector.extract_strided_slice %all_reduce_population_count3A_607 {offsets = [0], sizes = [1], strides = [1]} : vector<16xi32> to vector<1xi32>
      %squeeze3A_609 = vector.extract %slice3A_608[0] : i32 from vector<1xi32>
      %add3A_610 = arith.addi %add3A_601, %squeeze3A_609 : i32
      %gt3A_611 = arith.cmpf ogt, %get3A_270, %max3A : vector<16xf32>
      %jit3A_612 = arith.constant 0.000000e+00 : f32
      %broadcast_in_dim3A_613 = vector.broadcast %jit3A_612 : f32 to vector<16xf32>
      %select_n3A_614 = arith.select %gt3A_611, %get3A_270, %broadcast_in_dim3A_613 : vector<16xi1>, vector<16xf32>
      %add3A_615 = arith.addf %add3A_606, %select_n3A_614 : vector<16xf32>
      %all_reduce_population_count3A_616 = tpu.all_reduce %gt3A_611 {dim = 0 : i64, kind = #tpu.reduction_kind<sum>} : vector<16xi1> -> vector<16xi32>
      %slice3A_617 = vector.extract_strided_slice %all_reduce_population_count3A_616 {offsets = [0], sizes = [1], strides = [1]} : vector<16xi32> to vector<1xi32>
      %squeeze3A_618 = vector.extract %slice3A_617[0] : i32 from vector<1xi32>
      %add3A_619 = arith.addi %add3A_610, %squeeze3A_618 : i32
      %while3A_620 = arith.constant 4 : i32
      %while3A_621 = arith.subi %select_n3A_262, %while3A_620 : i32
      %while3A_622 = arith.addi %while3A_620, %while3A_621 : i32
      %while3A_623 = arith.constant 1 : i32
      %while3A_624 = arith.divsi %while3A_621, %while3A_623 : i32
      %while3A_625 = arith.muli %while3A_624, %while3A_623 : i32
      %while3A_626 = arith.addi %while3A_620, %while3A_625 : i32
      %while3A_627 = arith.constant 1 : i32
      %while3A_628:2 = scf.for %while3A_631 = %while3A_620 to %while3A_626 step %while3A_627 iter_args(%while3A_632 = %add3A_615, %while3A_633 = %add3A_619) -> (vector<16xf32>, i32)  : i32 {
        %mul3A_634 = arith.constant 16 : i32
        %mul3A_635 = arith.muli %while3A_631, %mul3A_634 : i32
        %get3A_636 = arith.index_cast %mul3A_635 : i32 to index
        %get3A_637 = tpu.vector_load %arg5[%get3A_636] {strides = array<i32>} : memref<8256xf32, #tpu.memory_space<vmem>>, vector<16xf32>,
        %gt3A_638 = arith.cmpf ogt, %get3A_637, %max3A : vector<16xf32>
        %jit3A_639 = arith.constant 0.000000e+00 : f32
        %broadcast_in_dim3A_640 = vector.broadcast %jit3A_639 : f32 to vector<16xf32>
        %select_n3A_641 = arith.select %gt3A_638, %get3A_637, %broadcast_in_dim3A_640 : vector<16xi1>, vector<16xf32>
        %add3A_642 = arith.addf %while3A_632, %select_n3A_641 : vector<16xf32>
        %all_reduce_population_count3A_643 = tpu.all_reduce %gt3A_638 {dim = 0 : i64, kind = #tpu.reduction_kind<sum>} : vector<16xi1> -> vector<16xi32>
        %slice3A_644 = vector.extract_strided_slice %all_reduce_population_count3A_643 {offsets = [0], sizes = [1], strides = [1]} : vector<16xi32> to vector<1xi32>
        %squeeze3A_645 = vector.extract %slice3A_644[0] : i32 from vector<1xi32>
        %add3A_646 = arith.addi %while3A_633, %squeeze3A_645 : i32
        scf.yield %add3A_642, %add3A_646 : vector<16xf32>, i32
      }
      %while3A_629 = arith.constant 1 : i32
      %while3A_630:2 = scf.for %while3A_631 = %while3A_626 to %while3A_622 step %while3A_629 iter_args(%while3A_632 = %while3A_628#0, %while3A_633 = %while3A_628#1) -> (vector<16xf32>, i32)  : i32 {
        %mul3A_634 = arith.constant 16 : i32
        %mul3A_635 = arith.muli %while3A_631, %mul3A_634 : i32
        %get3A_636 = arith.index_cast %mul3A_635 : i32 to index
        %get3A_637 = tpu.vector_load %arg5[%get3A_636] {strides = array<i32>} : memref<8256xf32, #tpu.memory_space<vmem>>, vector<16xf32>,
        %gt3A_638 = arith.cmpf ogt, %get3A_637, %max3A : vector<16xf32>
        %jit3A_639 = arith.constant 0.000000e+00 : f32
        %broadcast_in_dim3A_640 = vector.broadcast %jit3A_639 : f32 to vector<16xf32>
        %select_n3A_641 = arith.select %gt3A_638, %get3A_637, %broadcast_in_dim3A_640 : vector<16xi1>, vector<16xf32>
        %add3A_642 = arith.addf %while3A_632, %select_n3A_641 : vector<16xf32>
        %all_reduce_population_count3A_643 = tpu.all_reduce %gt3A_638 {dim = 0 : i64, kind = #tpu.reduction_kind<sum>} : vector<16xi1> -> vector<16xi32>
        %slice3A_644 = vector.extract_strided_slice %all_reduce_population_count3A_643 {offsets = [0], sizes = [1], strides = [1]} : vector<16xi32> to vector<1xi32>
        %squeeze3A_645 = vector.extract %slice3A_644[0] : i32 from vector<1xi32>
        %add3A_646 = arith.addi %while3A_633, %squeeze3A_645 : i32
        scf.yield %add3A_642, %add3A_646 : vector<16xf32>, i32
      }
      scf.yield %max3A, %while3A_575, %while3A_630#1, %while3A_630#0 : vector<16xf32>, i32, i32, vector<16xf32>
    }
    %parallel_loop3A_274 = arith.constant 0 : i32
    %parallel_loop3A_275 = arith.constant 512 : i32
    %parallel_loop3A_276 = arith.constant 1 : i32
    scf.for %parallel_loop3A_573 = %parallel_loop3A_274 to %parallel_loop3A_275 step %parallel_loop3A_276  : i32 {
      %parallel_loop3A_574 = arith.constant 16 : i32
      %parallel_loop3A_575 = arith.muli %parallel_loop3A_573, %parallel_loop3A_574 : i32
      %parallel_loop3A_576 = arith.constant 8192 : i32
      %parallel_loop3A_577 = arith.addi %parallel_loop3A_576, %parallel_loop3A_575 : i32
      %parallel_loop3A_578 = arith.index_cast %parallel_loop3A_577 : i32 to index
      %parallel_loop3A_579 = tpu.vector_load %arg4[%parallel_loop3A_578] {strides = array<i32>} : memref<32768xf32, #tpu.memory_space<vmem>>, vector<16xf32>,
      %parallel_loop3A_580 = arith.subf %parallel_loop3A_579, %while3A_273#0 : vector<16xf32>
      %parallel_loop3A_581 = arith.constant 0.000000e+00 : f32
      %parallel_loop3A_582 = vector.broadcast %parallel_loop3A_581 : f32 to vector<16xf32>
      %parallel_loop3A_583 = arith.maximumf %parallel_loop3A_580, %parallel_loop3A_582 : vector<16xf32>
      %parallel_loop3A_584 = arith.index_cast %parallel_loop3A_577 : i32 to index
      %parallel_loop3A_585 = tpu.vector_load %arg4[%parallel_loop3A_584] {strides = array<i32>} : memref<32768xf32, #tpu.memory_space<vmem>>, vector<16xf32>,
      tpu.vector_store %arg4[%parallel_loop3A_584], %parallel_loop3A_583 {strides = array<i32>} : memref<32768xf32, #tpu.memory_space<vmem>>, vector<16xf32>,
    } {sc.loop_unroll_factor = 8 : i64, sc.parallel_access}
    %add3A_277 = arith.constant 8192 : i32
    %add3A_278 = arith.addi %mul3A_4, %add3A_277 : i32
    %dma_start3A_279 = arith.constant 8192 : i32
    %dma_start3A_280 = tpu.memref_slice %arg4[%dma_start3A_279] : memref<32768xf32, #tpu.memory_space<vmem>> -> memref<8192xf32, #tpu.memory_space<vmem>>
    %dma_start3A_281 = tpu.memref_slice %arg3[%add3A_278] : memref<1048576xf32, #tpu.memory_space<hbm>> -> memref<8192xf32, #tpu.memory_space<hbm>>
    %dma_start3A_282 = tpu.memref_slice %arg3[%add3A_278] : memref<1048576xf32, #tpu.memory_space<hbm>> -> memref<8192xf32, #tpu.memory_space<hbm>>
    %dma_start3A_283 = arith.constant 8192 : i32
    %dma_start3A_284 = tpu.memref_slice %arg4[%dma_start3A_283] : memref<32768xf32, #tpu.memory_space<vmem>> -> memref<8192xf32, #tpu.memory_space<vmem>>
    tpu.enqueue_dma source(%dma_start3A_284 : memref<8192xf32, #tpu.memory_space<vmem>>) target(%dma_start3A_282 : memref<8192xf32, #tpu.memory_space<hbm>>) target_semaphore(%arg11 : memref<!tpu.dma_semaphore, #tpu.memory_space<semaphore_mem>>)
    %dma_wait3A_285 = arith.constant 16384 : i32
    %dma_wait3A_286 = tpu.memref_slice %arg4[%dma_wait3A_285] : memref<32768xf32, #tpu.memory_space<vmem>> -> memref<8192xf32, #tpu.memory_space<vmem>>
    %dma_wait3A_287 = tpu.memref_slice %arg2[%add3A_21] : memref<1048576xf32, #tpu.memory_space<hbm>> -> memref<8192xf32, #tpu.memory_space<hbm>>
    %dma_wait3A_288 = arith.constant 16384 : i32
    %dma_wait3A_289 = tpu.memref_slice %arg4[%dma_wait3A_288] : memref<32768xf32, #tpu.memory_space<vmem>> -> memref<8192xf32, #tpu.memory_space<vmem>>
    %dma_wait3A_290 = tpu.memref_slice %arg2[%add3A_21] : memref<1048576xf32, #tpu.memory_space<hbm>> -> memref<8192xf32, #tpu.memory_space<hbm>>
    tpu.wait_dma2 semaphore(%arg8 : memref<!tpu.dma_semaphore, #tpu.memory_space<semaphore_mem>>) src(%dma_wait3A_290 : memref<8192xf32, #tpu.memory_space<hbm>>) dst(%dma_wait3A_289 : memref<8192xf32, #tpu.memory_space<vmem>>)
    %broadcast_in_dim3A_291 = arith.constant 0xFF800000 : f32
    %broadcast_in_dim3A_292 = vector.broadcast %broadcast_in_dim3A_291 : f32 to vector<16xf32>
    %parallel_loop3A_293 = arith.constant 0 : i32
    %parallel_loop3A_294 = arith.constant 512 : i32
    %parallel_loop3A_295 = arith.constant 1 : i32
    %parallel_loop3A_296 = arith.constant 0 : i32
    %parallel_loop3A_297:2 = scf.for %parallel_loop3A_573 = %parallel_loop3A_293 to %parallel_loop3A_294 step %parallel_loop3A_295 iter_args(%parallel_loop3A_574 = %broadcast_in_dim3A_292, %parallel_loop3A_575 = %parallel_loop3A_296) -> (vector<16xf32>, i32)  : i32 {
      %parallel_loop3A_576 = arith.constant 16 : i32
      %parallel_loop3A_577 = arith.muli %parallel_loop3A_573, %parallel_loop3A_576 : i32
      %parallel_loop3A_578 = arith.constant 16384 : i32
      %parallel_loop3A_579 = arith.addi %parallel_loop3A_578, %parallel_loop3A_577 : i32
      %parallel_loop3A_580 = arith.index_cast %parallel_loop3A_579 : i32 to index
      %parallel_loop3A_581 = tpu.vector_load %arg4[%parallel_loop3A_580] {strides = array<i32>} : memref<32768xf32, #tpu.memory_space<vmem>>, vector<16xf32>,
      %parallel_loop3A_582 = arith.maximumf %parallel_loop3A_574, %parallel_loop3A_581 : vector<16xf32>
      %parallel_loop3A_583 = arith.constant 1.000000e+00 : f32
      %parallel_loop3A_584 = vector.broadcast %parallel_loop3A_583 : f32 to vector<16xf32>
      %parallel_loop3A_585 = arith.subf %parallel_loop3A_582, %parallel_loop3A_584 : vector<16xf32>
      %parallel_loop3A_586 = arith.cmpf ogt, %parallel_loop3A_581, %parallel_loop3A_585 : vector<16xf32>
      %parallel_loop3A_587 = arith.index_cast %parallel_loop3A_575 : i32 to index
      %parallel_loop3A_588 = tpu.vector_load %arg5[%parallel_loop3A_587] masked %parallel_loop3A_586 {strides = array<i32>} : memref<8256xf32, #tpu.memory_space<vmem>>, vector<16xf32>, vector<16xi1>
      tpu.vector_store %arg5[%parallel_loop3A_587], %parallel_loop3A_581 masked %parallel_loop3A_586 {strides = array<i32>} : memref<8256xf32, #tpu.memory_space<vmem>>, vector<16xf32>, vector<16xi1>
      %parallel_loop3A_589 = tpu.all_reduce %parallel_loop3A_586 {dim = 0 : i64, kind = #tpu.reduction_kind<sum>} : vector<16xi1> -> vector<16xi32>
      %parallel_loop3A_590 = vector.extract_strided_slice %parallel_loop3A_589 {offsets = [0], sizes = [1], strides = [1]} : vector<16xi32> to vector<1xi32>
      %parallel_loop3A_591 = vector.extract %parallel_loop3A_590[0] : i32 from vector<1xi32>
      %parallel_loop3A_592 = arith.addi %parallel_loop3A_575, %parallel_loop3A_591 : i32
      scf.yield %parallel_loop3A_582, %parallel_loop3A_592 : vector<16xf32>, i32
    } {sc.loop_unroll_factor = 8 : i64, sc.parallel_access}
    %reduce_max3A_298 = arith.constant true
    %reduce_max3A_299 = vector.broadcast %reduce_max3A_298 : i1 to vector<16xi1>
    %reduce_max3A_300 = tpu.scan <max>, %parallel_loop3A_297#0 masked %reduce_max3A_299 : vector<16xf32>, vector<16xi1> -> vector<16xf32>
    %reduce_max3A_301 = vector.extract %reduce_max3A_300[15] : f32 from vector<16xf32>
    %sub3A_302 = arith.constant 1.000000e+00 : f32
    %sub3A_303 = arith.subf %reduce_max3A_301, %sub3A_302 : f32
    %sub3A_304 = arith.constant 1.000000e+00 : f32
    %sub3A_305 = arith.subf %sub3A_303, %sub3A_304 : f32
    %broadcast_in_dim3A_306 = vector.broadcast %sub3A_305 : f32 to vector<16xf32>
    %swap3A_307 = arith.index_cast %parallel_loop3A_297#1 : i32 to index
    %swap3A_308 = tpu.vector_load %arg5[%swap3A_307] {strides = array<i32>} : memref<8256xf32, #tpu.memory_space<vmem>>, vector<16xf32>,
    tpu.vector_store %arg5[%swap3A_307], %broadcast_in_dim3A_306 {strides = array<i32>} : memref<8256xf32, #tpu.memory_space<vmem>>, vector<16xf32>,
    %add3A_309 = arith.constant 16 : i32
    %add3A_310 = arith.addi %parallel_loop3A_297#1, %add3A_309 : i32
    %sub3A_311 = arith.constant 1 : i32
    %sub3A_312 = arith.subi %add3A_310, %sub3A_311 : i32
    %jit3A_313 = arith.constant 16 : i32
    %div3A_314 = arith.divsi %sub3A_312, %jit3A_313 : i32
    %sign3A_315 = arith.constant 0 : i32
    %sign3A_316 = arith.cmpi sgt, %sub3A_312, %sign3A_315 : i32
    %sign3A_317 = arith.extui %sign3A_316 : i1 to i32
    %sign3A_318 = arith.constant 0 : i32
    %sign3A_319 = arith.cmpi slt, %sub3A_312, %sign3A_318 : i32
    %sign3A_320 = arith.extui %sign3A_319 : i1 to i32
    %sign3A_321 = arith.subi %sign3A_317, %sign3A_320 : i32
    %sign3A_322 = arith.constant 0 : i32
    %sign3A_323 = arith.cmpi sgt, %jit3A_313, %sign3A_322 : i32
    %sign3A_324 = arith.extui %sign3A_323 : i1 to i32
    %sign3A_325 = arith.constant 0 : i32
    %sign3A_326 = arith.cmpi slt, %jit3A_313, %sign3A_325 : i32
    %sign3A_327 = arith.extui %sign3A_326 : i1 to i32
    %sign3A_328 = arith.subi %sign3A_324, %sign3A_327 : i32
    %ne3A_329 = arith.cmpi ne, %sign3A_321, %sign3A_328 : i32
    %rem3A_330 = arith.remsi %sub3A_312, %jit3A_313 : i32
    %ne3A_331 = arith.constant 0 : i32
    %ne3A_332 = arith.cmpi ne, %rem3A_330, %ne3A_331 : i32
    %and3A_333 = arith.andi %ne3A_329, %ne3A_332 : i1
    %sub3A_334 = arith.constant 1 : i32
    %sub3A_335 = arith.subi %div3A_314, %sub3A_334 : i32
    %select_n3A_336 = arith.select %and3A_333, %sub3A_335, %div3A_314 : i32
    %broadcast_in_dim3A_337 = arith.constant 0.000000e+00 : f32
    %broadcast_in_dim3A_338 = vector.broadcast %broadcast_in_dim3A_337 : f32 to vector<16xf32>
    %while3A_339 = arith.constant 0 : i32
    %while3A_340 = arith.constant 0 : i32
    %while3A_341 = arith.subi %select_n3A_336, %while3A_339 : i32
    %while3A_342 = arith.addi %while3A_339, %while3A_341 : i32
    %while3A_343 = arith.constant 1 : i32
    %while3A_344 = arith.divsi %while3A_341, %while3A_343 : i32
    %while3A_345 = arith.muli %while3A_344, %while3A_343 : i32
    %while3A_346 = arith.addi %while3A_339, %while3A_345 : i32
    %while3A_347 = arith.constant 1 : i32
    %while3A_348:2 = scf.for %while3A_573 = %while3A_339 to %while3A_346 step %while3A_347 iter_args(%while3A_574 = %while3A_340, %while3A_575 = %broadcast_in_dim3A_338) -> (i32, vector<16xf32>)  : i32 {
      %mul3A_576 = arith.constant 16 : i32
      %mul3A_577 = arith.muli %while3A_573, %mul3A_576 : i32
      %get3A_578 = arith.index_cast %mul3A_577 : i32 to index
      %get3A_579 = tpu.vector_load %arg5[%get3A_578] {strides = array<i32>} : memref<8256xf32, #tpu.memory_space<vmem>>, vector<16xf32>,
      %gt3A = vector.broadcast %sub3A_303 : f32 to vector<16xf32>
      %gt3A_580 = arith.cmpf ogt, %get3A_579, %gt3A : vector<16xf32>
      %swap3A_581 = arith.index_cast %while3A_574 : i32 to index
      %swap3A_582 = tpu.vector_load %arg5[%swap3A_581] masked %gt3A_580 {strides = array<i32>} : memref<8256xf32, #tpu.memory_space<vmem>>, vector<16xf32>, vector<16xi1>
      tpu.vector_store %arg5[%swap3A_581], %get3A_579 masked %gt3A_580 {strides = array<i32>} : memref<8256xf32, #tpu.memory_space<vmem>>, vector<16xf32>, vector<16xi1>
      %all_reduce_population_count3A = tpu.all_reduce %gt3A_580 {dim = 0 : i64, kind = #tpu.reduction_kind<sum>} : vector<16xi1> -> vector<16xi32>
      %slice3A = vector.extract_strided_slice %all_reduce_population_count3A {offsets = [0], sizes = [1], strides = [1]} : vector<16xi32> to vector<1xi32>
      %squeeze3A = vector.extract %slice3A[0] : i32 from vector<1xi32>
      %add3A_583 = arith.addi %while3A_574, %squeeze3A : i32
      %jit3A_584 = arith.constant 0.000000e+00 : f32
      %broadcast_in_dim3A_585 = vector.broadcast %jit3A_584 : f32 to vector<16xf32>
      %select_n3A_586 = arith.select %gt3A_580, %get3A_579, %broadcast_in_dim3A_585 : vector<16xi1>, vector<16xf32>
      %add3A_587 = arith.addf %while3A_575, %select_n3A_586 : vector<16xf32>
      scf.yield %add3A_583, %add3A_587 : i32, vector<16xf32>
    }
    %while3A_349 = arith.constant 1 : i32
    %while3A_350:2 = scf.for %while3A_573 = %while3A_346 to %while3A_342 step %while3A_349 iter_args(%while3A_574 = %while3A_348#0, %while3A_575 = %while3A_348#1) -> (i32, vector<16xf32>)  : i32 {
      %mul3A_576 = arith.constant 16 : i32
      %mul3A_577 = arith.muli %while3A_573, %mul3A_576 : i32
      %get3A_578 = arith.index_cast %mul3A_577 : i32 to index
      %get3A_579 = tpu.vector_load %arg5[%get3A_578] {strides = array<i32>} : memref<8256xf32, #tpu.memory_space<vmem>>, vector<16xf32>,
      %gt3A = vector.broadcast %sub3A_303 : f32 to vector<16xf32>
      %gt3A_580 = arith.cmpf ogt, %get3A_579, %gt3A : vector<16xf32>
      %swap3A_581 = arith.index_cast %while3A_574 : i32 to index
      %swap3A_582 = tpu.vector_load %arg5[%swap3A_581] masked %gt3A_580 {strides = array<i32>} : memref<8256xf32, #tpu.memory_space<vmem>>, vector<16xf32>, vector<16xi1>
      tpu.vector_store %arg5[%swap3A_581], %get3A_579 masked %gt3A_580 {strides = array<i32>} : memref<8256xf32, #tpu.memory_space<vmem>>, vector<16xf32>, vector<16xi1>
      %all_reduce_population_count3A = tpu.all_reduce %gt3A_580 {dim = 0 : i64, kind = #tpu.reduction_kind<sum>} : vector<16xi1> -> vector<16xi32>
      %slice3A = vector.extract_strided_slice %all_reduce_population_count3A {offsets = [0], sizes = [1], strides = [1]} : vector<16xi32> to vector<1xi32>
      %squeeze3A = vector.extract %slice3A[0] : i32 from vector<1xi32>
      %add3A_583 = arith.addi %while3A_574, %squeeze3A : i32
      %jit3A_584 = arith.constant 0.000000e+00 : f32
      %broadcast_in_dim3A_585 = vector.broadcast %jit3A_584 : f32 to vector<16xf32>
      %select_n3A_586 = arith.select %gt3A_580, %get3A_579, %broadcast_in_dim3A_585 : vector<16xi1>, vector<16xf32>
      %add3A_587 = arith.addf %while3A_575, %select_n3A_586 : vector<16xf32>
      scf.yield %add3A_583, %add3A_587 : i32, vector<16xf32>
    }
    %add3A_351 = arith.constant 0 : i32
    %add3A_352 = arith.addi %while3A_350#0, %add3A_351 : i32
    %swap3A_353 = arith.index_cast %add3A_352 : i32 to index
    %swap3A_354 = tpu.vector_load %arg5[%swap3A_353] {strides = array<i32>} : memref<8256xf32, #tpu.memory_space<vmem>>, vector<16xf32>,
    tpu.vector_store %arg5[%swap3A_353], %broadcast_in_dim3A_306 {strides = array<i32>} : memref<8256xf32, #tpu.memory_space<vmem>>, vector<16xf32>,
    %add3A_355 = arith.constant 16 : i32
    %add3A_356 = arith.addi %while3A_350#0, %add3A_355 : i32
    %swap3A_357 = arith.index_cast %add3A_356 : i32 to index
    %swap3A_358 = tpu.vector_load %arg5[%swap3A_357] {strides = array<i32>} : memref<8256xf32, #tpu.memory_space<vmem>>, vector<16xf32>,
    tpu.vector_store %arg5[%swap3A_357], %broadcast_in_dim3A_306 {strides = array<i32>} : memref<8256xf32, #tpu.memory_space<vmem>>, vector<16xf32>,
    %add3A_359 = arith.constant 32 : i32
    %add3A_360 = arith.addi %while3A_350#0, %add3A_359 : i32
    %swap3A_361 = arith.index_cast %add3A_360 : i32 to index
    %swap3A_362 = tpu.vector_load %arg5[%swap3A_361] {strides = array<i32>} : memref<8256xf32, #tpu.memory_space<vmem>>, vector<16xf32>,
    tpu.vector_store %arg5[%swap3A_361], %broadcast_in_dim3A_306 {strides = array<i32>} : memref<8256xf32, #tpu.memory_space<vmem>>, vector<16xf32>,
    %add3A_363 = arith.constant 48 : i32
    %add3A_364 = arith.addi %while3A_350#0, %add3A_363 : i32
    %swap3A_365 = arith.index_cast %add3A_364 : i32 to index
    %swap3A_366 = tpu.vector_load %arg5[%swap3A_365] {strides = array<i32>} : memref<8256xf32, #tpu.memory_space<vmem>>, vector<16xf32>,
    tpu.vector_store %arg5[%swap3A_365], %broadcast_in_dim3A_306 {strides = array<i32>} : memref<8256xf32, #tpu.memory_space<vmem>>, vector<16xf32>,
    %add3A_367 = arith.constant 16 : i32
    %add3A_368 = arith.addi %while3A_350#0, %add3A_367 : i32
    %sub3A_369 = arith.constant 1 : i32
    %sub3A_370 = arith.subi %add3A_368, %sub3A_369 : i32
    %jit3A_371 = arith.constant 16 : i32
    %div3A_372 = arith.divsi %sub3A_370, %jit3A_371 : i32
    %sign3A_373 = arith.constant 0 : i32
    %sign3A_374 = arith.cmpi sgt, %sub3A_370, %sign3A_373 : i32
    %sign3A_375 = arith.extui %sign3A_374 : i1 to i32
    %sign3A_376 = arith.constant 0 : i32
    %sign3A_377 = arith.cmpi slt, %sub3A_370, %sign3A_376 : i32
    %sign3A_378 = arith.extui %sign3A_377 : i1 to i32
    %sign3A_379 = arith.subi %sign3A_375, %sign3A_378 : i32
    %sign3A_380 = arith.constant 0 : i32
    %sign3A_381 = arith.cmpi sgt, %jit3A_371, %sign3A_380 : i32
    %sign3A_382 = arith.extui %sign3A_381 : i1 to i32
    %sign3A_383 = arith.constant 0 : i32
    %sign3A_384 = arith.cmpi slt, %jit3A_371, %sign3A_383 : i32
    %sign3A_385 = arith.extui %sign3A_384 : i1 to i32
    %sign3A_386 = arith.subi %sign3A_382, %sign3A_385 : i32
    %ne3A_387 = arith.cmpi ne, %sign3A_379, %sign3A_386 : i32
    %rem3A_388 = arith.remsi %sub3A_370, %jit3A_371 : i32
    %ne3A_389 = arith.constant 0 : i32
    %ne3A_390 = arith.cmpi ne, %rem3A_388, %ne3A_389 : i32
    %and3A_391 = arith.andi %ne3A_387, %ne3A_390 : i1
    %sub3A_392 = arith.constant 1 : i32
    %sub3A_393 = arith.subi %div3A_372, %sub3A_392 : i32
    %select_n3A_394 = arith.select %and3A_391, %sub3A_393, %div3A_372 : i32
    %get3A_395 = arith.constant 0 : index
    %get3A_396 = tpu.vector_load %arg5[%get3A_395] {strides = array<i32>} : memref<8256xf32, #tpu.memory_space<vmem>>, vector<16xf32>,
    %get3A_397 = arith.constant 16 : index
    %get3A_398 = tpu.vector_load %arg5[%get3A_397] {strides = array<i32>} : memref<8256xf32, #tpu.memory_space<vmem>>, vector<16xf32>,
    %get3A_399 = arith.constant 32 : index
    %get3A_400 = tpu.vector_load %arg5[%get3A_399] {strides = array<i32>} : memref<8256xf32, #tpu.memory_space<vmem>>, vector<16xf32>,
    %get3A_401 = arith.constant 48 : index
    %get3A_402 = tpu.vector_load %arg5[%get3A_401] {strides = array<i32>} : memref<8256xf32, #tpu.memory_space<vmem>>, vector<16xf32>,
    %broadcast_in_dim3A_403 = vector.broadcast %sub3A_303 : f32 to vector<16xf32>
    %while3A_404 = arith.constant -1 : i32
    %while3A_405:4 = scf.while (%while3A_573 = %broadcast_in_dim3A_403, %while3A_574 = %while3A_404, %while3A_575 = %while3A_350#0, %while3A_576 = %while3A_350#1) : (vector<16xf32>, i32, i32, vector<16xf32>) -> (vector<16xf32>, i32, i32, vector<16xf32>) {
      %ne3A_577 = arith.cmpi ne, %while3A_575, %while3A_574 : i32
      scf.condition(%ne3A_577) %while3A_573, %while3A_574, %while3A_575, %while3A_576 : vector<16xf32>, i32, i32, vector<16xf32>
    } do {
    ^bb0(%while3A_573: vector<16xf32>, %while3A_574: i32, %while3A_575: i32, %while3A_576: vector<16xf32>):
      %reduce_sum3A = arith.constant true
      %reduce_sum3A_577 = vector.broadcast %reduce_sum3A : i1 to vector<16xi1>
      %reduce_sum3A_578 = tpu.scan <sum>, %while3A_576 masked %reduce_sum3A_577 : vector<16xf32>, vector<16xi1> -> vector<16xf32>
      %reduce_sum3A_579 = vector.extract %reduce_sum3A_578[15] : f32 from vector<16xf32>
      %sub3A_580 = arith.constant 1.000000e+00 : f32
      %sub3A_581 = arith.subf %reduce_sum3A_579, %sub3A_580 : f32
      %broadcast_in_dim3A_582 = vector.broadcast %sub3A_581 : f32 to vector<16xf32>
      %convert_element_type3A = arith.sitofp %while3A_575 : i32 to f32
      %broadcast_in_dim3A_583 = vector.broadcast %convert_element_type3A : f32 to vector<16xf32>
      %div3A_584 = arith.divf %broadcast_in_dim3A_582, %broadcast_in_dim3A_583 : vector<16xf32>
      %max3A = arith.maximumf %div3A_584, %while3A_573 : vector<16xf32>
      %broadcast_in_dim3A_585 = arith.constant 0.000000e+00 : f32
      %broadcast_in_dim3A_586 = vector.broadcast %broadcast_in_dim3A_585 : f32 to vector<16xf32>
      %gt3A = arith.cmpf ogt, %get3A_396, %max3A : vector<16xf32>
      %jit3A_587 = arith.constant 0.000000e+00 : f32
      %broadcast_in_dim3A_588 = vector.broadcast %jit3A_587 : f32 to vector<16xf32>
      %select_n3A_589 = arith.select %gt3A, %get3A_396, %broadcast_in_dim3A_588 : vector<16xi1>, vector<16xf32>
      %add3A_590 = arith.addf %broadcast_in_dim3A_586, %select_n3A_589 : vector<16xf32>
      %all_reduce_population_count3A = tpu.all_reduce %gt3A {dim = 0 : i64, kind = #tpu.reduction_kind<sum>} : vector<16xi1> -> vector<16xi32>
      %slice3A = vector.extract_strided_slice %all_reduce_population_count3A {offsets = [0], sizes = [1], strides = [1]} : vector<16xi32> to vector<1xi32>
      %squeeze3A = vector.extract %slice3A[0] : i32 from vector<1xi32>
      %add3A_591 = arith.constant 0 : i32
      %add3A_592 = arith.addi %add3A_591, %squeeze3A : i32
      %gt3A_593 = arith.cmpf ogt, %get3A_398, %max3A : vector<16xf32>
      %jit3A_594 = arith.constant 0.000000e+00 : f32
      %broadcast_in_dim3A_595 = vector.broadcast %jit3A_594 : f32 to vector<16xf32>
      %select_n3A_596 = arith.select %gt3A_593, %get3A_398, %broadcast_in_dim3A_595 : vector<16xi1>, vector<16xf32>
      %add3A_597 = arith.addf %add3A_590, %select_n3A_596 : vector<16xf32>
      %all_reduce_population_count3A_598 = tpu.all_reduce %gt3A_593 {dim = 0 : i64, kind = #tpu.reduction_kind<sum>} : vector<16xi1> -> vector<16xi32>
      %slice3A_599 = vector.extract_strided_slice %all_reduce_population_count3A_598 {offsets = [0], sizes = [1], strides = [1]} : vector<16xi32> to vector<1xi32>
      %squeeze3A_600 = vector.extract %slice3A_599[0] : i32 from vector<1xi32>
      %add3A_601 = arith.addi %add3A_592, %squeeze3A_600 : i32
      %gt3A_602 = arith.cmpf ogt, %get3A_400, %max3A : vector<16xf32>
      %jit3A_603 = arith.constant 0.000000e+00 : f32
      %broadcast_in_dim3A_604 = vector.broadcast %jit3A_603 : f32 to vector<16xf32>
      %select_n3A_605 = arith.select %gt3A_602, %get3A_400, %broadcast_in_dim3A_604 : vector<16xi1>, vector<16xf32>
      %add3A_606 = arith.addf %add3A_597, %select_n3A_605 : vector<16xf32>
      %all_reduce_population_count3A_607 = tpu.all_reduce %gt3A_602 {dim = 0 : i64, kind = #tpu.reduction_kind<sum>} : vector<16xi1> -> vector<16xi32>
      %slice3A_608 = vector.extract_strided_slice %all_reduce_population_count3A_607 {offsets = [0], sizes = [1], strides = [1]} : vector<16xi32> to vector<1xi32>
      %squeeze3A_609 = vector.extract %slice3A_608[0] : i32 from vector<1xi32>
      %add3A_610 = arith.addi %add3A_601, %squeeze3A_609 : i32
      %gt3A_611 = arith.cmpf ogt, %get3A_402, %max3A : vector<16xf32>
      %jit3A_612 = arith.constant 0.000000e+00 : f32
      %broadcast_in_dim3A_613 = vector.broadcast %jit3A_612 : f32 to vector<16xf32>
      %select_n3A_614 = arith.select %gt3A_611, %get3A_402, %broadcast_in_dim3A_613 : vector<16xi1>, vector<16xf32>
      %add3A_615 = arith.addf %add3A_606, %select_n3A_614 : vector<16xf32>
      %all_reduce_population_count3A_616 = tpu.all_reduce %gt3A_611 {dim = 0 : i64, kind = #tpu.reduction_kind<sum>} : vector<16xi1> -> vector<16xi32>
      %slice3A_617 = vector.extract_strided_slice %all_reduce_population_count3A_616 {offsets = [0], sizes = [1], strides = [1]} : vector<16xi32> to vector<1xi32>
      %squeeze3A_618 = vector.extract %slice3A_617[0] : i32 from vector<1xi32>
      %add3A_619 = arith.addi %add3A_610, %squeeze3A_618 : i32
      %while3A_620 = arith.constant 4 : i32
      %while3A_621 = arith.subi %select_n3A_394, %while3A_620 : i32
      %while3A_622 = arith.addi %while3A_620, %while3A_621 : i32
      %while3A_623 = arith.constant 1 : i32
      %while3A_624 = arith.divsi %while3A_621, %while3A_623 : i32
      %while3A_625 = arith.muli %while3A_624, %while3A_623 : i32
      %while3A_626 = arith.addi %while3A_620, %while3A_625 : i32
      %while3A_627 = arith.constant 1 : i32
      %while3A_628:2 = scf.for %while3A_631 = %while3A_620 to %while3A_626 step %while3A_627 iter_args(%while3A_632 = %add3A_615, %while3A_633 = %add3A_619) -> (vector<16xf32>, i32)  : i32 {
        %mul3A_634 = arith.constant 16 : i32
        %mul3A_635 = arith.muli %while3A_631, %mul3A_634 : i32
        %get3A_636 = arith.index_cast %mul3A_635 : i32 to index
        %get3A_637 = tpu.vector_load %arg5[%get3A_636] {strides = array<i32>} : memref<8256xf32, #tpu.memory_space<vmem>>, vector<16xf32>,
        %gt3A_638 = arith.cmpf ogt, %get3A_637, %max3A : vector<16xf32>
        %jit3A_639 = arith.constant 0.000000e+00 : f32
        %broadcast_in_dim3A_640 = vector.broadcast %jit3A_639 : f32 to vector<16xf32>
        %select_n3A_641 = arith.select %gt3A_638, %get3A_637, %broadcast_in_dim3A_640 : vector<16xi1>, vector<16xf32>
        %add3A_642 = arith.addf %while3A_632, %select_n3A_641 : vector<16xf32>
        %all_reduce_population_count3A_643 = tpu.all_reduce %gt3A_638 {dim = 0 : i64, kind = #tpu.reduction_kind<sum>} : vector<16xi1> -> vector<16xi32>
        %slice3A_644 = vector.extract_strided_slice %all_reduce_population_count3A_643 {offsets = [0], sizes = [1], strides = [1]} : vector<16xi32> to vector<1xi32>
        %squeeze3A_645 = vector.extract %slice3A_644[0] : i32 from vector<1xi32>
        %add3A_646 = arith.addi %while3A_633, %squeeze3A_645 : i32
        scf.yield %add3A_642, %add3A_646 : vector<16xf32>, i32
      }
      %while3A_629 = arith.constant 1 : i32
      %while3A_630:2 = scf.for %while3A_631 = %while3A_626 to %while3A_622 step %while3A_629 iter_args(%while3A_632 = %while3A_628#0, %while3A_633 = %while3A_628#1) -> (vector<16xf32>, i32)  : i32 {
        %mul3A_634 = arith.constant 16 : i32
        %mul3A_635 = arith.muli %while3A_631, %mul3A_634 : i32
        %get3A_636 = arith.index_cast %mul3A_635 : i32 to index
        %get3A_637 = tpu.vector_load %arg5[%get3A_636] {strides = array<i32>} : memref<8256xf32, #tpu.memory_space<vmem>>, vector<16xf32>,
        %gt3A_638 = arith.cmpf ogt, %get3A_637, %max3A : vector<16xf32>
        %jit3A_639 = arith.constant 0.000000e+00 : f32
        %broadcast_in_dim3A_640 = vector.broadcast %jit3A_639 : f32 to vector<16xf32>
        %select_n3A_641 = arith.select %gt3A_638, %get3A_637, %broadcast_in_dim3A_640 : vector<16xi1>, vector<16xf32>
        %add3A_642 = arith.addf %while3A_632, %select_n3A_641 : vector<16xf32>
        %all_reduce_population_count3A_643 = tpu.all_reduce %gt3A_638 {dim = 0 : i64, kind = #tpu.reduction_kind<sum>} : vector<16xi1> -> vector<16xi32>
        %slice3A_644 = vector.extract_strided_slice %all_reduce_population_count3A_643 {offsets = [0], sizes = [1], strides = [1]} : vector<16xi32> to vector<1xi32>
        %squeeze3A_645 = vector.extract %slice3A_644[0] : i32 from vector<1xi32>
        %add3A_646 = arith.addi %while3A_633, %squeeze3A_645 : i32
        scf.yield %add3A_642, %add3A_646 : vector<16xf32>, i32
      }
      scf.yield %max3A, %while3A_575, %while3A_630#1, %while3A_630#0 : vector<16xf32>, i32, i32, vector<16xf32>
    }
    %parallel_loop3A_406 = arith.constant 0 : i32
    %parallel_loop3A_407 = arith.constant 512 : i32
    %parallel_loop3A_408 = arith.constant 1 : i32
    scf.for %parallel_loop3A_573 = %parallel_loop3A_406 to %parallel_loop3A_407 step %parallel_loop3A_408  : i32 {
      %parallel_loop3A_574 = arith.constant 16 : i32
      %parallel_loop3A_575 = arith.muli %parallel_loop3A_573, %parallel_loop3A_574 : i32
      %parallel_loop3A_576 = arith.constant 16384 : i32
      %parallel_loop3A_577 = arith.addi %parallel_loop3A_576, %parallel_loop3A_575 : i32
      %parallel_loop3A_578 = arith.index_cast %parallel_loop3A_577 : i32 to index
      %parallel_loop3A_579 = tpu.vector_load %arg4[%parallel_loop3A_578] {strides = array<i32>} : memref<32768xf32, #tpu.memory_space<vmem>>, vector<16xf32>,
      %parallel_loop3A_580 = arith.subf %parallel_loop3A_579, %while3A_405#0 : vector<16xf32>
      %parallel_loop3A_581 = arith.constant 0.000000e+00 : f32
      %parallel_loop3A_582 = vector.broadcast %parallel_loop3A_581 : f32 to vector<16xf32>
      %parallel_loop3A_583 = arith.maximumf %parallel_loop3A_580, %parallel_loop3A_582 : vector<16xf32>
      %parallel_loop3A_584 = arith.index_cast %parallel_loop3A_577 : i32 to index
      %parallel_loop3A_585 = tpu.vector_load %arg4[%parallel_loop3A_584] {strides = array<i32>} : memref<32768xf32, #tpu.memory_space<vmem>>, vector<16xf32>,
      tpu.vector_store %arg4[%parallel_loop3A_584], %parallel_loop3A_583 {strides = array<i32>} : memref<32768xf32, #tpu.memory_space<vmem>>, vector<16xf32>,
    } {sc.loop_unroll_factor = 8 : i64, sc.parallel_access}
    %add3A_409 = arith.constant 16384 : i32
    %add3A_410 = arith.addi %mul3A_4, %add3A_409 : i32
    %dma_start3A_411 = arith.constant 16384 : i32
    %dma_start3A_412 = tpu.memref_slice %arg4[%dma_start3A_411] : memref<32768xf32, #tpu.memory_space<vmem>> -> memref<8192xf32, #tpu.memory_space<vmem>>
    %dma_start3A_413 = tpu.memref_slice %arg3[%add3A_410] : memref<1048576xf32, #tpu.memory_space<hbm>> -> memref<8192xf32, #tpu.memory_space<hbm>>
    %dma_start3A_414 = tpu.memref_slice %arg3[%add3A_410] : memref<1048576xf32, #tpu.memory_space<hbm>> -> memref<8192xf32, #tpu.memory_space<hbm>>
    %dma_start3A_415 = arith.constant 16384 : i32
    %dma_start3A_416 = tpu.memref_slice %arg4[%dma_start3A_415] : memref<32768xf32, #tpu.memory_space<vmem>> -> memref<8192xf32, #tpu.memory_space<vmem>>
    tpu.enqueue_dma source(%dma_start3A_416 : memref<8192xf32, #tpu.memory_space<vmem>>) target(%dma_start3A_414 : memref<8192xf32, #tpu.memory_space<hbm>>) target_semaphore(%arg12 : memref<!tpu.dma_semaphore, #tpu.memory_space<semaphore_mem>>)
    %dma_wait3A_417 = arith.constant 24576 : i32
    %dma_wait3A_418 = tpu.memref_slice %arg4[%dma_wait3A_417] : memref<32768xf32, #tpu.memory_space<vmem>> -> memref<8192xf32, #tpu.memory_space<vmem>>
    %dma_wait3A_419 = tpu.memref_slice %arg2[%add3A_29] : memref<1048576xf32, #tpu.memory_space<hbm>> -> memref<8192xf32, #tpu.memory_space<hbm>>
    %dma_wait3A_420 = arith.constant 24576 : i32
    %dma_wait3A_421 = tpu.memref_slice %arg4[%dma_wait3A_420] : memref<32768xf32, #tpu.memory_space<vmem>> -> memref<8192xf32, #tpu.memory_space<vmem>>
    %dma_wait3A_422 = tpu.memref_slice %arg2[%add3A_29] : memref<1048576xf32, #tpu.memory_space<hbm>> -> memref<8192xf32, #tpu.memory_space<hbm>>
    tpu.wait_dma2 semaphore(%arg9 : memref<!tpu.dma_semaphore, #tpu.memory_space<semaphore_mem>>) src(%dma_wait3A_422 : memref<8192xf32, #tpu.memory_space<hbm>>) dst(%dma_wait3A_421 : memref<8192xf32, #tpu.memory_space<vmem>>)
    %broadcast_in_dim3A_423 = arith.constant 0xFF800000 : f32
    %broadcast_in_dim3A_424 = vector.broadcast %broadcast_in_dim3A_423 : f32 to vector<16xf32>
    %parallel_loop3A_425 = arith.constant 0 : i32
    %parallel_loop3A_426 = arith.constant 512 : i32
    %parallel_loop3A_427 = arith.constant 1 : i32
    %parallel_loop3A_428 = arith.constant 0 : i32
    %parallel_loop3A_429:2 = scf.for %parallel_loop3A_573 = %parallel_loop3A_425 to %parallel_loop3A_426 step %parallel_loop3A_427 iter_args(%parallel_loop3A_574 = %broadcast_in_dim3A_424, %parallel_loop3A_575 = %parallel_loop3A_428) -> (vector<16xf32>, i32)  : i32 {
      %parallel_loop3A_576 = arith.constant 16 : i32
      %parallel_loop3A_577 = arith.muli %parallel_loop3A_573, %parallel_loop3A_576 : i32
      %parallel_loop3A_578 = arith.constant 24576 : i32
      %parallel_loop3A_579 = arith.addi %parallel_loop3A_578, %parallel_loop3A_577 : i32
      %parallel_loop3A_580 = arith.index_cast %parallel_loop3A_579 : i32 to index
      %parallel_loop3A_581 = tpu.vector_load %arg4[%parallel_loop3A_580] {strides = array<i32>} : memref<32768xf32, #tpu.memory_space<vmem>>, vector<16xf32>,
      %parallel_loop3A_582 = arith.maximumf %parallel_loop3A_574, %parallel_loop3A_581 : vector<16xf32>
      %parallel_loop3A_583 = arith.constant 1.000000e+00 : f32
      %parallel_loop3A_584 = vector.broadcast %parallel_loop3A_583 : f32 to vector<16xf32>
      %parallel_loop3A_585 = arith.subf %parallel_loop3A_582, %parallel_loop3A_584 : vector<16xf32>
      %parallel_loop3A_586 = arith.cmpf ogt, %parallel_loop3A_581, %parallel_loop3A_585 : vector<16xf32>
      %parallel_loop3A_587 = arith.index_cast %parallel_loop3A_575 : i32 to index
      %parallel_loop3A_588 = tpu.vector_load %arg5[%parallel_loop3A_587] masked %parallel_loop3A_586 {strides = array<i32>} : memref<8256xf32, #tpu.memory_space<vmem>>, vector<16xf32>, vector<16xi1>
      tpu.vector_store %arg5[%parallel_loop3A_587], %parallel_loop3A_581 masked %parallel_loop3A_586 {strides = array<i32>} : memref<8256xf32, #tpu.memory_space<vmem>>, vector<16xf32>, vector<16xi1>
      %parallel_loop3A_589 = tpu.all_reduce %parallel_loop3A_586 {dim = 0 : i64, kind = #tpu.reduction_kind<sum>} : vector<16xi1> -> vector<16xi32>
      %parallel_loop3A_590 = vector.extract_strided_slice %parallel_loop3A_589 {offsets = [0], sizes = [1], strides = [1]} : vector<16xi32> to vector<1xi32>
      %parallel_loop3A_591 = vector.extract %parallel_loop3A_590[0] : i32 from vector<1xi32>
      %parallel_loop3A_592 = arith.addi %parallel_loop3A_575, %parallel_loop3A_591 : i32
      scf.yield %parallel_loop3A_582, %parallel_loop3A_592 : vector<16xf32>, i32
    } {sc.loop_unroll_factor = 8 : i64, sc.parallel_access}
    %reduce_max3A_430 = arith.constant true
    %reduce_max3A_431 = vector.broadcast %reduce_max3A_430 : i1 to vector<16xi1>
    %reduce_max3A_432 = tpu.scan <max>, %parallel_loop3A_429#0 masked %reduce_max3A_431 : vector<16xf32>, vector<16xi1> -> vector<16xf32>
    %reduce_max3A_433 = vector.extract %reduce_max3A_432[15] : f32 from vector<16xf32>
    %sub3A_434 = arith.constant 1.000000e+00 : f32
    %sub3A_435 = arith.subf %reduce_max3A_433, %sub3A_434 : f32
    %sub3A_436 = arith.constant 1.000000e+00 : f32
    %sub3A_437 = arith.subf %sub3A_435, %sub3A_436 : f32
    %broadcast_in_dim3A_438 = vector.broadcast %sub3A_437 : f32 to vector<16xf32>
    %swap3A_439 = arith.index_cast %parallel_loop3A_429#1 : i32 to index
    %swap3A_440 = tpu.vector_load %arg5[%swap3A_439] {strides = array<i32>} : memref<8256xf32, #tpu.memory_space<vmem>>, vector<16xf32>,
    tpu.vector_store %arg5[%swap3A_439], %broadcast_in_dim3A_438 {strides = array<i32>} : memref<8256xf32, #tpu.memory_space<vmem>>, vector<16xf32>,
    %add3A_441 = arith.constant 16 : i32
    %add3A_442 = arith.addi %parallel_loop3A_429#1, %add3A_441 : i32
    %sub3A_443 = arith.constant 1 : i32
    %sub3A_444 = arith.subi %add3A_442, %sub3A_443 : i32
    %jit3A_445 = arith.constant 16 : i32
    %div3A_446 = arith.divsi %sub3A_444, %jit3A_445 : i32
    %sign3A_447 = arith.constant 0 : i32
    %sign3A_448 = arith.cmpi sgt, %sub3A_444, %sign3A_447 : i32
    %sign3A_449 = arith.extui %sign3A_448 : i1 to i32
    %sign3A_450 = arith.constant 0 : i32
    %sign3A_451 = arith.cmpi slt, %sub3A_444, %sign3A_450 : i32
    %sign3A_452 = arith.extui %sign3A_451 : i1 to i32
    %sign3A_453 = arith.subi %sign3A_449, %sign3A_452 : i32
    %sign3A_454 = arith.constant 0 : i32
    %sign3A_455 = arith.cmpi sgt, %jit3A_445, %sign3A_454 : i32
    %sign3A_456 = arith.extui %sign3A_455 : i1 to i32
    %sign3A_457 = arith.constant 0 : i32
    %sign3A_458 = arith.cmpi slt, %jit3A_445, %sign3A_457 : i32
    %sign3A_459 = arith.extui %sign3A_458 : i1 to i32
    %sign3A_460 = arith.subi %sign3A_456, %sign3A_459 : i32
    %ne3A_461 = arith.cmpi ne, %sign3A_453, %sign3A_460 : i32
    %rem3A_462 = arith.remsi %sub3A_444, %jit3A_445 : i32
    %ne3A_463 = arith.constant 0 : i32
    %ne3A_464 = arith.cmpi ne, %rem3A_462, %ne3A_463 : i32
    %and3A_465 = arith.andi %ne3A_461, %ne3A_464 : i1
    %sub3A_466 = arith.constant 1 : i32
    %sub3A_467 = arith.subi %div3A_446, %sub3A_466 : i32
    %select_n3A_468 = arith.select %and3A_465, %sub3A_467, %div3A_446 : i32
    %broadcast_in_dim3A_469 = arith.constant 0.000000e+00 : f32
    %broadcast_in_dim3A_470 = vector.broadcast %broadcast_in_dim3A_469 : f32 to vector<16xf32>
    %while3A_471 = arith.constant 0 : i32
    %while3A_472 = arith.constant 0 : i32
    %while3A_473 = arith.subi %select_n3A_468, %while3A_471 : i32
    %while3A_474 = arith.addi %while3A_471, %while3A_473 : i32
    %while3A_475 = arith.constant 1 : i32
    %while3A_476 = arith.divsi %while3A_473, %while3A_475 : i32
    %while3A_477 = arith.muli %while3A_476, %while3A_475 : i32
    %while3A_478 = arith.addi %while3A_471, %while3A_477 : i32
    %while3A_479 = arith.constant 1 : i32
    %while3A_480:2 = scf.for %while3A_573 = %while3A_471 to %while3A_478 step %while3A_479 iter_args(%while3A_574 = %while3A_472, %while3A_575 = %broadcast_in_dim3A_470) -> (i32, vector<16xf32>)  : i32 {
      %mul3A_576 = arith.constant 16 : i32
      %mul3A_577 = arith.muli %while3A_573, %mul3A_576 : i32
      %get3A_578 = arith.index_cast %mul3A_577 : i32 to index
      %get3A_579 = tpu.vector_load %arg5[%get3A_578] {strides = array<i32>} : memref<8256xf32, #tpu.memory_space<vmem>>, vector<16xf32>,
      %gt3A = vector.broadcast %sub3A_435 : f32 to vector<16xf32>
      %gt3A_580 = arith.cmpf ogt, %get3A_579, %gt3A : vector<16xf32>
      %swap3A_581 = arith.index_cast %while3A_574 : i32 to index
      %swap3A_582 = tpu.vector_load %arg5[%swap3A_581] masked %gt3A_580 {strides = array<i32>} : memref<8256xf32, #tpu.memory_space<vmem>>, vector<16xf32>, vector<16xi1>
      tpu.vector_store %arg5[%swap3A_581], %get3A_579 masked %gt3A_580 {strides = array<i32>} : memref<8256xf32, #tpu.memory_space<vmem>>, vector<16xf32>, vector<16xi1>
      %all_reduce_population_count3A = tpu.all_reduce %gt3A_580 {dim = 0 : i64, kind = #tpu.reduction_kind<sum>} : vector<16xi1> -> vector<16xi32>
      %slice3A = vector.extract_strided_slice %all_reduce_population_count3A {offsets = [0], sizes = [1], strides = [1]} : vector<16xi32> to vector<1xi32>
      %squeeze3A = vector.extract %slice3A[0] : i32 from vector<1xi32>
      %add3A_583 = arith.addi %while3A_574, %squeeze3A : i32
      %jit3A_584 = arith.constant 0.000000e+00 : f32
      %broadcast_in_dim3A_585 = vector.broadcast %jit3A_584 : f32 to vector<16xf32>
      %select_n3A_586 = arith.select %gt3A_580, %get3A_579, %broadcast_in_dim3A_585 : vector<16xi1>, vector<16xf32>
      %add3A_587 = arith.addf %while3A_575, %select_n3A_586 : vector<16xf32>
      scf.yield %add3A_583, %add3A_587 : i32, vector<16xf32>
    }
    %while3A_481 = arith.constant 1 : i32
    %while3A_482:2 = scf.for %while3A_573 = %while3A_478 to %while3A_474 step %while3A_481 iter_args(%while3A_574 = %while3A_480#0, %while3A_575 = %while3A_480#1) -> (i32, vector<16xf32>)  : i32 {
      %mul3A_576 = arith.constant 16 : i32
      %mul3A_577 = arith.muli %while3A_573, %mul3A_576 : i32
      %get3A_578 = arith.index_cast %mul3A_577 : i32 to index
      %get3A_579 = tpu.vector_load %arg5[%get3A_578] {strides = array<i32>} : memref<8256xf32, #tpu.memory_space<vmem>>, vector<16xf32>,
      %gt3A = vector.broadcast %sub3A_435 : f32 to vector<16xf32>
      %gt3A_580 = arith.cmpf ogt, %get3A_579, %gt3A : vector<16xf32>
      %swap3A_581 = arith.index_cast %while3A_574 : i32 to index
      %swap3A_582 = tpu.vector_load %arg5[%swap3A_581] masked %gt3A_580 {strides = array<i32>} : memref<8256xf32, #tpu.memory_space<vmem>>, vector<16xf32>, vector<16xi1>
      tpu.vector_store %arg5[%swap3A_581], %get3A_579 masked %gt3A_580 {strides = array<i32>} : memref<8256xf32, #tpu.memory_space<vmem>>, vector<16xf32>, vector<16xi1>
      %all_reduce_population_count3A = tpu.all_reduce %gt3A_580 {dim = 0 : i64, kind = #tpu.reduction_kind<sum>} : vector<16xi1> -> vector<16xi32>
      %slice3A = vector.extract_strided_slice %all_reduce_population_count3A {offsets = [0], sizes = [1], strides = [1]} : vector<16xi32> to vector<1xi32>
      %squeeze3A = vector.extract %slice3A[0] : i32 from vector<1xi32>
      %add3A_583 = arith.addi %while3A_574, %squeeze3A : i32
      %jit3A_584 = arith.constant 0.000000e+00 : f32
      %broadcast_in_dim3A_585 = vector.broadcast %jit3A_584 : f32 to vector<16xf32>
      %select_n3A_586 = arith.select %gt3A_580, %get3A_579, %broadcast_in_dim3A_585 : vector<16xi1>, vector<16xf32>
      %add3A_587 = arith.addf %while3A_575, %select_n3A_586 : vector<16xf32>
      scf.yield %add3A_583, %add3A_587 : i32, vector<16xf32>
    }
    %add3A_483 = arith.constant 0 : i32
    %add3A_484 = arith.addi %while3A_482#0, %add3A_483 : i32
    %swap3A_485 = arith.index_cast %add3A_484 : i32 to index
    %swap3A_486 = tpu.vector_load %arg5[%swap3A_485] {strides = array<i32>} : memref<8256xf32, #tpu.memory_space<vmem>>, vector<16xf32>,
    tpu.vector_store %arg5[%swap3A_485], %broadcast_in_dim3A_438 {strides = array<i32>} : memref<8256xf32, #tpu.memory_space<vmem>>, vector<16xf32>,
    %add3A_487 = arith.constant 16 : i32
    %add3A_488 = arith.addi %while3A_482#0, %add3A_487 : i32
    %swap3A_489 = arith.index_cast %add3A_488 : i32 to index
    %swap3A_490 = tpu.vector_load %arg5[%swap3A_489] {strides = array<i32>} : memref<8256xf32, #tpu.memory_space<vmem>>, vector<16xf32>,
    tpu.vector_store %arg5[%swap3A_489], %broadcast_in_dim3A_438 {strides = array<i32>} : memref<8256xf32, #tpu.memory_space<vmem>>, vector<16xf32>,
    %add3A_491 = arith.constant 32 : i32
    %add3A_492 = arith.addi %while3A_482#0, %add3A_491 : i32
    %swap3A_493 = arith.index_cast %add3A_492 : i32 to index
    %swap3A_494 = tpu.vector_load %arg5[%swap3A_493] {strides = array<i32>} : memref<8256xf32, #tpu.memory_space<vmem>>, vector<16xf32>,
    tpu.vector_store %arg5[%swap3A_493], %broadcast_in_dim3A_438 {strides = array<i32>} : memref<8256xf32, #tpu.memory_space<vmem>>, vector<16xf32>,
    %add3A_495 = arith.constant 48 : i32
    %add3A_496 = arith.addi %while3A_482#0, %add3A_495 : i32
    %swap3A_497 = arith.index_cast %add3A_496 : i32 to index
    %swap3A_498 = tpu.vector_load %arg5[%swap3A_497] {strides = array<i32>} : memref<8256xf32, #tpu.memory_space<vmem>>, vector<16xf32>,
    tpu.vector_store %arg5[%swap3A_497], %broadcast_in_dim3A_438 {strides = array<i32>} : memref<8256xf32, #tpu.memory_space<vmem>>, vector<16xf32>,
    %add3A_499 = arith.constant 16 : i32
    %add3A_500 = arith.addi %while3A_482#0, %add3A_499 : i32
    %sub3A_501 = arith.constant 1 : i32
    %sub3A_502 = arith.subi %add3A_500, %sub3A_501 : i32
    %jit3A_503 = arith.constant 16 : i32
    %div3A_504 = arith.divsi %sub3A_502, %jit3A_503 : i32
    %sign3A_505 = arith.constant 0 : i32
    %sign3A_506 = arith.cmpi sgt, %sub3A_502, %sign3A_505 : i32
    %sign3A_507 = arith.extui %sign3A_506 : i1 to i32
    %sign3A_508 = arith.constant 0 : i32
    %sign3A_509 = arith.cmpi slt, %sub3A_502, %sign3A_508 : i32
    %sign3A_510 = arith.extui %sign3A_509 : i1 to i32
    %sign3A_511 = arith.subi %sign3A_507, %sign3A_510 : i32
    %sign3A_512 = arith.constant 0 : i32
    %sign3A_513 = arith.cmpi sgt, %jit3A_503, %sign3A_512 : i32
    %sign3A_514 = arith.extui %sign3A_513 : i1 to i32
    %sign3A_515 = arith.constant 0 : i32
    %sign3A_516 = arith.cmpi slt, %jit3A_503, %sign3A_515 : i32
    %sign3A_517 = arith.extui %sign3A_516 : i1 to i32
    %sign3A_518 = arith.subi %sign3A_514, %sign3A_517 : i32
    %ne3A_519 = arith.cmpi ne, %sign3A_511, %sign3A_518 : i32
    %rem3A_520 = arith.remsi %sub3A_502, %jit3A_503 : i32
    %ne3A_521 = arith.constant 0 : i32
    %ne3A_522 = arith.cmpi ne, %rem3A_520, %ne3A_521 : i32
    %and3A_523 = arith.andi %ne3A_519, %ne3A_522 : i1
    %sub3A_524 = arith.constant 1 : i32
    %sub3A_525 = arith.subi %div3A_504, %sub3A_524 : i32
    %select_n3A_526 = arith.select %and3A_523, %sub3A_525, %div3A_504 : i32
    %get3A_527 = arith.constant 0 : index
    %get3A_528 = tpu.vector_load %arg5[%get3A_527] {strides = array<i32>} : memref<8256xf32, #tpu.memory_space<vmem>>, vector<16xf32>,
    %get3A_529 = arith.constant 16 : index
    %get3A_530 = tpu.vector_load %arg5[%get3A_529] {strides = array<i32>} : memref<8256xf32, #tpu.memory_space<vmem>>, vector<16xf32>,
    %get3A_531 = arith.constant 32 : index
    %get3A_532 = tpu.vector_load %arg5[%get3A_531] {strides = array<i32>} : memref<8256xf32, #tpu.memory_space<vmem>>, vector<16xf32>,
    %get3A_533 = arith.constant 48 : index
    %get3A_534 = tpu.vector_load %arg5[%get3A_533] {strides = array<i32>} : memref<8256xf32, #tpu.memory_space<vmem>>, vector<16xf32>,
    %broadcast_in_dim3A_535 = vector.broadcast %sub3A_435 : f32 to vector<16xf32>
    %while3A_536 = arith.constant -1 : i32
    %while3A_537:4 = scf.while (%while3A_573 = %broadcast_in_dim3A_535, %while3A_574 = %while3A_536, %while3A_575 = %while3A_482#0, %while3A_576 = %while3A_482#1) : (vector<16xf32>, i32, i32, vector<16xf32>) -> (vector<16xf32>, i32, i32, vector<16xf32>) {
      %ne3A_577 = arith.cmpi ne, %while3A_575, %while3A_574 : i32
      scf.condition(%ne3A_577) %while3A_573, %while3A_574, %while3A_575, %while3A_576 : vector<16xf32>, i32, i32, vector<16xf32>
    } do {
    ^bb0(%while3A_573: vector<16xf32>, %while3A_574: i32, %while3A_575: i32, %while3A_576: vector<16xf32>):
      %reduce_sum3A = arith.constant true
      %reduce_sum3A_577 = vector.broadcast %reduce_sum3A : i1 to vector<16xi1>
      %reduce_sum3A_578 = tpu.scan <sum>, %while3A_576 masked %reduce_sum3A_577 : vector<16xf32>, vector<16xi1> -> vector<16xf32>
      %reduce_sum3A_579 = vector.extract %reduce_sum3A_578[15] : f32 from vector<16xf32>
      %sub3A_580 = arith.constant 1.000000e+00 : f32
      %sub3A_581 = arith.subf %reduce_sum3A_579, %sub3A_580 : f32
      %broadcast_in_dim3A_582 = vector.broadcast %sub3A_581 : f32 to vector<16xf32>
      %convert_element_type3A = arith.sitofp %while3A_575 : i32 to f32
      %broadcast_in_dim3A_583 = vector.broadcast %convert_element_type3A : f32 to vector<16xf32>
      %div3A_584 = arith.divf %broadcast_in_dim3A_582, %broadcast_in_dim3A_583 : vector<16xf32>
      %max3A = arith.maximumf %div3A_584, %while3A_573 : vector<16xf32>
      %broadcast_in_dim3A_585 = arith.constant 0.000000e+00 : f32
      %broadcast_in_dim3A_586 = vector.broadcast %broadcast_in_dim3A_585 : f32 to vector<16xf32>
      %gt3A = arith.cmpf ogt, %get3A_528, %max3A : vector<16xf32>
      %jit3A_587 = arith.constant 0.000000e+00 : f32
      %broadcast_in_dim3A_588 = vector.broadcast %jit3A_587 : f32 to vector<16xf32>
      %select_n3A_589 = arith.select %gt3A, %get3A_528, %broadcast_in_dim3A_588 : vector<16xi1>, vector<16xf32>
      %add3A_590 = arith.addf %broadcast_in_dim3A_586, %select_n3A_589 : vector<16xf32>
      %all_reduce_population_count3A = tpu.all_reduce %gt3A {dim = 0 : i64, kind = #tpu.reduction_kind<sum>} : vector<16xi1> -> vector<16xi32>
      %slice3A = vector.extract_strided_slice %all_reduce_population_count3A {offsets = [0], sizes = [1], strides = [1]} : vector<16xi32> to vector<1xi32>
      %squeeze3A = vector.extract %slice3A[0] : i32 from vector<1xi32>
      %add3A_591 = arith.constant 0 : i32
      %add3A_592 = arith.addi %add3A_591, %squeeze3A : i32
      %gt3A_593 = arith.cmpf ogt, %get3A_530, %max3A : vector<16xf32>
      %jit3A_594 = arith.constant 0.000000e+00 : f32
      %broadcast_in_dim3A_595 = vector.broadcast %jit3A_594 : f32 to vector<16xf32>
      %select_n3A_596 = arith.select %gt3A_593, %get3A_530, %broadcast_in_dim3A_595 : vector<16xi1>, vector<16xf32>
      %add3A_597 = arith.addf %add3A_590, %select_n3A_596 : vector<16xf32>
      %all_reduce_population_count3A_598 = tpu.all_reduce %gt3A_593 {dim = 0 : i64, kind = #tpu.reduction_kind<sum>} : vector<16xi1> -> vector<16xi32>
      %slice3A_599 = vector.extract_strided_slice %all_reduce_population_count3A_598 {offsets = [0], sizes = [1], strides = [1]} : vector<16xi32> to vector<1xi32>
      %squeeze3A_600 = vector.extract %slice3A_599[0] : i32 from vector<1xi32>
      %add3A_601 = arith.addi %add3A_592, %squeeze3A_600 : i32
      %gt3A_602 = arith.cmpf ogt, %get3A_532, %max3A : vector<16xf32>
      %jit3A_603 = arith.constant 0.000000e+00 : f32
      %broadcast_in_dim3A_604 = vector.broadcast %jit3A_603 : f32 to vector<16xf32>
      %select_n3A_605 = arith.select %gt3A_602, %get3A_532, %broadcast_in_dim3A_604 : vector<16xi1>, vector<16xf32>
      %add3A_606 = arith.addf %add3A_597, %select_n3A_605 : vector<16xf32>
      %all_reduce_population_count3A_607 = tpu.all_reduce %gt3A_602 {dim = 0 : i64, kind = #tpu.reduction_kind<sum>} : vector<16xi1> -> vector<16xi32>
      %slice3A_608 = vector.extract_strided_slice %all_reduce_population_count3A_607 {offsets = [0], sizes = [1], strides = [1]} : vector<16xi32> to vector<1xi32>
      %squeeze3A_609 = vector.extract %slice3A_608[0] : i32 from vector<1xi32>
      %add3A_610 = arith.addi %add3A_601, %squeeze3A_609 : i32
      %gt3A_611 = arith.cmpf ogt, %get3A_534, %max3A : vector<16xf32>
      %jit3A_612 = arith.constant 0.000000e+00 : f32
      %broadcast_in_dim3A_613 = vector.broadcast %jit3A_612 : f32 to vector<16xf32>
      %select_n3A_614 = arith.select %gt3A_611, %get3A_534, %broadcast_in_dim3A_613 : vector<16xi1>, vector<16xf32>
      %add3A_615 = arith.addf %add3A_606, %select_n3A_614 : vector<16xf32>
      %all_reduce_population_count3A_616 = tpu.all_reduce %gt3A_611 {dim = 0 : i64, kind = #tpu.reduction_kind<sum>} : vector<16xi1> -> vector<16xi32>
      %slice3A_617 = vector.extract_strided_slice %all_reduce_population_count3A_616 {offsets = [0], sizes = [1], strides = [1]} : vector<16xi32> to vector<1xi32>
      %squeeze3A_618 = vector.extract %slice3A_617[0] : i32 from vector<1xi32>
      %add3A_619 = arith.addi %add3A_610, %squeeze3A_618 : i32
      %while3A_620 = arith.constant 4 : i32
      %while3A_621 = arith.subi %select_n3A_526, %while3A_620 : i32
      %while3A_622 = arith.addi %while3A_620, %while3A_621 : i32
      %while3A_623 = arith.constant 1 : i32
      %while3A_624 = arith.divsi %while3A_621, %while3A_623 : i32
      %while3A_625 = arith.muli %while3A_624, %while3A_623 : i32
      %while3A_626 = arith.addi %while3A_620, %while3A_625 : i32
      %while3A_627 = arith.constant 1 : i32
      %while3A_628:2 = scf.for %while3A_631 = %while3A_620 to %while3A_626 step %while3A_627 iter_args(%while3A_632 = %add3A_615, %while3A_633 = %add3A_619) -> (vector<16xf32>, i32)  : i32 {
        %mul3A_634 = arith.constant 16 : i32
        %mul3A_635 = arith.muli %while3A_631, %mul3A_634 : i32
        %get3A_636 = arith.index_cast %mul3A_635 : i32 to index
        %get3A_637 = tpu.vector_load %arg5[%get3A_636] {strides = array<i32>} : memref<8256xf32, #tpu.memory_space<vmem>>, vector<16xf32>,
        %gt3A_638 = arith.cmpf ogt, %get3A_637, %max3A : vector<16xf32>
        %jit3A_639 = arith.constant 0.000000e+00 : f32
        %broadcast_in_dim3A_640 = vector.broadcast %jit3A_639 : f32 to vector<16xf32>
        %select_n3A_641 = arith.select %gt3A_638, %get3A_637, %broadcast_in_dim3A_640 : vector<16xi1>, vector<16xf32>
        %add3A_642 = arith.addf %while3A_632, %select_n3A_641 : vector<16xf32>
        %all_reduce_population_count3A_643 = tpu.all_reduce %gt3A_638 {dim = 0 : i64, kind = #tpu.reduction_kind<sum>} : vector<16xi1> -> vector<16xi32>
        %slice3A_644 = vector.extract_strided_slice %all_reduce_population_count3A_643 {offsets = [0], sizes = [1], strides = [1]} : vector<16xi32> to vector<1xi32>
        %squeeze3A_645 = vector.extract %slice3A_644[0] : i32 from vector<1xi32>
        %add3A_646 = arith.addi %while3A_633, %squeeze3A_645 : i32
        scf.yield %add3A_642, %add3A_646 : vector<16xf32>, i32
      }
      %while3A_629 = arith.constant 1 : i32
      %while3A_630:2 = scf.for %while3A_631 = %while3A_626 to %while3A_622 step %while3A_629 iter_args(%while3A_632 = %while3A_628#0, %while3A_633 = %while3A_628#1) -> (vector<16xf32>, i32)  : i32 {
        %mul3A_634 = arith.constant 16 : i32
        %mul3A_635 = arith.muli %while3A_631, %mul3A_634 : i32
        %get3A_636 = arith.index_cast %mul3A_635 : i32 to index
        %get3A_637 = tpu.vector_load %arg5[%get3A_636] {strides = array<i32>} : memref<8256xf32, #tpu.memory_space<vmem>>, vector<16xf32>,
        %gt3A_638 = arith.cmpf ogt, %get3A_637, %max3A : vector<16xf32>
        %jit3A_639 = arith.constant 0.000000e+00 : f32
        %broadcast_in_dim3A_640 = vector.broadcast %jit3A_639 : f32 to vector<16xf32>
        %select_n3A_641 = arith.select %gt3A_638, %get3A_637, %broadcast_in_dim3A_640 : vector<16xi1>, vector<16xf32>
        %add3A_642 = arith.addf %while3A_632, %select_n3A_641 : vector<16xf32>
        %all_reduce_population_count3A_643 = tpu.all_reduce %gt3A_638 {dim = 0 : i64, kind = #tpu.reduction_kind<sum>} : vector<16xi1> -> vector<16xi32>
        %slice3A_644 = vector.extract_strided_slice %all_reduce_population_count3A_643 {offsets = [0], sizes = [1], strides = [1]} : vector<16xi32> to vector<1xi32>
        %squeeze3A_645 = vector.extract %slice3A_644[0] : i32 from vector<1xi32>
        %add3A_646 = arith.addi %while3A_633, %squeeze3A_645 : i32
        scf.yield %add3A_642, %add3A_646 : vector<16xf32>, i32
      }
      scf.yield %max3A, %while3A_575, %while3A_630#1, %while3A_630#0 : vector<16xf32>, i32, i32, vector<16xf32>
    }
    %parallel_loop3A_538 = arith.constant 0 : i32
    %parallel_loop3A_539 = arith.constant 512 : i32
    %parallel_loop3A_540 = arith.constant 1 : i32
    scf.for %parallel_loop3A_573 = %parallel_loop3A_538 to %parallel_loop3A_539 step %parallel_loop3A_540  : i32 {
      %parallel_loop3A_574 = arith.constant 16 : i32
      %parallel_loop3A_575 = arith.muli %parallel_loop3A_573, %parallel_loop3A_574 : i32
      %parallel_loop3A_576 = arith.constant 24576 : i32
      %parallel_loop3A_577 = arith.addi %parallel_loop3A_576, %parallel_loop3A_575 : i32
      %parallel_loop3A_578 = arith.index_cast %parallel_loop3A_577 : i32 to index
      %parallel_loop3A_579 = tpu.vector_load %arg4[%parallel_loop3A_578] {strides = array<i32>} : memref<32768xf32, #tpu.memory_space<vmem>>, vector<16xf32>,
      %parallel_loop3A_580 = arith.subf %parallel_loop3A_579, %while3A_537#0 : vector<16xf32>
      %parallel_loop3A_581 = arith.constant 0.000000e+00 : f32
      %parallel_loop3A_582 = vector.broadcast %parallel_loop3A_581 : f32 to vector<16xf32>
      %parallel_loop3A_583 = arith.maximumf %parallel_loop3A_580, %parallel_loop3A_582 : vector<16xf32>
      %parallel_loop3A_584 = arith.index_cast %parallel_loop3A_577 : i32 to index
      %parallel_loop3A_585 = tpu.vector_load %arg4[%parallel_loop3A_584] {strides = array<i32>} : memref<32768xf32, #tpu.memory_space<vmem>>, vector<16xf32>,
      tpu.vector_store %arg4[%parallel_loop3A_584], %parallel_loop3A_583 {strides = array<i32>} : memref<32768xf32, #tpu.memory_space<vmem>>, vector<16xf32>,
    } {sc.loop_unroll_factor = 8 : i64, sc.parallel_access}
    %add3A_541 = arith.constant 24576 : i32
    %add3A_542 = arith.addi %mul3A_4, %add3A_541 : i32
    %dma_start3A_543 = arith.constant 24576 : i32
    %dma_start3A_544 = tpu.memref_slice %arg4[%dma_start3A_543] : memref<32768xf32, #tpu.memory_space<vmem>> -> memref<8192xf32, #tpu.memory_space<vmem>>
    %dma_start3A_545 = tpu.memref_slice %arg3[%add3A_542] : memref<1048576xf32, #tpu.memory_space<hbm>> -> memref<8192xf32, #tpu.memory_space<hbm>>
    %dma_start3A_546 = tpu.memref_slice %arg3[%add3A_542] : memref<1048576xf32, #tpu.memory_space<hbm>> -> memref<8192xf32, #tpu.memory_space<hbm>>
    %dma_start3A_547 = arith.constant 24576 : i32
    %dma_start3A_548 = tpu.memref_slice %arg4[%dma_start3A_547] : memref<32768xf32, #tpu.memory_space<vmem>> -> memref<8192xf32, #tpu.memory_space<vmem>>
    tpu.enqueue_dma source(%dma_start3A_548 : memref<8192xf32, #tpu.memory_space<vmem>>) target(%dma_start3A_546 : memref<8192xf32, #tpu.memory_space<hbm>>) target_semaphore(%arg13 : memref<!tpu.dma_semaphore, #tpu.memory_space<semaphore_mem>>)
    %dma_wait3A_549 = arith.constant 0 : i32
    %dma_wait3A_550 = tpu.memref_slice %arg4[%dma_wait3A_549] : memref<32768xf32, #tpu.memory_space<vmem>> -> memref<8192xf32, #tpu.memory_space<vmem>>
    %dma_wait3A_551 = tpu.memref_slice %arg3[%add3A_146] : memref<1048576xf32, #tpu.memory_space<hbm>> -> memref<8192xf32, #tpu.memory_space<hbm>>
    %dma_wait3A_552 = tpu.memref_slice %arg3[%add3A_146] : memref<1048576xf32, #tpu.memory_space<hbm>> -> memref<8192xf32, #tpu.memory_space<hbm>>
    %dma_wait3A_553 = arith.constant 0 : i32
    %dma_wait3A_554 = tpu.memref_slice %arg4[%dma_wait3A_553] : memref<32768xf32, #tpu.memory_space<vmem>> -> memref<8192xf32, #tpu.memory_space<vmem>>
    tpu.wait_dma2 semaphore(%arg10 : memref<!tpu.dma_semaphore, #tpu.memory_space<semaphore_mem>>) src(%dma_wait3A_554 : memref<8192xf32, #tpu.memory_space<vmem>>) dst(%dma_wait3A_552 : memref<8192xf32, #tpu.memory_space<hbm>>)
    %dma_wait3A_555 = arith.constant 8192 : i32
    %dma_wait3A_556 = tpu.memref_slice %arg4[%dma_wait3A_555] : memref<32768xf32, #tpu.memory_space<vmem>> -> memref<8192xf32, #tpu.memory_space<vmem>>
    %dma_wait3A_557 = tpu.memref_slice %arg3[%add3A_278] : memref<1048576xf32, #tpu.memory_space<hbm>> -> memref<8192xf32, #tpu.memory_space<hbm>>
    %dma_wait3A_558 = tpu.memref_slice %arg3[%add3A_278] : memref<1048576xf32, #tpu.memory_space<hbm>> -> memref<8192xf32, #tpu.memory_space<hbm>>
    %dma_wait3A_559 = arith.constant 8192 : i32
    %dma_wait3A_560 = tpu.memref_slice %arg4[%dma_wait3A_559] : memref<32768xf32, #tpu.memory_space<vmem>> -> memref<8192xf32, #tpu.memory_space<vmem>>
    tpu.wait_dma2 semaphore(%arg11 : memref<!tpu.dma_semaphore, #tpu.memory_space<semaphore_mem>>) src(%dma_wait3A_560 : memref<8192xf32, #tpu.memory_space<vmem>>) dst(%dma_wait3A_558 : memref<8192xf32, #tpu.memory_space<hbm>>)
    %dma_wait3A_561 = arith.constant 16384 : i32
    %dma_wait3A_562 = tpu.memref_slice %arg4[%dma_wait3A_561] : memref<32768xf32, #tpu.memory_space<vmem>> -> memref<8192xf32, #tpu.memory_space<vmem>>
    %dma_wait3A_563 = tpu.memref_slice %arg3[%add3A_410] : memref<1048576xf32, #tpu.memory_space<hbm>> -> memref<8192xf32, #tpu.memory_space<hbm>>
    %dma_wait3A_564 = tpu.memref_slice %arg3[%add3A_410] : memref<1048576xf32, #tpu.memory_space<hbm>> -> memref<8192xf32, #tpu.memory_space<hbm>>
    %dma_wait3A_565 = arith.constant 16384 : i32
    %dma_wait3A_566 = tpu.memref_slice %arg4[%dma_wait3A_565] : memref<32768xf32, #tpu.memory_space<vmem>> -> memref<8192xf32, #tpu.memory_space<vmem>>
    tpu.wait_dma2 semaphore(%arg12 : memref<!tpu.dma_semaphore, #tpu.memory_space<semaphore_mem>>) src(%dma_wait3A_566 : memref<8192xf32, #tpu.memory_space<vmem>>) dst(%dma_wait3A_564 : memref<8192xf32, #tpu.memory_space<hbm>>)
    %dma_wait3A_567 = arith.constant 24576 : i32
    %dma_wait3A_568 = tpu.memref_slice %arg4[%dma_wait3A_567] : memref<32768xf32, #tpu.memory_space<vmem>> -> memref<8192xf32, #tpu.memory_space<vmem>>
    %dma_wait3A_569 = tpu.memref_slice %arg3[%add3A_542] : memref<1048576xf32, #tpu.memory_space<hbm>> -> memref<8192xf32, #tpu.memory_space<hbm>>
    %dma_wait3A_570 = tpu.memref_slice %arg3[%add3A_542] : memref<1048576xf32, #tpu.memory_space<hbm>> -> memref<8192xf32, #tpu.memory_space<hbm>>
    %dma_wait3A_571 = arith.constant 24576 : i32
    %dma_wait3A_572 = tpu.memref_slice %arg4[%dma_wait3A_571] : memref<32768xf32, #tpu.memory_space<vmem>> -> memref<8192xf32, #tpu.memory_space<vmem>>
    tpu.wait_dma2 semaphore(%arg13 : memref<!tpu.dma_semaphore, #tpu.memory_space<semaphore_mem>>) src(%dma_wait3A_572 : memref<8192xf32, #tpu.memory_space<vmem>>) dst(%dma_wait3A_570 : memref<8192xf32, #tpu.memory_space<hbm>>)
    return
  }
}

</mosaic_0001>

<sc_bundles>
// kernel: kernel.3.cloned.1.call-start
scs
__scs_entry_jumppad:
0x0: {  	(pc) =	sbr.rel $0x88, $3  }
0x1: {  	(tag) =	ssettag $0x0;
	lr =	simm.s32 $0x1  }
0x2: {  	[smem:$0x3FA0] =	sst lr;
	_ =	strace $0xD0000000  }
0x3: {  	_ = 	snop  }
0x4: {  	_ = 	snop  }
0x5: {  	_ = 	snop  }
0x6: {  	_ = 	snop  }
0x7: {  	_ = 	snop  }
__scs_overlays_trampoline_lowered:
0x8: {  	[smem:$0x3FAF] =	sst s0  }
0x9: {  	[smem:$0x3FB0] =	sst s1  }
0xa: {  	[smem:$0x3FB1] =	sst s2  }
0xb: {  	[smem:$0x3FB2] =	sst s3  }
0xc: {  	[smem:$0x3FB3] =	sst s4  }
0xd: {  	[smem:$0x3FB4] =	sst s5  }
0xe: {  	[smem:$0x3FB5] =	sst s6  }
0xf: {  	[smem:$0x3FB6] =	sst s7  }
0x10: {  	[smem:$0x3FB7] =	sst s8  }
0x11: {  	[smem:$0x3FB8] =	sst s9;
	s0 =	simm.s32 @!p0 $0x0  }
0x12: {  	s1 =	sld [smem:$0x3F9E];
	s0 =	simm.s32 @p0 $0x1  }
0x13: {  	[smem:$0x3FB9] =	sst s0;
	s0 =	simm.s32 @!p1 $0x0  }
0x14: {  	s2 =	sld [smem:$0x3F9D];
	s0 =	simm.s32 @p1 $0x1  }
0x15: {  	[smem:$0x3FBA] =	sst s0;
	s0 =	simm.s32 @!p2 $0x0  }
0x16: {  	s3 =	sld [smem:$0x3FDB];
	s0 =	simm.s32 @p2 $0x1  }
0x17: {  	s4 =	simm.s32 $0x1BF5;
	[smem:$0x3FBC] =	sst s0  }
0x18: {  	s0 =	sld [smem:$0x3F9F];
	_ =	swait.ge [sflag:s4], $0x0  }
0x19: {  	s7 =	sld [smem:$0x3FA0]  }
0x1a: {  	s8 =	sadd.s32 $0xFFFFE003, lr  }
0x1b: {  	s9 =	sadd.s32 $0xFFFFFEF7, lr;
	s5 =	simm.s32 $0xFFFFFFFF;
	p2 =	slt.u32 s8, $0xFFFFF086  }
0x1c: {  	p1 =	slt.u32 s9, $0xF7A;
	s5 =	simm.s32 @!p2 $0x0  }
0x1d: {  	s5 =	simm.s32 @p1 $0x1;
	p0 =	seq.s32 s7, s2  }
0x1e: {  	s7 =	smul.u32 @!p0 $0xF7A, s2;
	p2 =	seq.s32 @!p0 s5, $0x0  }
0x1f: {  	s9 =	smul.u32 $0xF7A, s1;
	s8 =	simm.s32 @!p0 $0x1BF5;
	p2 =	por !p2, p0  }
0x20: {  	[sflag:s8] =	ssyncset.s32 @!p0 $0xFFFFF086;
	s6 =	sadd.s32 @!p0 s3, s7;
	s7 =	simm.s32 @!p0 $0x108  }
0x21: {  	s3 =	sadd.s32 s3, s9;
	s6 =	sadd.s32 @!p0 $0x88, s6;
	s7 =	simm.s32 @p2 $0x1082  }
0x22: {  	[simem:s7], [sflag:s8] =	dma.local @!p0 [hbm:s6], $0xF7A  }
0x23: {  	s9 =	sor.u32 $0xD0000000, s2;
	s6 =	simm.s32 $0x108;
	_ =	swait.ge @!p0 [sflag:s8], $0x0  }
0x24: {  	s3 =	sadd.s32 $0x88, s3;
	s6 =	simm.s32 @!p1 $0x1082;
	[sflag:s4] =	ssyncset.s32 $0xFFFFF086  }
0x25: {  	[simem:s6], [sflag:s4] =	dma.local [hbm:s3], $0xF7A  }
0x26: {  	[smem:$0x3FA0] =	sst s1;
	(tag) =	ssettag s2;
	_ =	strace s9  }
0x27: {  	s1 =	sld [smem:$0x3FB0]  }
0x28: {  	s2 =	sld [smem:$0x3FB1]  }
0x29: {  	s4 =	sld [smem:$0x3FB3]  }
0x2a: {  	p0 =	seq.s32 s5, $0x0;
	s5 =	sld [smem:$0x3FB4]  }
0x2b: {  	s6 =	sld [smem:$0x3FB5]  }
0x2c: {  	s7 =	sld [smem:$0x3FB6]  }
0x2d: {  	s3 =	simm.s32 $0x108;
	s8 =	sld [smem:$0x3FB7]  }
0x2e: {  	s3 =	simm.s32 @!p0 $0x1082;
	s9 =	sld [smem:$0x3FB8]  }
0x2f: {  	lr =	sadd.s32 s0, s3;
	s0 =	sld [smem:$0x3FAF]  }
0x30: {  	s3 =	sld [smem:$0x3FB2]  }
0x31: {  	[smem:$0x3FBB] =	sst s10  }
0x32: {  	s10 =	sld [smem:$0x3FB9];
	_ =	sdelay $0x3  }
0x33: {  	p0 =	seq.s32 s10, $0x1;
	s10 =	sld [smem:$0x3FBB];
	_ =	sdelay $0x3  }
0x34: {  	[smem:$0x3FBB] =	sst s10  }
0x35: {  	s10 =	sld [smem:$0x3FBA];
	_ =	sdelay $0x3  }
0x36: {  	p1 =	seq.s32 s10, $0x1;
	s10 =	sld [smem:$0x3FBB];
	_ =	sdelay $0x3  }
0x37: {  	[smem:$0x3FBB] =	sst s10  }
0x38: {  	s10 =	sld [smem:$0x3FBC]  }
0x39: {  	_ = 	snop;
	(pc) =	sbr.ind lr, $3  }
0x3a: {  	_ = 	snop  }
0x3b: {  	_ = 	snop  }
0x3c: {  	p2 =	seq.s32 s10, $0x1;
	s10 =	sld [smem:$0x3FBB]  }
0x3d: {  	_ =	shalt  }
0x3e: {  	_ =	shalt  }
0x3f: {  	_ =	shalt  }
0x40: {  	_ =	shalt  }
0x41: {  	_ =	shalt  }
0x42: {  	_ =	shalt  }
0x43: {  	_ =	shalt  }
0x44: {  	_ =	shalt  }
0x45: {  	_ =	shalt  }
0x46: {  	_ =	shalt  }
0x47: {  	_ =	shalt  }
0x48: {  	_ =	shalt  }
0x49: {  	_ =	shalt  }
0x4a: {  	_ =	shalt  }
0x4b: {  	_ =	shalt  }
0x4c: {  	_ =	shalt  }
0x4d: {  	_ =	shalt  }
0x4e: {  	_ =	shalt  }
0x4f: {  	_ =	shalt  }
0x50: {  	_ =	shalt  }
0x51: {  	_ =	shalt  }
0x52: {  	_ =	shalt  }
0x53: {  	_ =	shalt  }
0x54: {  	_ =	shalt  }
0x55: {  	_ =	shalt  }
0x56: {  	_ =	shalt  }
0x57: {  	_ =	shalt  }
0x58: {  	_ =	shalt  }
0x59: {  	_ =	shalt  }
0x5a: {  	_ =	shalt  }
0x5b: {  	_ =	shalt  }
0x5c: {  	_ =	shalt  }
0x5d: {  	_ =	shalt  }
0x5e: {  	_ =	shalt  }
0x5f: {  	_ =	shalt  }
0x60: {  	_ =	shalt  }
0x61: {  	_ =	shalt  }
0x62: {  	_ =	shalt  }
0x63: {  	_ =	shalt  }
0x64: {  	_ =	shalt  }
0x65: {  	_ =	shalt  }
0x66: {  	_ =	shalt  }
0x67: {  	_ =	shalt  }
0x68: {  	_ =	shalt  }
0x69: {  	_ =	shalt  }
0x6a: {  	_ =	shalt  }
0x6b: {  	_ =	shalt  }
0x6c: {  	_ =	shalt  }
0x6d: {  	_ =	shalt  }
0x6e: {  	_ =	shalt  }
0x6f: {  	_ =	shalt  }
0x70: {  	_ =	shalt  }
0x71: {  	_ =	shalt  }
0x72: {  	_ =	shalt  }
0x73: {  	_ =	shalt  }
0x74: {  	_ =	shalt  }
0x75: {  	_ =	shalt  }
0x76: {  	_ =	shalt  }
0x77: {  	_ =	shalt  }
0x78: {  	_ =	shalt  }
0x79: {  	_ =	shalt  }
0x7a: {  	_ =	shalt  }
0x7b: {  	_ =	shalt  }
0x7c: {  	_ =	shalt  }
0x7d: {  	_ =	shalt  }
0x7e: {  	_ =	shalt  }
0x7f: {  	_ =	shalt  }
0x80: {  	_ =	shalt  }
0x81: {  	_ =	shalt  }
0x82: {  	_ =	shalt  }
0x83: {  	_ =	shalt  }
0x84: {  	_ =	shalt  }
0x85: {  	_ =	shalt  }
0x86: {  	_ =	shalt  }
0x87: {  	_ =	shalt  }
.Lfunc_end0:
.L_simem_size_0:
called_computation_lowered:
.L_overlay_start_0:
0x88: {  	s2 =	sld [smem:$0x3FD9]  }
0x89: {  	s3 =	sld [smem:$0x3FFE];
	_ =	sdelay $0x1  }
0x8a: {  	s1 =	srdreg.scid  }
0x8b: {  	s0 =	sand.u32 $0x1, s1  }
0x8c: {  	s17 =	sshll.u32 s0, $0xA;
	s2 =	sadd.s32 s3, s2  }
0x8d: {  	s2 =	sadd.s32 s2, s17  }
0x8e: {  	[smem:$0x3FC7] =	sst s2  }
0x8f: {  	_ = 	snop  }
0x90: {  	s2 =	sld [smem:$0x3FD0];
	(tm) =	ssettm $0x1  }
0x91: {  	s18 =	sld [smem:$0x3FFB];
	_ =	sdelay $0x3  }
0x92: {  	_ =	strace s18  }
0x93: {  	s3 =	sld [smem:$0x3FFC];
	_ =	sdelay $0x3  }
0x94: {  	_ =	strace s3  }
0x95: {  	s3 =	sld [smem:$0x3FFD];
	_ =	sdelay $0x3  }
0x96: {  	_ =	strace s3  }
0x97: {  	_ =	strace $0x8FFFFFFF  }
0x98: {  	s19 =	sld [smem:$0x3FDB];
	_ =	sdelay $0x1  }
0x99: {  	s4 =	simm.s32 $_scs_section_size  }
0x9a: {  	s5 =	simm.s32 $_size__tile_overlayer_lowered;
	s6 =	simm.s32 $_tile_overlayer_lowered  }
0x9b: {  	s22 =	simm.s32 $0x1BFF;
	s21 =	sshll.u32 s6, $0x1;
	s3 =	sadd.s32 s4, s19  }
0x9c: {  	s7 =	simm.s32 $0x0;
	s20 =	sshll.u32 s5, $0x1;
	s5 =	sadd.s32 s21, s3  }
0x9d: {  	[timem:s7], [sflag:s22] =	dma.local [hbm:s5], s20  }
0x9e: {  	_ =	swait.ge [sflag:s22], s20  }
0x9f: {  	s4 =	ssub.s32 $0x0, s20;
	[sflag:s22] =	ssyncset.done $0x0  }
0xa0: {  	[sflag:s22] =	ssyncadd.s32 s4;
	_ =	sdelay $0x1  }
0xa1: {  	s23 =	simm.s32 $0x1B8B  }
0xa2: {  	_ =	swait.ge [sflag:s23], $0x1  }
0xa3: {  	[sflag:s23] =	ssyncset.done $0x0  }
0xa4: {  	s25 =	simm.s32 $0x1B8E;
	s24 =	sld [smem:$0x3FFE];
	[sflag:s23] =	ssyncadd.s32 $0xFFFFFFFF  }
0xa5: {  	s26 =	simm.s32 $execute0_lowered;
	[smem:$0x3FD2] =	sst s25  }
0xa6: {  	s5 =	sshll.u32 s26, $0x1;
	_ =	strace $0x80000046;
	[dreg:$0x1] =	wrdreg $0xFFFFFFFF  }
0xa7: {  	s28 =	simm.s32 $_size_execute0_lowered;
	s3 =	sadd.s32 s3, s5;
	[dreg:$0x0] =	wrdreg $0x0  }
0xa8: {  	s5 =	sshll.u32 s28, $0x1;
	[dreg:$0x2] =	wrdreg s3  }
0xa9: {  	[dreg:$0x3] =	wrdreg s5  }
0xaa: {  	[dreg:$0x4] =	wrdreg $0xC0  }
0xab: {  	_ =	task [dreg:s7], $0x5FFFF  }
0xac: {  	[dreg:$0x1] =	wrdreg $0xFFFFFFFF  }
0xad: {  	[dreg:$0x0] =	wrdreg $0x60  }
0xae: {  	[dreg:$0x2] =	wrdreg s2  }
0xaf: {  	[dreg:$0x3] =	wrdreg s24  }
0xb0: {  	[dreg:$0x4] =	wrdreg $0x9  }
0xb1: {  	_ =	task.clear_ibuf [dreg:s7], $0x5FFFF;
	_ =	strace $0x90000046  }
0xb2: {  	s29 =	simm.s32 $0x9;
	_ =	strace $0x80000048  }
0xb3: {  	_ =	swait.ge [sflag:s29], $0x1  }
0xb4: {  	[sflag:s29] =	ssyncadd.s32 $0xFFFFFFFF  }
0xb5: {  	_ =	strace $0x90000048  }
0xb6: {  	_ =	sfence  }
0xb7: {  	s30 =	sld [smem:$0x0];
	_ =	sdelay $0x2  }
0xb8: {  	s31 =	sshll.u32 s1, $0xD;
	s1 =	sshrl.u32 s1, $0x2  }
0xb9: {  	s3 =	sand.u32 $0x4000, s31;
	s1 =	sadd.s32 s1, s30  }
0xba: {  	s0 =	sor.u32 s3, s0;
	s1 =	sshll.u32 s1, $0x11  }
0xbb: {  	s0 =	sor.u32 s1, s0  }
0xbc: {  	s0 =	sadd.s32 $0x8F2B, s0  }
0xbd: {  	[sflag:s0] =	ssyncadd.remote.s32 $0x1  }
0xbe: {  	_ =	sfence.sel $0xFFFF  }
0xbf: {  	[dreg:$0x0] =	wrdreg $0xFFFFFFFF;
	(pc) =	sbr.abs _section_cstart, $3  }
0xc0: {  	[dreg:$0x1] =	wrdreg $0xFFFFFFFF  }
0xc1: {  	_ =	task.clear_ibuf [dreg:s7], $0x2FFFF;
	_ =	strace $0x9FFFFFFF  }
0xc2: {  	(tm) =	ssettm $0x7FFFFFFF  }
0xc3: {  	_ =	shalt  }
tec
execute0_lowered:
.L_overlay_start_1:
0x0: {  	(tag) =	ssettag $0x1  }
0x1: {  	s6 =	rddreg [dreg:$0x0]  }
0x2: {  	s3 =	rddreg [dreg:$0x1]  }
0x3: {  	s1 =	simm.s32 $0x0;
	s2 =	srdreg.scid;
	s0 =	stileid.u32  }
0x4: {  	s13 =	simm.s32 $0x4000;
	s14 =	simm.s32 $0x6000;
	s15 =	simm.s32 $0x1  }
0x5: {  	s16 =	simm.s32 $0x2;
	s17 =	simm.s32 $0x3;
	s18 =	simm.s32 $0x4  }
0x6: {  	s19 =	simm.s32 $0x5;
	s20 =	simm.s32 $0x6;
	s21 =	simm.s32 $0x7  }
0x7: {  	s22 =	simm.s32 $0x8;
	s23 =	simm.s32 $0x0;
	s4 =	sand.u32 $0x1, s2  }
0x8: {  	[smem:$0x7FF] =	sst s1;
	s8 =	sshll.u32 s0, $0xD;
	s5 =	ssub.s32 $0x2, s4  }
0x9: {  	s10 =	sadd.s32 $0x400, s3;
	s4 =	sshll.u32 s4, $0xC;
	s7 =	sshrl.u32 s5, $0x1  }
0xa: {  	_ =	strace $0x80000047;
	s31 =	sor.u32 s4, s8;
	s11 =	ssub.s32 s5, s7  }
0xb: {  	s3 =	sadd.s32 s6, s31;
	s8 =	sor.u32 $0x400, s31;
	s9 =	sor.u32 $0x800, s31  }
0xc: {  	s12 =	sor.u32 $0xC00, s31;
	s7 =	sadd.s32 s10, s31;
	s4 =	sadd.s32 s6, s8  }
0xd: {  	s5 =	sadd.s32 s6, s9;
	s6 =	sadd.s32 s6, s12;
	s8 =	sadd.s32 s10, s8  }
0xe: {  	s9 =	sadd.s32 s10, s9;
	s10 =	sadd.s32 s10, s12;
	s11 =	smax.u32 s11, $0x1  }
.LBB2_1:
0xf: {  	[tilespmem:s1], [sflag:$0x1] =	stream.linear.gather [hbm4b:s3+s1], $0x2000, $0x38;
	[tilespmem:$0xA080] =	vst v63  }
0x10: {  	s0 =	simm.s32 $0x2000  }
0x11: {  	[tilespmem:s0], [sflag:$0x2] =	stream.linear.gather [hbm4b:s4+s1], $0x2000, $0x38;
	[tilespmem:$0xA080] =	vst v63  }
0x12: {  	_ = 	snop  }
0x13: {  	[tilespmem:s13], [sflag:$0x3] =	stream.linear.gather [hbm4b:s5+s1], $0x2000, $0x38;
	[tilespmem:$0xA080] =	vst v63  }
0x14: {  	_ = 	snop  }
0x15: {  	[tilespmem:s14], [sflag:$0x4] =	stream.linear.gather [hbm4b:s6+s1], $0x2000, $0x38;
	[tilespmem:$0xA080] =	vst v63  }
0x16: {  	_ =	swait.ge [sflag:s15], $0x2000  }
0x17: {  	[sflag:s15] =	ssyncset.done $0x0  }
0x18: {  	s24 =	simm.s32 $0x40;
	[sflag:s15] =	ssyncadd.s32 $0xFFFFE000  }
0x19: {  	v8 =	vld [tilespmem:s24+$0xFFFFFFC0]  }
0x1a: {  	v12 =	vld [tilespmem:s24+$0xFFFFFFD0]  }
0x1b: {  	v13 =	vld [tilespmem:s24+$0xFFFFFFE0]  }
0x1c: {  	v14 =	vld [tilespmem:s24+$0xFFFFFFF0]  }
0x1d: {  	v0 =	vimm.f32 $-Inf  }
0x1e: {  	v16 =	vld [tilespmem:s24+$0x0];
	v0 =	vmax.f32 v0, v8  }
0x1f: {  	v1 =	vadd.f32 $-1.000000000e+00, v0;
	v0 =	vmax.f32 v0, v12  }
0x20: {  	v2 =	vadd.f32 $-1.000000000e+00, v0;
	v3 =	vmax.f32 v0, v13  }
0x21: {  	v0 =	vld [tilespmem:s24+$0x10];
	vm4 =	vgt.f32 v8, v1;
	v1 =	vadd.f32 $-1.000000000e+00, v3;
	v3 =	vmax.f32 v3, v14  }
0x22: {  	v4 =	vmpcnt.ones.xlane vm4;
	vm0 =	vgt.f32 v12, v2;
	v5 =	vadd.f32 $-1.000000000e+00, v3  }
0x23: {  	v2 =	vld [tilespmem:s24+$0x20];
	v3 =	vmax.f32 v3, v16;
	v6 =	vmpcnt.ones.xlane vm0;
	vm1 =	vgt.f32 v13, v1  }
0x24: {  	v1 =	vld [tilespmem:s24+$0x30];
	vm7 =	vmmov vm0;
	v7 =	vmpcnt.ones.xlane vm1;
	(v2sf) =	vpush v4, $0x0  }
0x25: {  	vm2 =	vgt.f32 v14, v5;
	v4 =	vadd.f32 $-1.000000000e+00, v3;
	vm5 =	vmmov vm1  }
0x26: {  	(v2sf) =	vpush v6, $0x0;
	v5 =	vmpcnt.ones.xlane vm2;
	v3 =	vmax.f32 v3, v0  }
0x27: {  	(v2sf) =	vpush v7, $0x0;
	vm0 =	vgt.f32 v16, v4;
	v4 =	vadd.f32 $-1.000000000e+00, v3  }
0x28: {  	s29 =	simm.s32 $0xC0;
	(v2sf) =	vpush v5, $0x0;
	v5 =	vmpcnt.ones.xlane vm0;
	v6 =	vmax.f32 v3, v2  }
0x29: {  	v3 =	vld [tilespmem:s29+$0xFFFFFFC0];
	v7 =	vadd.f32 $-1.000000000e+00, v6;
	v9 =	vmax.f32 v6, v1;
	vm1 =	vgt.f32 v0, v4  }
0x2a: {  	v4 =	vld [tilespmem:s29+$0xFFFFFFD0];
	v10 =	vadd.f32 $-1.000000000e+00, v9;
	(v2sf) =	vpush v5, $0x0;
	v11 =	vmpcnt.ones.xlane vm1  }
0x2b: {  	vm10 =	vmmov vm2;
	v5 =	vld [tilespmem:s29+$0xFFFFFFE0];
	vm3 =	vgt.f32 v2, v7  }
0x2c: {  	v6 =	vld [tilespmem:s29+$0xFFFFFFF0];
	v15 =	vmpcnt.ones.xlane vm3;
	vm2 =	vgt.f32 v1, v10;
	(v2sf) =	vpush v11, $0x0  }
0x2d: {  	vm9 =	vmmov vm0;
	vm1 =	vmmov vm1;
	v10 =	vmpcnt.ones.xlane vm2  }
0x2e: {  	v7 =	vld [tilespmem:s29+$0x0];
	vm0 =	vmmov vm3;
	v9 =	vmax.f32 v9, v3;
	(v2sf) =	vpush v15, $0x0  }
0x2f: {  	v11 =	vadd.f32 $-1.000000000e+00, v9;
	v9 =	vmax.f32 v9, v4;
	(v2sf) =	vpush v10, $0x0  }
0x30: {  	vm3 =	vmmov vm2;
	v10 =	vadd.f32 $-1.000000000e+00, v9;
	v9 =	vmax.f32 v9, v5  }
0x31: {  	vm2 =	vgt.f32 v3, v11;
	v15 =	vadd.f32 $-1.000000000e+00, v9;
	v17 =	vmax.f32 v9, v6;
	v9 =	vld [tilespmem:s29+$0x10]  }
0x32: {  	v18 =	vmpcnt.ones.xlane vm2;
	vm8 =	vgt.f32 v4, v10;
	v19 =	vadd.f32 $-1.000000000e+00, v17  }
0x33: {  	v11 =	vld [tilespmem:s29+$0x20];
	v20 =	vmpcnt.ones.xlane vm8;
	vm11 =	vgt.f32 v5, v15;
	v15 =	vmax.f32 v17, v7  }
0x34: {  	v10 =	vld [tilespmem:s29+$0x30];
	v17 =	vmpcnt.ones.xlane vm11;
	vm6 =	vgt.f32 v6, v19;
	(v2sf) =	vpush v18, $0x0  }
0x35: {  	v19 =	vadd.f32 $-1.000000000e+00, v15;
	s30 =	spop (v2sf);
	v18 =	vmpcnt.ones.xlane vm6;
	(v2sf) =	vpush v20, $0x0  }
0x36: {  	[tilespmem:s1+$0x8000] =	vst.msk vm4, v8;
	vm4 =	vmmov vm8;
	s25 =	sadd.s32 $0x0, s30;
	s26 =	spop (v2sf);
	v15 =	vmax.f32 v15, v9;
	(v2sf) =	vpush v17, $0x0  }
0x37: {  	s24 =	simm.s32 $0x140;
	vm8 =	vgt.f32 v7, v19;
	[tilespmem:s25+$0x8000] =	vst.msk vm7, v12;
	s25 =	sadd.s32 s25, s26;
	s31 =	spop (v2sf);
	v12 =	vadd.f32 $-1.000000000e+00, v15;
	(v2sf) =	vpush v18, $0x0  }
0x38: {  	v8 =	vld [tilespmem:s24+$0xFFFFFFE0];
	v18 =	vmpcnt.ones.xlane vm8;
	v17 =	vmax.f32 v15, v11;
	s28 =	spop (v2sf);
	[tilespmem:s25+$0x8000] =	vst.msk vm5, v13;
	s25 =	sadd.s32 s25, s31;
	vm5 =	vmmov vm11  }
0x39: {  	v13 =	vld [tilespmem:s24+$0xFFFFFFC0];
	v15 =	vadd.f32 $-1.000000000e+00, v17;
	[tilespmem:s25+$0x8000] =	vst.msk vm10, v14;
	s28 =	sadd.s32 s25, s28;
	vm7 =	vgt.f32 v9, v12;
	v14 =	vmax.f32 v17, v10;
	s29 =	spop (v2sf)  }
0x3a: {  	s26 =	simm.s32 $0x1C0;
	s25 =	simm.s32 $0x10;
	v12 =	vld [tilespmem:s24+$0xFFFFFFD0];
	(v2sf) =	vpush v18, $0x0;
	[tilespmem:s28+$0x8000] =	vst.msk vm9, v16;
	v16 =	vmpcnt.ones.xlane vm7;
	v17 =	vadd.f32 $-1.000000000e+00, v14;
	s28 =	sadd.s32 s28, s29  }
.LBB2_2:
0x3b: {  	v18 =	vld [tilespmem:s26+$0xFFFFFFE0];
	s25 =	sadd.s32 $0x8, s25;
	vm11 =	vgt.f32 v11, v15;
	s29 =	spop (v2sf);
	vm10 =	vmmov vm6;
	vm9 =	vmmov vm8  }
0x3c: {  	p0 =	slt.u32 s25, $0x1F8;
	v15 =	vld [tilespmem:s24+$0xFFFFFFF0];
	v19 =	vmpcnt.ones.xlane vm11;
	vm6 =	vgt.f32 v10, v17;
	(v2sf) =	vpush v16, $0x0;
	s29 =	sadd.s32 s28, s29  }
0x3d: {  	v16 =	vld [tilespmem:s24+$0x0];
	v17 =	vmpcnt.ones.xlane vm6;
	[tilespmem:s29+$0x8000] =	vst.msk vm0, v2;
	s30 =	spop (v2sf);
	v2 =	vmov v11;
	vm0 =	vmmov vm11  }
0x3e: {  	v11 =	vmax.f32 v14, v13;
	(v2sf) =	vpush v19, $0x0;
	[tilespmem:s28+$0x8000] =	vst.msk vm1, v0;
	s28 =	sadd.s32 s29, s30;
	s29 =	spop (v2sf);
	v0 =	vmovc v9;
	vm1 =	vmmov vm7  }
0x3f: {  	v9 =	vadd.f32 $-1.000000000e+00, v11;
	v11 =	vmax.f32 v11, v12;
	(v2sf) =	vpush v17, $0x0;
	[tilespmem:s28+$0x8000] =	vst.msk vm3, v1;
	s28 =	sadd.s32 s28, s29;
	v1 =	vmovc v10  }
0x40: {  	vm3 =	vmmov vm6;
	v10 =	vadd.f32 $-1.000000000e+00, v11;
	v11 =	vmax.f32 v11, v8;
	[tilespmem:s28+$0x8000] =	vst.msk vm2, v3;
	v3 =	vmovc v13  }
0x41: {  	vm2 =	vgt.f32 v3, v9;
	v13 =	vadd.f32 $-1.000000000e+00, v11;
	v14 =	vmax.f32 v11, v15;
	v9 =	vld [tilespmem:s24+$0x10]  }
0x42: {  	v17 =	vmpcnt.ones.xlane vm2;
	vm8 =	vgt.f32 v12, v10;
	v19 =	vadd.f32 $-1.000000000e+00, v14;
	v11 =	vld [tilespmem:s24+$0x20]  }
0x43: {  	v20 =	vmpcnt.ones.xlane vm8;
	vm7 =	vgt.f32 v8, v13;
	v13 =	vmax.f32 v14, v16;
	v10 =	vld [tilespmem:s24+$0x30];
	s29 =	spop (v2sf);
	s24 =	smov.u32 s26  }
0x44: {  	v14 =	vmpcnt.ones.xlane vm7;
	vm6 =	vgt.f32 v15, v19;
	(v2sf) =	vpush v17, $0x0;
	s28 =	sadd.s32 s28, s29;
	s29 =	spop (v2sf)  }
0x45: {  	v19 =	vadd.f32 $-1.000000000e+00, v13;
	v17 =	vmpcnt.ones.xlane vm6;
	(v2sf) =	vpush v20, $0x0;
	[tilespmem:s28+$0x8000] =	vst.msk vm4, v4;
	s28 =	sadd.s32 s28, s29;
	s29 =	spop (v2sf);
	v4 =	vmovc v12  }
.Ltmp0:
0x46: {  	vm4 =	vmmov vm8;
	v12 =	vmax.f32 v13, v9;
	(v2sf) =	vpush v14, $0x0;
	[tilespmem:s28+$0x8000] =	vst.msk vm5, v5;
	s28 =	sadd.s32 s28, s29;
	s29 =	spop (v2sf);
	v5 =	vmovc v8;
	v8 =	vmovc v18;
	(pc) =	sbr.rel @p0 .LBB2_2-.Ltmp0, $4  }
0x47: {  	vm8 =	vgt.f32 v16, v19;
	v14 =	vadd.f32 $-1.000000000e+00, v12;
	(v2sf) =	vpush v17, $0x0;
	[tilespmem:s28+$0x8000] =	vst.msk vm10, v6;
	s28 =	sadd.s32 s28, s29;
	v6 =	vmovc v15  }
0x48: {  	vm5 =	vmmov vm7;
	v18 =	vmpcnt.ones.xlane vm8;
	v12 =	vmax.f32 v12, v11;
	[tilespmem:s28+$0x8000] =	vst.msk vm9, v7;
	v7 =	vmovc v16  }
0x49: {  	v15 =	vadd.f32 $-1.000000000e+00, v12;
	v13 =	vld [tilespmem:s26+$0xFFFFFFC0];
	vm7 =	vgt.f32 v9, v14;
	v14 =	vmax.f32 v12, v10;
	s29 =	spop (v2sf)  }
0x4a: {  	s26 =	sadd.s32 $0x80, s26;
	v12 =	vld [tilespmem:s24+$0xFFFFFFD0];
	v16 =	vmpcnt.ones.xlane vm7;
	v17 =	vadd.f32 $-1.000000000e+00, v14;
	(v2sf) =	vpush v18, $0x0;
	s28 =	sadd.s32 s28, s29  }
0x4b: {  	_ =	sdelay $0x2  }
0x4c: {  	vm9 =	vgt.f32 v11, v15;
	v14 =	vmax.f32 v14, v13  }
0x4d: {  	v43 =	vimm.s32 $0x0;
	v45 =	vimm.s32 $0x0;
	v47 =	vadd.f32 $-1.000000000e+00, v14  }
0x4e: {  	v48 =	vimm.s32 $0x0;
	v15 =	vsel vm9, $0xFFFFFFFF, v43;
	vm15 =	vgt.f32 v10, v17  }
0x4f: {  	v18 =	vld [tilespmem:s24+$0xFFFFFFF0];
	v44 =	vmpcnt.ones.xlane vm9;
	[tilespmem:$0x1FFD0] =	vst v15;
	v17 =	vsel vm15, $0xFFFFFFFF, v45;
	vm9 =	vgt.f32 v13, v47  }
0x50: {  	[tilespmem:$0x1FFE0] =	vst v17;
	v15 =	vsel vm9, $0xFFFFFFFF, v48  }
0x51: {  	v46 =	vld [tilespmem:s24+$0x0];
	[tilespmem:$0x1FFF0] =	vst v15  }
0x52: {  	(v2sf) =	vpush v16, $0x0;
	v19 =	vmpcnt.ones.xlane vm15;
	v14 =	vmax.f32 v14, v12;
	v50 =	vld [tilespmem:s24+$0x10]  }
0x53: {  	s30 =	spop (v2sf);
	(v2sf) =	vpush v44, $0x0;
	v20 =	vadd.f32 $-1.000000000e+00, v14;
	v14 =	vmax.f32 v14, v8;
	v21 =	vld [tilespmem:s24+$0x20]  }
0x54: {  	s25 =	spop (v2sf);
	(v2sf) =	vpush v19, $0x0;
	v49 =	vmax.f32 v14, v18;
	v14 =	vadd.f32 $-1.000000000e+00, v14;
	v23 =	vld [tilespmem:s24+$0x30];
	s24 =	sadd.s32 s28, s30;
	[tilespmem:s28+$0x8000] =	vst.msk vm1, v0  }
0x55: {  	s26 =	spop (v2sf);
	vm12 =	vgt.f32 v12, v20;
	v51 =	vadd.f32 $-1.000000000e+00, v49;
	v52 =	vmpcnt.ones.xlane vm9;
	s25 =	sadd.s32 s24, s25;
	[tilespmem:s24+$0x8000] =	vst.msk vm0, v2  }
0x56: {  	v22 =	vmpcnt.ones.xlane vm12;
	vm11 =	vgt.f32 v8, v14;
	s29 =	spop (v2sf);
	v53 =	vmax.f32 v49, v46;
	s26 =	sadd.s32 s25, s26;
	[tilespmem:s25+$0x8000] =	vst.msk vm3, v1  }
0x57: {  	vm13 =	vgt.f32 v18, v51;
	v54 =	vmpcnt.ones.xlane vm11;
	(v2sf) =	vpush v52, $0x0;
	s30 =	spop (v2sf);
	s29 =	sadd.s32 s26, s29;
	[tilespmem:s26+$0x8000] =	vst.msk vm2, v3  }
0x58: {  	v55 =	vmpcnt.ones.xlane vm13;
	v56 =	vadd.f32 $-1.000000000e+00, v53;
	(v2sf) =	vpush v22, $0x0;
	s31 =	spop (v2sf);
	s30 =	sadd.s32 s29, s30;
	[tilespmem:s29+$0x8000] =	vst.msk vm4, v4  }
0x59: {  	(v2sf) =	vpush v54, $0x0;
	s0 =	spop (v2sf);
	v14 =	vmax.f32 v53, v50;
	s31 =	sadd.s32 s30, s31;
	[tilespmem:s30+$0x8000] =	vst.msk vm5, v5;
	vm5 =	vmmov vm6  }
0x5a: {  	vm6 =	vmmov vm8;
	v57 =	vadd.f32 $-1.000000000e+00, v14;
	v14 =	vmax.f32 v14, v21;
	s0 =	sadd.s32 s31, s0;
	[tilespmem:s31+$0x8000] =	vst.msk vm5, v6  }
0x5b: {  	vm10 =	vgt.f32 v46, v56;
	v58 =	vadd.f32 $-1.000000000e+00, v14;
	v14 =	vmax.f32 v14, v23;
	[tilespmem:s0+$0x8000] =	vst.msk vm6, v7  }
0x5c: {  	v59 =	vmpcnt.ones.xlane vm10;
	v24 =	vadd.f32 $-1.000000000e+00, v14;
	vm14 =	vgt.f32 v50, v57;
	v0 =	vld [tilespmem:$0x1FFD0]  }
0x5d: {  	(v2sf) =	vpush v55, $0x0;
	(xrf0) =	vmax.scan.msk.f32 $0xffff, v14;
	v60 =	vmpcnt.ones.xlane vm14;
	vm9 =	vgt.f32 v21, v58  }
0x5e: {  	(v2sf) =	vpush v59, $0x0;
	v61 =	vmpcnt.ones.xlane vm9;
	vm15 =	vgt.f32 v23, v24  }
0x5f: {  	(v2sf) =	vpush v60, $0x0;
	v62 =	vmpcnt.ones.xlane vm15  }
0x60: {  	s2 =	spop (v2sf);
	(v2sf) =	vpush v61, $0x0  }
0x61: {  	s12 =	spop (v2sf);
	s2 =	sadd.s32 s0, s2;
	(v2sf) =	vpush v62, $0x0;
	vm8 =	vnez.u8 v0  }
0x62: {  	s12 =	sadd.s32 s2, s12;
	vm0 =	vmmov vm8  }
0x63: {  	v63, _, _ =	vpop (xrf0);
	[tilespmem:s12+$0x8000] =	vst.msk vm0, v11  }
0x64: {  	(v2sf) =	vpush v63, $0xF;
	v0 =	vld [tilespmem:$0x1FFE0];
	_ =	sdelay $0x2  }
0x65: {  	s24 =	spop (v2sf)  }
0x66: {  	s28 =	spop (v2sf);
	s24 =	sadd.s32 s12, s24  }
0x67: {  	vm4 =	vmmov vm7;
	s28 =	sadd.s32 s24, s28;
	s25 =	spop (v2sf);
	vm5 =	vnez.u8 v0  }
0x68: {  	s25 =	sadd.s32 s28, s25;
	s26 =	spop (v2sf);
	[tilespmem:s2+$0x8000] =	vst.msk vm4, v9;
	vm0 =	vmmov vm5  }
0x69: {  	s26 =	sadd.s32 s25, s26;
	s29 =	spop (v2sf);
	[tilespmem:s24+$0x8000] =	vst.msk vm0, v10  }
0x6a: {  	s29 =	sadd.s32 s26, s29;
	s30 =	spop (v2sf);
	v0 =	vld [tilespmem:$0x1FFF0]  }
0x6b: {  	s30 =	sadd.s32 s29, s30;
	s31 =	spop (v2sf)  }
0x6c: {  	s0 =	sadd.s32 s30, s31;
	s31 =	spop (v2sf)  }
0x6d: {  	s12 =	sadd.s32 s0, s31;
	s31 =	spop (v2sf)  }
0x6e: {  	s2 =	sadd.s32 s12, s31;
	s31 =	spop (v2sf)  }
0x6f: {  	s24 =	sadd.s32 s2, s31;
	vm7 =	vnez.u8 v0  }
0x70: {  	vm6 =	vmmov vm12;
	[tilespmem:s28+$0x8000] =	vst.msk vm7, v13;
	s28 =	sadd.s32 $0xF, s24  }
0x71: {  	vm8 =	vmmov vm11;
	[tilespmem:s25+$0x8000] =	vst.msk vm6, v12;
	s25 =	spop (v2sf);
	s31 =	sand.u32 $0xF, s28  }
0x72: {  	vm11 =	vmmov vm13;
	[tilespmem:s26+$0x8000] =	vst.msk vm8, v8;
	p1 =	slt.s32 s28, $0x1;
	p0 =	sne.s32 s31, $0x0;
	s31 =	sshra.s32 s28, $0x1F  }
0x73: {  	[tilespmem:s29+$0x8000] =	vst.msk vm11, v18;
	s29 =	sadd.f32 $-1.000000000e+00, s25;
	s26 =	sshrl.u32 s31, $0x1C;
	p0 =	por !p1, !p0  }
0x74: {  	s25 =	sadd.s32 s26, s28;
	p0 =	por !p0, !p0;
	s26 =	simm.s32 $0x1  }
0x75: {  	s25 =	sshra.s32 s25, $0x4;
	s26 =	simm.s32 @!p0 $0x0  }
0x76: {  	s25 =	ssub.s32 s25, s26  }
0x77: {  	vm12 =	vmmov vm10;
	p0 =	slt.s32 s25, $0x1  }
.Ltmp1:
0x78: {  	vm14 =	vmmov vm14;
	[tilespmem:s30+$0x8000] =	vst.msk vm12, v46;
	(pc) =	sbr.rel @p0 .LBB2_10-.Ltmp1, $4  }
0x79: {  	vm13 =	vmmov vm9;
	[tilespmem:s0+$0x8000] =	vst.msk vm14, v50;
	s31 =	sadd.f32 $-1.000000000e+00, s29  }
0x7a: {  	vm15 =	vmmov vm15;
	[tilespmem:s12+$0x8000] =	vst.msk vm13, v21  }
0x7b: {  	[tilespmem:s2+$0x8000] =	vst.msk vm15, v23;
	v2 =	vmov s31  }
0x7c: {  	v1 =	vimm.f32 $0.0e+00;
	v0 =	vmov s29;
	[tilespmem:s24+$0x8000] =	vst v2;
	s24 =	simm.s32 $0x0;
	s26 =	simm.s32 $0x8000  }
0x7d: {  	p1 =	sne.s32 s25, $0x1  }
.Ltmp2:
0x7e: {  	_ = 	snop;
	(pc) =	sbr.rel @!p1 .LBB2_5-.Ltmp2, $2  }
0x7f: {  	_ =	sdelay $0x2  }
0x80: {  	v3 =	vld [tilespmem:s26+$0x0];
	s25 =	sadd.s32 $0xFFFFFFFF, s25;
	p0 =	por $0x0, $0x0  }
0x81: {  	_ =	sdelay $0x3  }
0x82: {  	vm0 =	vgt.f32 v3, v0  }
0x83: {  	v4 =	vmpcnt.ones.xlane vm0;
	_ =	sdelay $0x1  }
0x84: {  	(v2sf) =	vpush v4, $0x0;
	_ =	sdelay $0x2  }
0x85: {  	p1 =	sne.s32 s25, $0x1  }
.Ltmp3:
0x86: {  	_ = 	snop;
	(pc) =	sbr.rel @!p1 .LBB2_7-.Ltmp3, $3  }
0x87: {  	_ =	sdelay $0x1  }
0x88: {  	s26 =	sadd.s32 $0x10, s26;
	v5 =	vnsel vm0, $0x0, v3;
	[tilespmem:s24+$0x8000] =	vst.msk vm0, v3  }
0x89: {  	s28 =	sadd.s32 $0xFFFFFFFF, s25;
	p0 =	por $0x1, $0x1;
	s25 =	simm.s32 $0x0;
	v1 =	vadd.f32 v5, v1;
	v3 =	vld [tilespmem:s26+$0x0]  }
.LBB2_8:
0x8a: {  	p1 =	sne.s32 s28, $0x1;
	_ =	sdelay $0x3  }
0x8b: {  	vm0 =	vgt.f32 v3, v0  }
0x8c: {  	v4 =	vmpcnt.ones.xlane vm0;
	v5 =	vnsel vm0, $0x0, v3  }
0x8d: {  	v1 =	vadd.f32 v5, v1;
	s0 =	spop (v2sf)  }
0x8e: {  	(v2sf) =	vpush v4, $0x0;
	s25 =	sadd.s32 s25, s0  }
0x8f: {  	[tilespmem:s25+$0x8000] =	vst.msk vm0, v3;
	_ =	sdelay $0x2  }
.Ltmp4:
0x90: {  	(pc) =	sbr.rel @p1 .LBB2_8-.Ltmp4, $3  }
0x91: {  	_ =	sdelay $0x1  }
0x92: {  	s26 =	sadd.s32 $0x10, s26  }
0x93: {  	s28 =	sadd.s32 $0xFFFFFFFF, s28;
	v3 =	vld [tilespmem:s26+$0x0]  }
.LBB2_9:
0x94: {  	_ =	sdelay $0x3  }
0x95: {  	vm0 =	vgt.f32 v3, v0  }
0x96: {  	v4 =	vmpcnt.ones.xlane vm0;
	_ =	sdelay $0x1  }
0x97: {  	(v2sf) =	vpush v4, $0x0;
	_ =	sdelay $0xc  }
0x98: {  	s0 =	spop @p0 (v2sf)  }
0x99: {  	s0 =	sadd.s32 @p0 s25, s0  }
0x9a: {  	v63 =	vnsel vm0, $0x0, v3;
	s24 =	smov.u32 @p0 s0;
	s31 =	spop (v2sf)  }
0x9b: {  	v1 =	vadd.f32 v63, v1;
	[tilespmem:s24+$0x8000] =	vst.msk vm0, v3;
	s24 =	sadd.s32 s24, s31  }
.LBB2_10:
0x9c: {  	p0 =	seq.s32 s24, $0xFFFFFFFF  }
.Ltmp5:
0x9d: {  	_ = 	snop;
	(pc) =	sbr.rel @p0 .LBB2_14-.Ltmp5, $4  }
0x9e: {  	[tilespmem:s24+$0x8000] =	vst v2  }
0x9f: {  	[tilespmem:s24+$0x8010] =	vst v2  }
0xa0: {  	[tilespmem:s24+$0x8020] =	vst v2  }
0xa1: {  	[tilespmem:s24+$0x8030] =	vst v2  }
0xa2: {  	s0 =	sadd.s32 $0xF, s24  }
0xa3: {  	s2 =	sshra.s32 s0, $0x1F;
	s12 =	sand.u32 $0xF, s0  }
0xa4: {  	v2 =	vld [tilespmem:$0x8000];
	p0 =	slt.s32 s0, $0x1;
	s2 =	sshrl.u32 s2, $0x1C;
	p1 =	sne.s32 s12, $0x0  }
.Ltmp6:
0xa5: {  	s12 =	simm.s32 $0x1;
	p0 =	por !p0, !p1;
	(pc) =	sbr.rel .LBB2_12-.Ltmp6, $4  }
0xa6: {  	s0 =	sadd.s32 s2, s0;
	s2 =	simm.s32 $0xFFFFFFFF;
	p0 =	por !p0, !p0  }
0xa7: {  	v3 =	vld [tilespmem:$0x8010];
	s0 =	sshra.s32 s0, $0x4;
	s2 =	simm.s32 @!p0 $0x0;
	s12 =	simm.s32 @!p0 $0x0  }
0xa8: {  	v4 =	vld [tilespmem:$0x8020];
	s12 =	ssub.s32 s0, s12;
	s0 =	sadd.s32 s2, s0  }
0xa9: {  	v5 =	vld [tilespmem:$0x8030];
	v6 =	vadd.f32 $0.0e+00, v2;
	s25 =	sadd.s32 $0xFFFFFFFC, s0;
	p0 =	slt.s32 s12, $0x5  }
.LBB2_22:
0xaa: {  	s28 =	smov.u32 s26  }
.LBB2_31:
0xab: {  	v8 =	vmpcnt.ones.xlane vm0;
	_ =	sdelay $0x1  }
0xac: {  	(v2sf) =	vpush v8, $0x0;
	_ =	sdelay $0x9  }
0xad: {  	s0 =	sadd.s32 @p3 s28, s29;
	s2 =	spop @p2 (v2sf);
	s12 =	smov.u32 s26  }
0xae: {  	s2 =	smov.u32 @p2 s2;
	s12 =	smov.u32 @p3 s0  }
0xaf: {  	s0 =	sadd.s32 @p2 s12, s2;
	s12 =	smov.u32 s26;
	s2 =	spop @p1 (v2sf)  }
0xb0: {  	s12 =	smov.u32 @p2 s0;
	s2 =	smov.u32 @p1 s2  }
0xb1: {  	s0 =	sadd.s32 @p1 s12, s2  }
0xb2: {  	v7 =	vnsel vm0, $0x0, v7;
	s26 =	smov.u32 @p1 s0;
	s31 =	spop (v2sf)  }
0xb3: {  	v1 =	vadd.f32 v7, v1;
	s26 =	sadd.s32 s26, s31  }
.LBB2_13:
0xb4: {  	p1 =	sne.s32 s26, s24  }
.Ltmp7:
0xb5: {  	_ = 	snop;
	(pc) =	sbr.rel @!p1 .LBB2_14-.Ltmp7, $2  }
0xb6: {  	_ =	sdelay $0x2  }
0xb7: {  	s24 =	smov.u32 s26  }
.LBB2_12:
0xb8: {  	_ = 	snop  }
0xb9: {  	(xrf2) =	vadd.scan.msk.f32 $0xffff, v1;
	_ =	sdelay $0x9  }
0xba: {  	v1, _, _ =	vpop (xrf2)  }
0xbb: {  	(v2sf) =	vpush v1, $0xF;
	_ =	sdelay $0x4  }
0xbc: {  	s0 =	scvt.s32.f32 s24;
	_ =	sdelay $0x1  }
0xbd: {  	v1 =	vmov s0  }
0xbe: {  	(erf) = vrcp.f32 v1;
	_ =	sdelay $0x6  }
0xbf: {  	s26 =	spop (v2sf)  }
0xc0: {  	s0 =	sadd.f32 $-1.000000000e+00, s26  }
0xc1: {  	v1 =	vpop (erf)  }
0xc2: {  	v1 =	vmul.f32 s0, v1;
	_ =	sdelay $0x1  }
0xc3: {  	v0 =	vmax.f32 v1, v0  }
0xc4: {  	vm0 =	vgt.f32 v2, v0  }
0xc5: {  	vm1 =	vgt.f32 v3, v0;
	v1 =	vmpcnt.ones.xlane vm0  }
0xc6: {  	vm2 =	vgt.f32 v4, v0;
	v7 =	vmpcnt.ones.xlane vm1  }
0xc7: {  	vm3 =	vgt.f32 v5, v0;
	(v2sf) =	vpush v1, $0x0;
	v1 =	vmpcnt.ones.xlane vm2  }
0xc8: {  	(v2sf) =	vpush v7, $0x0;
	v7 =	vmpcnt.ones.xlane vm3  }
0xc9: {  	(v2sf) =	vpush v1, $0x0  }
0xca: {  	(v2sf) =	vpush v7, $0x0;
	_ =	sdelay $0xa  }
0xcb: {  	v1 =	vnsel vm0, $0x0, v6;
	v7 =	vnsel vm1, $0x0, v3  }
.Ltmp8:
0xcc: {  	v1 =	vadd.f32 v7, v1;
	s29 =	spop (v2sf);
	(pc) =	sbr.rel @p0 .LBB2_13-.Ltmp8, $4  }
0xcd: {  	v7 =	vnsel vm2, $0x0, v4;
	s2 =	spop (v2sf)  }
0xce: {  	v1 =	vadd.f32 v1, v7;
	s0 =	sadd.s32 s29, s2;
	s30 =	spop (v2sf)  }
0xcf: {  	v7 =	vnsel vm3, $0x0, v5;
	s0 =	sadd.s32 s30, s0;
	s31 =	spop (v2sf)  }
0xd0: {  	s28 =	simm.s32 $0x8040;
	v1 =	vadd.f32 v1, v7;
	s26 =	sadd.s32 s31, s0  }
0xd1: {  	v7 =	vld [tilespmem:s28+$0x0];
	p4 =	seq.s32 s25, $0x1  }
.Ltmp9:
0xd2: {  	_ = 	snop;
	(pc) =	sbr.rel @p4 .LBB2_22-.Ltmp9, $3  }
0xd3: {  	_ =	sdelay $0x1  }
0xd4: {  	s29 =	sadd.s32 $0xFFFFFFFF, s25;
	s28 =	sadd.s32 $0x10, s28  }
0xd5: {  	p1 =	por $0x0, $0x0;
	p2 =	por $0x0, $0x0;
	p3 =	por $0x0, $0x0;
	vm0 =	vgt.f32 v7, v0  }
0xd6: {  	v8 =	vld [tilespmem:s28+$0x0];
	p4 =	seq.s32 s29, $0x1  }
.Ltmp10:
0xd7: {  	v9 =	vmpcnt.ones.xlane vm0;
	(pc) =	sbr.rel @p4 .LBB2_24-.Ltmp10, $4  }
0xd8: {  	_ = 	snop  }
0xd9: {  	(v2sf) =	vpush v9, $0x0  }
0xda: {  	v7 =	vnsel vm0, $0x0, v7  }
0xdb: {  	s29 =	sadd.s32 $0xFFFFFFFF, s29;
	s28 =	sadd.s32 $0x10, s28;
	p1 =	por $0x1, $0x1;
	v1 =	vadd.f32 v7, v1;
	vm0 =	vgt.f32 v8, v0  }
0xdc: {  	v9 =	vmpcnt.ones.xlane vm0;
	_ =	sdelay $0x1  }
0xdd: {  	(v2sf) =	vpush v9, $0x0;
	_ =	sdelay $0x3  }
0xde: {  	v7 =	vld [tilespmem:s28+$0x0];
	p4 =	seq.s32 s29, $0x1  }
.Ltmp11:
0xdf: {  	_ = 	snop;
	(pc) =	sbr.rel @p4 .LBB2_26-.Ltmp11, $3  }
0xe0: {  	_ =	sdelay $0x1  }
0xe1: {  	v8 =	vnsel vm0, $0x0, v8  }
0xe2: {  	s29 =	sadd.s32 $0xFFFFFFFF, s29;
	s28 =	sadd.s32 $0x10, s28;
	p2 =	por $0x1, $0x1;
	v1 =	vadd.f32 v8, v1;
	vm0 =	vgt.f32 v7, v0  }
0xe3: {  	v9 =	vmpcnt.ones.xlane vm0;
	_ =	sdelay $0x1  }
0xe4: {  	(v2sf) =	vpush v9, $0x0;
	_ =	sdelay $0x2  }
0xe5: {  	v8 =	vld [tilespmem:s28+$0x0];
	p4 =	seq.s32 s29, $0x1  }
.Ltmp12:
0xe6: {  	_ = 	snop;
	(pc) =	sbr.rel @p4 .LBB2_28-.Ltmp12, $3  }
0xe7: {  	_ =	sdelay $0x1  }
0xe8: {  	s30 =	sadd.s32 $0xFFFFFFFF, s29;
	v7 =	vnsel vm0, $0x0, v7;
	s31 =	sadd.s32 $0x10, s28  }
0xe9: {  	s29 =	spop (v2sf);
	p3 =	por $0x1, $0x1;
	s28 =	smov.u32 s26;
	v1 =	vadd.f32 v7, v1;
	vm0 =	vgt.f32 v8, v0  }
.LBB2_29:
0xea: {  	p4 =	seq.s32 s30, $0x1;
	s30 =	sadd.s32 $0xFFFFFFFF, s30;
	v7 =	vnsel vm0, $0x0, v8;
	v8 =	vld [tilespmem:s31+$0x0];
	v9 =	vmpcnt.ones.xlane vm0;
	s28 =	sadd.s32 s28, s29  }
.Ltmp13:
0xeb: {  	v1 =	vadd.f32 v7, v1;
	(pc) =	sbr.rel @!p4 .LBB2_29-.Ltmp13, $2  }
0xec: {  	(v2sf) =	vpush v9, $0x0;
	_ =	sdelay $0x3  }
0xed: {  	s31 =	sadd.s32 $0x10, s31;
	vm0 =	vgt.f32 v8, v0;
	s29 =	spop (v2sf)  }
.Ltmp14:
0xee: {  	(pc) =	sbr.rel .LBB2_31-.Ltmp14, $2  }
0xef: {  	_ =	sdelay $0x2  }
0xf0: {  	v7 =	vmov v8  }
.LBB2_24:
.Ltmp15:
0xf1: {  	(pc) =	sbr.rel .LBB2_31-.Ltmp15, $2  }
0xf2: {  	_ =	sdelay $0x2  }
0xf3: {  	v7 =	vmov v8;
	s28 =	smov.u32 s26  }
.LBB2_26:
.Ltmp16:
0xf4: {  	(pc) =	sbr.rel .LBB2_31-.Ltmp16, $2  }
0xf5: {  	_ =	sdelay $0x2  }
0xf6: {  	s28 =	smov.u32 s26  }
.LBB2_28:
.Ltmp17:
0xf7: {  	(pc) =	sbr.rel .LBB2_31-.Ltmp17, $2  }
0xf8: {  	_ =	sdelay $0x2  }
0xf9: {  	v7 =	vmov v8;
	s28 =	smov.u32 s26  }
.LBB2_14:
0xfa: {  	s24 =	simm.s32 $0x40  }
0xfb: {  	v2 =	vld [tilespmem:s24+$0x30]  }
0xfc: {  	v4 =	vld [tilespmem:s24+$0xFFFFFFD0]  }
0xfd: {  	v6 =	vld [tilespmem:s24+$0xFFFFFFE0]  }
0xfe: {  	v5 =	vld [tilespmem:s24+$0xFFFFFFF0]  }
0xff: {  	v3 =	vld [tilespmem:s24+$0x0]  }
0x100: {  	v1 =	vld [tilespmem:s24+$0x10];
	v8 =	vsub.f32 v2, v0  }
0x101: {  	v2 =	vld [tilespmem:s24+$0x20];
	v7 =	vsub.f32 v4, v0  }
0x102: {  	s25 =	simm.s32 $0x0;
	s26 =	simm.s32 $0xC0;
	v4 =	vld [tilespmem:s24+$0xFFFFFFC0];
	v6 =	vsub.f32 v6, v0;
	v8 =	vmax.f32 v8, $0.0e+00  }
.LBB2_15:
0x103: {  	v9 =	vld [tilespmem:s26+$0x30];
	s25 =	sadd.s32 $0x8, s25;
	v7 =	vmax.f32 v7, $0.0e+00;
	v5 =	vsub.f32 v5, v0;
	[tilespmem:s24+$0x30] =	vst v8  }
0x104: {  	v8 =	vld [tilespmem:s26+$0xFFFFFFD0];
	p0 =	slt.u32 s25, $0x1F8;
	[tilespmem:s24+$0xFFFFFFD0] =	vst v7;
	v6 =	vmax.f32 v6, $0.0e+00;
	v3 =	vsub.f32 v3, v0  }
0x105: {  	v10 =	vld [tilespmem:s26+$0xFFFFFFE0];
	[tilespmem:s24+$0xFFFFFFE0] =	vst v6;
	v6 =	vmax.f32 v5, $0.0e+00;
	v1 =	vsub.f32 v1, v0  }
.Ltmp18:
0x106: {  	v5 =	vld [tilespmem:s26+$0xFFFFFFF0];
	[tilespmem:s24+$0xFFFFFFF0] =	vst v6;
	v6 =	vmax.f32 v3, $0.0e+00;
	v2 =	vsub.f32 v2, v0;
	(pc) =	sbr.rel @p0 .LBB2_15-.Ltmp18, $4  }
0x107: {  	v3 =	vld [tilespmem:s26+$0x0];
	v4 =	vsub.f32 v4, v0;
	[tilespmem:s24+$0x0] =	vst v6;
	v6 =	vmax.f32 v1, $0.0e+00  }
0x108: {  	v1 =	vld [tilespmem:s26+$0x10];
	v9 =	vsub.f32 v9, v0;
	[tilespmem:s24+$0x10] =	vst v6;
	v6 =	vmax.f32 v2, $0.0e+00  }
0x109: {  	v7 =	vsub.f32 v8, v0;
	v2 =	vld [tilespmem:s26+$0x20];
	v11 =	vmax.f32 v4, $0.0e+00;
	[tilespmem:s24+$0x20] =	vst v6  }
0x10a: {  	v4 =	vld [tilespmem:s26+$0xFFFFFFC0];
	v6 =	vsub.f32 v10, v0;
	v8 =	vmax.f32 v9, $0.0e+00;
	[tilespmem:s24+$0xFFFFFFC0] =	vst v11;
	s24 =	smov.u32 s26;
	s26 =	sadd.s32 $0x80, s26  }
0x10b: {  	v7 =	vmax.f32 v7, $0.0e+00;
	v5 =	vsub.f32 v5, v0;
	[tilespmem:s24+$0x30] =	vst v8  }
0x10c: {  	[tilespmem:s24+$0xFFFFFFD0] =	vst v7;
	v6 =	vmax.f32 v6, $0.0e+00;
	v3 =	vsub.f32 v3, v0  }
0x10d: {  	[tilespmem:s24+$0xFFFFFFE0] =	vst v6;
	v5 =	vmax.f32 v5, $0.0e+00;
	v1 =	vsub.f32 v1, v0  }
0x10e: {  	[tilespmem:s24+$0xFFFFFFF0] =	vst v5;
	v3 =	vmax.f32 v3, $0.0e+00;
	v2 =	vsub.f32 v2, v0  }
0x10f: {  	v0 =	vsub.f32 v4, v0;
	[tilespmem:s24+$0x0] =	vst v3;
	v1 =	vmax.f32 v1, $0.0e+00  }
0x110: {  	[tilespmem:s24+$0x10] =	vst v1;
	v1 =	vmax.f32 v2, $0.0e+00  }
0x111: {  	v0 =	vmax.f32 v0, $0.0e+00;
	[tilespmem:s24+$0x20] =	vst v1  }
0x112: {  	s25 =	simm.s32 $0x0;
	[tilespmem:s24+$0xFFFFFFC0] =	vst v0  }
0x113: {  	[hbm4b:s7+s25] =	stream.linear.scatter [tilespmem:s25], [sflag:$0x5], $0x2000, $0x38;
	[tilespmem:$0xA080] =	vst v63  }
0x114: {  	_ =	swait.ge [sflag:s16], $0x2000  }
0x115: {  	[sflag:s16] =	ssyncset.done $0x0  }
0x116: {  	s0 =	simm.s32 $0x2070;
	[sflag:s16] =	ssyncadd.s32 $0xFFFFE000  }
0x117: {  	v8 =	vld [tilespmem:s0+$0xFFFFFF90]  }
0x118: {  	v12 =	vld [tilespmem:s0+$0xFFFFFFA0]  }
0x119: {  	v13 =	vld [tilespmem:s0+$0xFFFFFFB0]  }
0x11a: {  	v14 =	vld [tilespmem:s0+$0xFFFFFFC0]  }
0x11b: {  	v0 =	vimm.f32 $-Inf  }
0x11c: {  	v16 =	vld [tilespmem:s0+$0xFFFFFFD0];
	v0 =	vmax.f32 v0, v8  }
0x11d: {  	v1 =	vadd.f32 $-1.000000000e+00, v0;
	v0 =	vmax.f32 v0, v12  }
0x11e: {  	v2 =	vadd.f32 $-1.000000000e+00, v0;
	v3 =	vmax.f32 v0, v13  }
0x11f: {  	v0 =	vld [tilespmem:s0+$0xFFFFFFE0];
	vm4 =	vgt.f32 v8, v1;
	v1 =	vadd.f32 $-1.000000000e+00, v3;
	v3 =	vmax.f32 v3, v14  }
0x120: {  	v4 =	vmpcnt.ones.xlane vm4;
	vm0 =	vgt.f32 v12, v2;
	v5 =	vadd.f32 $-1.000000000e+00, v3  }
0x121: {  	v2 =	vld [tilespmem:s0+$0xFFFFFFF0];
	v3 =	vmax.f32 v3, v16;
	v6 =	vmpcnt.ones.xlane vm0;
	vm1 =	vgt.f32 v13, v1  }
0x122: {  	v1 =	vld [tilespmem:s0+$0x0];
	vm7 =	vmmov vm0;
	v7 =	vmpcnt.ones.xlane vm1;
	(v2sf) =	vpush v4, $0x0  }
0x123: {  	vm2 =	vgt.f32 v14, v5;
	v4 =	vadd.f32 $-1.000000000e+00, v3;
	vm5 =	vmmov vm1  }
0x124: {  	(v2sf) =	vpush v6, $0x0;
	v5 =	vmpcnt.ones.xlane vm2;
	v3 =	vmax.f32 v3, v0  }
0x125: {  	(v2sf) =	vpush v7, $0x0;
	vm0 =	vgt.f32 v16, v4;
	v4 =	vadd.f32 $-1.000000000e+00, v3  }
0x126: {  	s26 =	simm.s32 $0x20F0;
	(v2sf) =	vpush v5, $0x0;
	v5 =	vmpcnt.ones.xlane vm0;
	v6 =	vmax.f32 v3, v2  }
0x127: {  	v3 =	vld [tilespmem:s26+$0xFFFFFF90];
	v7 =	vadd.f32 $-1.000000000e+00, v6;
	v9 =	vmax.f32 v6, v1;
	vm1 =	vgt.f32 v0, v4  }
0x128: {  	v4 =	vld [tilespmem:s26+$0xFFFFFFA0];
	v10 =	vadd.f32 $-1.000000000e+00, v9;
	(v2sf) =	vpush v5, $0x0;
	v11 =	vmpcnt.ones.xlane vm1  }
0x129: {  	vm10 =	vmmov vm2;
	v5 =	vld [tilespmem:s26+$0xFFFFFFB0];
	vm3 =	vgt.f32 v2, v7  }
0x12a: {  	v6 =	vld [tilespmem:s26+$0xFFFFFFC0];
	v15 =	vmpcnt.ones.xlane vm3;
	vm2 =	vgt.f32 v1, v10;
	(v2sf) =	vpush v11, $0x0  }
0x12b: {  	vm9 =	vmmov vm0;
	vm1 =	vmmov vm1;
	v10 =	vmpcnt.ones.xlane vm2  }
0x12c: {  	v7 =	vld [tilespmem:s26+$0xFFFFFFD0];
	vm0 =	vmmov vm3;
	v9 =	vmax.f32 v9, v3;
	(v2sf) =	vpush v15, $0x0  }
0x12d: {  	v11 =	vadd.f32 $-1.000000000e+00, v9;
	v9 =	vmax.f32 v9, v4;
	(v2sf) =	vpush v10, $0x0  }
0x12e: {  	vm3 =	vmmov vm2;
	v10 =	vadd.f32 $-1.000000000e+00, v9;
	v9 =	vmax.f32 v9, v5  }
0x12f: {  	vm2 =	vgt.f32 v3, v11;
	v15 =	vadd.f32 $-1.000000000e+00, v9;
	v17 =	vmax.f32 v9, v6;
	v9 =	vld [tilespmem:s26+$0xFFFFFFE0]  }
0x130: {  	v18 =	vmpcnt.ones.xlane vm2;
	vm8 =	vgt.f32 v4, v10;
	v19 =	vadd.f32 $-1.000000000e+00, v17  }
0x131: {  	v11 =	vld [tilespmem:s26+$0xFFFFFFF0];
	v20 =	vmpcnt.ones.xlane vm8;
	vm11 =	vgt.f32 v5, v15;
	v15 =	vmax.f32 v17, v7  }
0x132: {  	v10 =	vld [tilespmem:s26+$0x0];
	v17 =	vmpcnt.ones.xlane vm11;
	vm6 =	vgt.f32 v6, v19;
	(v2sf) =	vpush v18, $0x0  }
0x133: {  	v19 =	vadd.f32 $-1.000000000e+00, v15;
	s29 =	spop (v2sf);
	v18 =	vmpcnt.ones.xlane vm6;
	(v2sf) =	vpush v20, $0x0  }
0x134: {  	[tilespmem:s25+$0x8000] =	vst.msk vm4, v8;
	vm4 =	vmmov vm8;
	s0 =	sadd.s32 $0x0, s29;
	s2 =	spop (v2sf);
	v15 =	vmax.f32 v15, v9;
	(v2sf) =	vpush v17, $0x0  }
0x135: {  	s24 =	simm.s32 $0x2170;
	vm8 =	vgt.f32 v7, v19;
	[tilespmem:s0+$0x8000] =	vst.msk vm7, v12;
	s0 =	sadd.s32 s0, s2;
	s30 =	spop (v2sf);
	v12 =	vadd.f32 $-1.000000000e+00, v15;
	(v2sf) =	vpush v18, $0x0  }
0x136: {  	v8 =	vld [tilespmem:s24+$0xFFFFFFB0];
	v18 =	vmpcnt.ones.xlane vm8;
	v17 =	vmax.f32 v15, v11;
	s12 =	spop (v2sf);
	[tilespmem:s0+$0x8000] =	vst.msk vm5, v13;
	s0 =	sadd.s32 s0, s30;
	vm5 =	vmmov vm11  }
0x137: {  	v13 =	vld [tilespmem:s24+$0xFFFFFF90];
	v15 =	vadd.f32 $-1.000000000e+00, v17;
	[tilespmem:s0+$0x8000] =	vst.msk vm10, v14;
	s0 =	sadd.s32 s0, s12;
	vm7 =	vgt.f32 v9, v12;
	v14 =	vmax.f32 v17, v10;
	s31 =	spop (v2sf)  }
0x138: {  	s25 =	simm.s32 $0x10;
	s26 =	simm.s32 $0x21F0;
	v12 =	vld [tilespmem:s24+$0xFFFFFFA0];
	(v2sf) =	vpush v18, $0x0;
	[tilespmem:s0+$0x8000] =	vst.msk vm9, v16;
	v16 =	vmpcnt.ones.xlane vm7;
	v17 =	vadd.f32 $-1.000000000e+00, v14;
	s28 =	sadd.s32 s0, s31  }
.LBB2_17:
0x139: {  	v18 =	vld [tilespmem:s26+$0xFFFFFFB0];
	s25 =	sadd.s32 $0x8, s25;
	vm11 =	vgt.f32 v11, v15;
	s0 =	spop (v2sf);
	vm10 =	vmmov vm6;
	vm9 =	vmmov vm8  }
0x13a: {  	p0 =	slt.u32 s25, $0x1F8;
	v15 =	vld [tilespmem:s24+$0xFFFFFFC0];
	v19 =	vmpcnt.ones.xlane vm11;
	vm6 =	vgt.f32 v10, v17;
	(v2sf) =	vpush v16, $0x0;
	s0 =	sadd.s32 s28, s0  }
0x13b: {  	v16 =	vld [tilespmem:s24+$0xFFFFFFD0];
	v17 =	vmpcnt.ones.xlane vm6;
	[tilespmem:s0+$0x8000] =	vst.msk vm0, v2;
	s2 =	spop (v2sf);
	v2 =	vmov v11;
	vm0 =	vmmov vm11  }
0x13c: {  	v11 =	vmax.f32 v14, v13;
	(v2sf) =	vpush v19, $0x0;
	[tilespmem:s28+$0x8000] =	vst.msk vm1, v0;
	s0 =	sadd.s32 s0, s2;
	s2 =	spop (v2sf);
	v0 =	vmovc v9;
	vm1 =	vmmov vm7  }
0x13d: {  	v9 =	vadd.f32 $-1.000000000e+00, v11;
	v11 =	vmax.f32 v11, v12;
	(v2sf) =	vpush v17, $0x0;
	[tilespmem:s0+$0x8000] =	vst.msk vm3, v1;
	s0 =	sadd.s32 s0, s2;
	v1 =	vmovc v10  }
0x13e: {  	vm3 =	vmmov vm6;
	v10 =	vadd.f32 $-1.000000000e+00, v11;
	v11 =	vmax.f32 v11, v8;
	[tilespmem:s0+$0x8000] =	vst.msk vm2, v3;
	v3 =	vmovc v13  }
0x13f: {  	vm2 =	vgt.f32 v3, v9;
	v13 =	vadd.f32 $-1.000000000e+00, v11;
	v14 =	vmax.f32 v11, v15;
	v9 =	vld [tilespmem:s24+$0xFFFFFFE0]  }
0x140: {  	v17 =	vmpcnt.ones.xlane vm2;
	vm8 =	vgt.f32 v12, v10;
	v19 =	vadd.f32 $-1.000000000e+00, v14;
	v11 =	vld [tilespmem:s24+$0xFFFFFFF0]  }
0x141: {  	v20 =	vmpcnt.ones.xlane vm8;
	vm7 =	vgt.f32 v8, v13;
	v13 =	vmax.f32 v14, v16;
	v10 =	vld [tilespmem:s24+$0x0];
	s2 =	spop (v2sf);
	s24 =	smov.u32 s26  }
0x142: {  	v14 =	vmpcnt.ones.xlane vm7;
	vm6 =	vgt.f32 v15, v19;
	(v2sf) =	vpush v17, $0x0;
	s0 =	sadd.s32 s0, s2;
	s2 =	spop (v2sf)  }
0x143: {  	v19 =	vadd.f32 $-1.000000000e+00, v13;
	v17 =	vmpcnt.ones.xlane vm6;
	(v2sf) =	vpush v20, $0x0;
	[tilespmem:s0+$0x8000] =	vst.msk vm4, v4;
	s0 =	sadd.s32 s0, s2;
	s2 =	spop (v2sf);
	v4 =	vmovc v12  }
.Ltmp19:
0x144: {  	vm4 =	vmmov vm8;
	v12 =	vmax.f32 v13, v9;
	(v2sf) =	vpush v14, $0x0;
	[tilespmem:s0+$0x8000] =	vst.msk vm5, v5;
	s0 =	sadd.s32 s0, s2;
	s2 =	spop (v2sf);
	v5 =	vmovc v8;
	v8 =	vmovc v18;
	(pc) =	sbr.rel @p0 .LBB2_17-.Ltmp19, $4  }
0x145: {  	vm8 =	vgt.f32 v16, v19;
	v14 =	vadd.f32 $-1.000000000e+00, v12;
	(v2sf) =	vpush v17, $0x0;
	[tilespmem:s0+$0x8000] =	vst.msk vm10, v6;
	s0 =	sadd.s32 s0, s2;
	v6 =	vmovc v15  }
0x146: {  	vm5 =	vmmov vm7;
	v18 =	vmpcnt.ones.xlane vm8;
	v12 =	vmax.f32 v12, v11;
	[tilespmem:s0+$0x8000] =	vst.msk vm9, v7;
	v7 =	vmovc v16  }
0x147: {  	v15 =	vadd.f32 $-1.000000000e+00, v12;
	v13 =	vld [tilespmem:s26+$0xFFFFFF90];
	vm7 =	vgt.f32 v9, v14;
	v14 =	vmax.f32 v12, v10;
	s2 =	spop (v2sf)  }
0x148: {  	s26 =	sadd.s32 $0x80, s26;
	v12 =	vld [tilespmem:s24+$0xFFFFFFA0];
	v16 =	vmpcnt.ones.xlane vm7;
	v17 =	vadd.f32 $-1.000000000e+00, v14;
	(v2sf) =	vpush v18, $0x0;
	s28 =	sadd.s32 s0, s2  }
0x149: {  	_ =	sdelay $0x1  }
0x14a: {  	vm9 =	vgt.f32 v11, v15;
	v43 =	vimm.s32 $0x0;
	v45 =	vimm.s32 $0x0  }
0x14b: {  	v15 =	vsel vm9, $0xFFFFFFFF, v43;
	vm15 =	vgt.f32 v10, v17;
	v14 =	vmax.f32 v14, v13  }
0x14c: {  	v18 =	vld [tilespmem:s24+$0xFFFFFFC0];
	[tilespmem:$0x1FFA0] =	vst v15;
	v17 =	vsel vm15, $0xFFFFFFFF, v45;
	v47 =	vadd.f32 $-1.000000000e+00, v14  }
0x14d: {  	v48 =	vimm.s32 $0x0;
	[tilespmem:$0x1FFB0] =	vst v17  }
0x14e: {  	v44 =	vmpcnt.ones.xlane vm9;
	(v2sf) =	vpush v16, $0x0;
	v46 =	vld [tilespmem:s24+$0xFFFFFFD0];
	vm9 =	vgt.f32 v13, v47  }
0x14f: {  	s0 =	spop (v2sf);
	v19 =	vmpcnt.ones.xlane vm15;
	v14 =	vmax.f32 v14, v12;
	v15 =	vsel vm9, $0xFFFFFFFF, v48  }
0x150: {  	s0 =	sadd.s32 s28, s0;
	(v2sf) =	vpush v44, $0x0;
	v20 =	vadd.f32 $-1.000000000e+00, v14;
	v14 =	vmax.f32 v14, v8;
	[tilespmem:$0x1FFC0] =	vst v15  }
0x151: {  	s2 =	spop (v2sf);
	(v2sf) =	vpush v19, $0x0;
	v49 =	vmax.f32 v14, v18;
	v14 =	vadd.f32 $-1.000000000e+00, v14;
	v50 =	vld [tilespmem:s24+$0xFFFFFFE0];
	[tilespmem:s0+$0x8000] =	vst.msk vm0, v2  }
0x152: {  	s12 =	spop (v2sf);
	s2 =	sadd.s32 s0, s2;
	vm12 =	vgt.f32 v12, v20;
	v51 =	vadd.f32 $-1.000000000e+00, v49;
	v52 =	vmpcnt.ones.xlane vm9;
	v21 =	vld [tilespmem:s24+$0xFFFFFFF0];
	[tilespmem:s28+$0x8000] =	vst.msk vm1, v0  }
0x153: {  	s12 =	sadd.s32 s2, s12;
	v22 =	vmpcnt.ones.xlane vm12;
	vm11 =	vgt.f32 v8, v14;
	s30 =	spop (v2sf);
	v23 =	vld [tilespmem:s24+$0x0];
	v53 =	vmax.f32 v49, v46;
	[tilespmem:s2+$0x8000] =	vst.msk vm3, v1  }
0x154: {  	vm13 =	vgt.f32 v18, v51;
	v54 =	vmpcnt.ones.xlane vm11;
	(v2sf) =	vpush v52, $0x0;
	s25 =	spop (v2sf);
	s24 =	sadd.s32 s12, s30;
	[tilespmem:s12+$0x8000] =	vst.msk vm2, v3  }
0x155: {  	v55 =	vmpcnt.ones.xlane vm13;
	v56 =	vadd.f32 $-1.000000000e+00, v53;
	(v2sf) =	vpush v22, $0x0;
	s26 =	spop (v2sf);
	s25 =	sadd.s32 s24, s25;
	[tilespmem:s24+$0x8000] =	vst.msk vm4, v4  }
0x156: {  	(v2sf) =	vpush v54, $0x0;
	s29 =	spop (v2sf);
	s26 =	sadd.s32 s25, s26;
	[tilespmem:s25+$0x8000] =	vst.msk vm5, v5;
	vm5 =	vmmov vm6;
	v14 =	vmax.f32 v53, v50  }
0x157: {  	vm6 =	vmmov vm8;
	s29 =	sadd.s32 s26, s29;
	[tilespmem:s26+$0x8000] =	vst.msk vm5, v6;
	v57 =	vadd.f32 $-1.000000000e+00, v14;
	v14 =	vmax.f32 v14, v21  }
0x158: {  	vm10 =	vgt.f32 v46, v56;
	[tilespmem:s29+$0x8000] =	vst.msk vm6, v7;
	v58 =	vadd.f32 $-1.000000000e+00, v14;
	v14 =	vmax.f32 v14, v23  }
0x159: {  	v59 =	vmpcnt.ones.xlane vm10;
	v0 =	vld [tilespmem:$0x1FFA0];
	v24 =	vadd.f32 $-1.000000000e+00, v14;
	vm14 =	vgt.f32 v50, v57  }
0x15a: {  	(v2sf) =	vpush v55, $0x0;
	v60 =	vmpcnt.ones.xlane vm14;
	vm9 =	vgt.f32 v21, v58  }
0x15b: {  	(v2sf) =	vpush v59, $0x0;
	v61 =	vmpcnt.ones.xlane vm9;
	vm15 =	vgt.f32 v23, v24  }
0x15c: {  	(v2sf) =	vpush v60, $0x0;
	v62 =	vmpcnt.ones.xlane vm15  }
0x15d: {  	s30 =	spop (v2sf);
	(v2sf) =	vpush v61, $0x0  }
0x15e: {  	s30 =	sadd.s32 s29, s30;
	s31 =	spop (v2sf);
	vm8 =	vnez.u8 v0;
	(v2sf) =	vpush v62, $0x0  }
0x15f: {  	(xrf0) =	vmax.scan.msk.f32 $0xffff, v14;
	s31 =	sadd.s32 s30, s31;
	vm0 =	vmmov vm8  }
0x160: {  	[tilespmem:s31+$0x8000] =	vst.msk vm0, v11  }
0x161: {  	v0 =	vld [tilespmem:$0x1FFB0];
	_ =	sdelay $0x2  }
0x162: {  	s0 =	spop (v2sf)  }
0x163: {  	s28 =	spop (v2sf);
	s0 =	sadd.s32 s31, s0;
	v63, _, _ =	vpop (xrf0)  }
0x164: {  	vm4 =	vmmov vm7;
	s28 =	sadd.s32 s0, s28;
	(v2sf) =	vpush v63, $0xF;
	s2 =	spop (v2sf);
	vm5 =	vnez.u8 v0  }
0x165: {  	[tilespmem:s30+$0x8000] =	vst.msk vm4, v9;
	s2 =	sadd.s32 s28, s2;
	s12 =	spop (v2sf);
	vm0 =	vmmov vm5  }
0x166: {  	s12 =	sadd.s32 s2, s12;
	s24 =	spop (v2sf);
	[tilespmem:s0+$0x8000] =	vst.msk vm0, v10  }
0x167: {  	s24 =	sadd.s32 s12, s24;
	s25 =	spop (v2sf);
	v0 =	vld [tilespmem:$0x1FFC0]  }
0x168: {  	s25 =	sadd.s32 s24, s25;
	s26 =	spop (v2sf)  }
0x169: {  	s26 =	sadd.s32 s25, s26;
	s29 =	spop (v2sf)  }
0x16a: {  	s29 =	sadd.s32 s26, s29;
	s31 =	spop (v2sf)  }
0x16b: {  	s30 =	sadd.s32 s29, s31;
	s31 =	spop (v2sf)  }
0x16c: {  	vm7 =	vnez.u8 v0;
	s0 =	sadd.s32 s30, s31  }
0x16d: {  	[tilespmem:s28+$0x8000] =	vst.msk vm7, v13;
	s28 =	sadd.s32 $0xF, s0  }
0x16e: {  	s31 =	sand.u32 $0xF, s28  }
0x16f: {  	vm8 =	vmmov vm11;
	p1 =	slt.s32 s28, $0x1;
	p0 =	sne.s32 s31, $0x0;
	s31 =	sshra.s32 s28, $0x1F  }
0x170: {  	vm11 =	vmmov vm13;
	[tilespmem:s12+$0x8000] =	vst.msk vm8, v8;
	s12 =	sshrl.u32 s31, $0x1C;
	p0 =	por !p1, !p0  }
0x171: {  	vm6 =	vmmov vm12;
	[tilespmem:s24+$0x8000] =	vst.msk vm11, v18;
	s24 =	simm.s32 $0x1;
	s12 =	sadd.s32 s12, s28;
	p0 =	por !p0, !p0  }
0x172: {  	vm12 =	vmmov vm10;
	[tilespmem:s2+$0x8000] =	vst.msk vm6, v12;
	s12 =	sshra.s32 s12, $0x4;
	s24 =	simm.s32 @!p0 $0x0  }
0x173: {  	[tilespmem:s25+$0x8000] =	vst.msk vm12, v46;
	s2 =	spop (v2sf);
	s25 =	ssub.s32 s12, s24  }
0x174: {  	s2 =	sadd.f32 $-1.000000000e+00, s2;
	p0 =	slt.s32 s25, $0x1  }
.Ltmp20:
0x175: {  	vm14 =	vmmov vm14;
	(pc) =	sbr.rel @p0 .LBB2_36-.Ltmp20, $4  }
0x176: {  	vm13 =	vmmov vm9;
	[tilespmem:s26+$0x8000] =	vst.msk vm14, v50;
	s31 =	sadd.f32 $-1.000000000e+00, s2  }
0x177: {  	vm15 =	vmmov vm15;
	[tilespmem:s29+$0x8000] =	vst.msk vm13, v21  }
0x178: {  	[tilespmem:s30+$0x8000] =	vst.msk vm15, v23;
	v2 =	vmov s31  }
0x179: {  	v1 =	vimm.f32 $0.0e+00;
	s26 =	simm.s32 $0x8000;
	v0 =	vmov s2;
	[tilespmem:s0+$0x8000] =	vst v2;
	s24 =	simm.s32 $0x0  }
0x17a: {  	p1 =	sne.s32 s25, $0x1  }
.Ltmp21:
0x17b: {  	_ = 	snop;
	(pc) =	sbr.rel @!p1 .LBB2_20-.Ltmp21, $2  }
0x17c: {  	_ =	sdelay $0x2  }
0x17d: {  	v3 =	vld [tilespmem:s26+$0x0];
	s25 =	sadd.s32 $0xFFFFFFFF, s25;
	p0 =	por $0x0, $0x0  }
0x17e: {  	_ =	sdelay $0x3  }
0x17f: {  	vm0 =	vgt.f32 v3, v0  }
0x180: {  	v4 =	vmpcnt.ones.xlane vm0;
	_ =	sdelay $0x1  }
0x181: {  	(v2sf) =	vpush v4, $0x0;
	_ =	sdelay $0x2  }
0x182: {  	p1 =	sne.s32 s25, $0x1  }
.Ltmp22:
0x183: {  	_ = 	snop;
	(pc) =	sbr.rel @!p1 .LBB2_33-.Ltmp22, $3  }
0x184: {  	_ =	sdelay $0x1  }
0x185: {  	s26 =	sadd.s32 $0x10, s26;
	v5 =	vnsel vm0, $0x0, v3;
	[tilespmem:s24+$0x8000] =	vst.msk vm0, v3  }
0x186: {  	s28 =	sadd.s32 $0xFFFFFFFF, s25;
	p0 =	por $0x1, $0x1;
	s25 =	simm.s32 $0x0;
	v1 =	vadd.f32 v5, v1;
	v3 =	vld [tilespmem:s26+$0x0]  }
.LBB2_34:
0x187: {  	p1 =	sne.s32 s28, $0x1;
	_ =	sdelay $0x3  }
0x188: {  	vm0 =	vgt.f32 v3, v0  }
0x189: {  	v4 =	vmpcnt.ones.xlane vm0;
	v5 =	vnsel vm0, $0x0, v3  }
0x18a: {  	v1 =	vadd.f32 v5, v1;
	s0 =	spop (v2sf)  }
0x18b: {  	(v2sf) =	vpush v4, $0x0;
	s25 =	sadd.s32 s25, s0  }
0x18c: {  	[tilespmem:s25+$0x8000] =	vst.msk vm0, v3;
	_ =	sdelay $0x2  }
.Ltmp23:
0x18d: {  	(pc) =	sbr.rel @p1 .LBB2_34-.Ltmp23, $3  }
0x18e: {  	_ =	sdelay $0x1  }
0x18f: {  	s26 =	sadd.s32 $0x10, s26  }
0x190: {  	s28 =	sadd.s32 $0xFFFFFFFF, s28;
	v3 =	vld [tilespmem:s26+$0x0]  }
.LBB2_35:
0x191: {  	_ =	sdelay $0x3  }
0x192: {  	vm0 =	vgt.f32 v3, v0  }
0x193: {  	v4 =	vmpcnt.ones.xlane vm0;
	_ =	sdelay $0x1  }
0x194: {  	(v2sf) =	vpush v4, $0x0;
	_ =	sdelay $0xc  }
0x195: {  	s0 =	spop @p0 (v2sf)  }
0x196: {  	s0 =	sadd.s32 @p0 s25, s0  }
0x197: {  	v63 =	vnsel vm0, $0x0, v3;
	s24 =	smov.u32 @p0 s0;
	s31 =	spop (v2sf)  }
0x198: {  	v1 =	vadd.f32 v63, v1;
	[tilespmem:s24+$0x8000] =	vst.msk vm0, v3;
	s24 =	sadd.s32 s24, s31  }
.LBB2_36:
0x199: {  	p0 =	seq.s32 s24, $0xFFFFFFFF  }
.Ltmp24:
0x19a: {  	_ = 	snop;
	(pc) =	sbr.rel @p0 .LBB2_40-.Ltmp24, $4  }
0x19b: {  	[tilespmem:s24+$0x8000] =	vst v2  }
0x19c: {  	[tilespmem:s24+$0x8010] =	vst v2  }
0x19d: {  	[tilespmem:s24+$0x8020] =	vst v2  }
0x19e: {  	[tilespmem:s24+$0x8030] =	vst v2  }
0x19f: {  	s0 =	sadd.s32 $0xF, s24  }
0x1a0: {  	s2 =	sshra.s32 s0, $0x1F;
	s12 =	sand.u32 $0xF, s0  }
0x1a1: {  	v2 =	vld [tilespmem:$0x8000];
	p0 =	slt.s32 s0, $0x1;
	s2 =	sshrl.u32 s2, $0x1C;
	p1 =	sne.s32 s12, $0x0  }
.Ltmp25:
0x1a2: {  	s12 =	simm.s32 $0x1;
	p0 =	por !p0, !p1;
	(pc) =	sbr.rel .LBB2_38-.Ltmp25, $4  }
0x1a3: {  	s0 =	sadd.s32 s2, s0;
	s2 =	simm.s32 $0xFFFFFFFF;
	p0 =	por !p0, !p0  }
0x1a4: {  	v3 =	vld [tilespmem:$0x8010];
	s0 =	sshra.s32 s0, $0x4;
	s2 =	simm.s32 @!p0 $0x0;
	s12 =	simm.s32 @!p0 $0x0  }
0x1a5: {  	v4 =	vld [tilespmem:$0x8020];
	s12 =	ssub.s32 s0, s12;
	s0 =	sadd.s32 s2, s0  }
0x1a6: {  	v5 =	vld [tilespmem:$0x8030];
	v6 =	vadd.f32 $0.0e+00, v2;
	s25 =	sadd.s32 $0xFFFFFFFC, s0;
	p0 =	slt.s32 s12, $0x5  }
.LBB2_48:
0x1a7: {  	s28 =	smov.u32 s26  }
.LBB2_57:
0x1a8: {  	v8 =	vmpcnt.ones.xlane vm0;
	_ =	sdelay $0x1  }
0x1a9: {  	(v2sf) =	vpush v8, $0x0;
	_ =	sdelay $0x9  }
0x1aa: {  	s0 =	sadd.s32 @p3 s28, s29;
	s2 =	spop @p2 (v2sf);
	s12 =	smov.u32 s26  }
0x1ab: {  	s2 =	smov.u32 @p2 s2;
	s12 =	smov.u32 @p3 s0  }
0x1ac: {  	s0 =	sadd.s32 @p2 s12, s2;
	s12 =	smov.u32 s26;
	s2 =	spop @p1 (v2sf)  }
0x1ad: {  	s12 =	smov.u32 @p2 s0;
	s2 =	smov.u32 @p1 s2  }
0x1ae: {  	s0 =	sadd.s32 @p1 s12, s2  }
0x1af: {  	v7 =	vnsel vm0, $0x0, v7;
	s26 =	smov.u32 @p1 s0;
	s31 =	spop (v2sf)  }
0x1b0: {  	v1 =	vadd.f32 v7, v1;
	s26 =	sadd.s32 s26, s31  }
.LBB2_39:
0x1b1: {  	p1 =	sne.s32 s26, s24  }
.Ltmp26:
0x1b2: {  	_ = 	snop;
	(pc) =	sbr.rel @!p1 .LBB2_40-.Ltmp26, $2  }
0x1b3: {  	_ =	sdelay $0x2  }
0x1b4: {  	s24 =	smov.u32 s26  }
.LBB2_38:
0x1b5: {  	_ = 	snop  }
0x1b6: {  	(xrf2) =	vadd.scan.msk.f32 $0xffff, v1;
	_ =	sdelay $0x9  }
0x1b7: {  	v1, _, _ =	vpop (xrf2)  }
0x1b8: {  	(v2sf) =	vpush v1, $0xF;
	_ =	sdelay $0x4  }
0x1b9: {  	s0 =	scvt.s32.f32 s24;
	_ =	sdelay $0x1  }
0x1ba: {  	v1 =	vmov s0  }
0x1bb: {  	(erf) = vrcp.f32 v1;
	_ =	sdelay $0x6  }
0x1bc: {  	s26 =	spop (v2sf)  }
0x1bd: {  	s0 =	sadd.f32 $-1.000000000e+00, s26  }
0x1be: {  	v1 =	vpop (erf)  }
0x1bf: {  	v1 =	vmul.f32 s0, v1;
	_ =	sdelay $0x1  }
0x1c0: {  	v0 =	vmax.f32 v1, v0  }
0x1c1: {  	vm0 =	vgt.f32 v2, v0  }
0x1c2: {  	vm1 =	vgt.f32 v3, v0;
	v1 =	vmpcnt.ones.xlane vm0  }
0x1c3: {  	vm2 =	vgt.f32 v4, v0;
	v7 =	vmpcnt.ones.xlane vm1  }
0x1c4: {  	vm3 =	vgt.f32 v5, v0;
	(v2sf) =	vpush v1, $0x0;
	v1 =	vmpcnt.ones.xlane vm2  }
0x1c5: {  	(v2sf) =	vpush v7, $0x0;
	v7 =	vmpcnt.ones.xlane vm3  }
0x1c6: {  	(v2sf) =	vpush v1, $0x0  }
0x1c7: {  	(v2sf) =	vpush v7, $0x0;
	_ =	sdelay $0xa  }
0x1c8: {  	v1 =	vnsel vm0, $0x0, v6;
	v7 =	vnsel vm1, $0x0, v3  }
.Ltmp27:
0x1c9: {  	v1 =	vadd.f32 v7, v1;
	s29 =	spop (v2sf);
	(pc) =	sbr.rel @p0 .LBB2_39-.Ltmp27, $4  }
0x1ca: {  	v7 =	vnsel vm2, $0x0, v4;
	s2 =	spop (v2sf)  }
0x1cb: {  	v1 =	vadd.f32 v1, v7;
	s0 =	sadd.s32 s29, s2;
	s30 =	spop (v2sf)  }
0x1cc: {  	v7 =	vnsel vm3, $0x0, v5;
	s0 =	sadd.s32 s30, s0;
	s31 =	spop (v2sf)  }
0x1cd: {  	s28 =	simm.s32 $0x8040;
	v1 =	vadd.f32 v1, v7;
	s26 =	sadd.s32 s31, s0  }
0x1ce: {  	v7 =	vld [tilespmem:s28+$0x0];
	p4 =	seq.s32 s25, $0x1  }
.Ltmp28:
0x1cf: {  	_ = 	snop;
	(pc) =	sbr.rel @p4 .LBB2_48-.Ltmp28, $3  }
0x1d0: {  	_ =	sdelay $0x1  }
0x1d1: {  	s29 =	sadd.s32 $0xFFFFFFFF, s25;
	s28 =	sadd.s32 $0x10, s28  }
0x1d2: {  	p1 =	por $0x0, $0x0;
	p2 =	por $0x0, $0x0;
	p3 =	por $0x0, $0x0;
	vm0 =	vgt.f32 v7, v0  }
0x1d3: {  	v8 =	vld [tilespmem:s28+$0x0];
	p4 =	seq.s32 s29, $0x1  }
.Ltmp29:
0x1d4: {  	v9 =	vmpcnt.ones.xlane vm0;
	(pc) =	sbr.rel @p4 .LBB2_50-.Ltmp29, $4  }
0x1d5: {  	_ = 	snop  }
0x1d6: {  	(v2sf) =	vpush v9, $0x0  }
0x1d7: {  	v7 =	vnsel vm0, $0x0, v7  }
0x1d8: {  	s29 =	sadd.s32 $0xFFFFFFFF, s29;
	s28 =	sadd.s32 $0x10, s28;
	p1 =	por $0x1, $0x1;
	v1 =	vadd.f32 v7, v1;
	vm0 =	vgt.f32 v8, v0  }
0x1d9: {  	v9 =	vmpcnt.ones.xlane vm0;
	_ =	sdelay $0x1  }
0x1da: {  	(v2sf) =	vpush v9, $0x0;
	_ =	sdelay $0x3  }
0x1db: {  	v7 =	vld [tilespmem:s28+$0x0];
	p4 =	seq.s32 s29, $0x1  }
.Ltmp30:
0x1dc: {  	_ = 	snop;
	(pc) =	sbr.rel @p4 .LBB2_52-.Ltmp30, $3  }
0x1dd: {  	_ =	sdelay $0x1  }
0x1de: {  	v8 =	vnsel vm0, $0x0, v8  }
0x1df: {  	s29 =	sadd.s32 $0xFFFFFFFF, s29;
	s28 =	sadd.s32 $0x10, s28;
	p2 =	por $0x1, $0x1;
	v1 =	vadd.f32 v8, v1;
	vm0 =	vgt.f32 v7, v0  }
0x1e0: {  	v9 =	vmpcnt.ones.xlane vm0;
	_ =	sdelay $0x1  }
0x1e1: {  	(v2sf) =	vpush v9, $0x0;
	_ =	sdelay $0x2  }
0x1e2: {  	v8 =	vld [tilespmem:s28+$0x0];
	p4 =	seq.s32 s29, $0x1  }
.Ltmp31:
0x1e3: {  	_ = 	snop;
	(pc) =	sbr.rel @p4 .LBB2_54-.Ltmp31, $3  }
0x1e4: {  	_ =	sdelay $0x1  }
0x1e5: {  	s30 =	sadd.s32 $0xFFFFFFFF, s29;
	v7 =	vnsel vm0, $0x0, v7;
	s31 =	sadd.s32 $0x10, s28  }
0x1e6: {  	s29 =	spop (v2sf);
	p3 =	por $0x1, $0x1;
	s28 =	smov.u32 s26;
	v1 =	vadd.f32 v7, v1;
	vm0 =	vgt.f32 v8, v0  }
.LBB2_55:
0x1e7: {  	p4 =	seq.s32 s30, $0x1;
	s30 =	sadd.s32 $0xFFFFFFFF, s30;
	v7 =	vnsel vm0, $0x0, v8;
	v8 =	vld [tilespmem:s31+$0x0];
	v9 =	vmpcnt.ones.xlane vm0;
	s28 =	sadd.s32 s28, s29  }
.Ltmp32:
0x1e8: {  	v1 =	vadd.f32 v7, v1;
	(pc) =	sbr.rel @!p4 .LBB2_55-.Ltmp32, $2  }
0x1e9: {  	(v2sf) =	vpush v9, $0x0;
	_ =	sdelay $0x3  }
0x1ea: {  	s31 =	sadd.s32 $0x10, s31;
	vm0 =	vgt.f32 v8, v0;
	s29 =	spop (v2sf)  }
.Ltmp33:
0x1eb: {  	(pc) =	sbr.rel .LBB2_57-.Ltmp33, $2  }
0x1ec: {  	_ =	sdelay $0x2  }
0x1ed: {  	v7 =	vmov v8  }
.LBB2_50:
.Ltmp34:
0x1ee: {  	(pc) =	sbr.rel .LBB2_57-.Ltmp34, $2  }
0x1ef: {  	_ =	sdelay $0x2  }
0x1f0: {  	v7 =	vmov v8;
	s28 =	smov.u32 s26  }
.LBB2_52:
.Ltmp35:
0x1f1: {  	(pc) =	sbr.rel .LBB2_57-.Ltmp35, $2  }
0x1f2: {  	_ =	sdelay $0x2  }
0x1f3: {  	s28 =	smov.u32 s26  }
.LBB2_54:
.Ltmp36:
0x1f4: {  	(pc) =	sbr.rel .LBB2_57-.Ltmp36, $2  }
0x1f5: {  	_ =	sdelay $0x2  }
0x1f6: {  	v7 =	vmov v8;
	s28 =	smov.u32 s26  }
.LBB2_40:
0x1f7: {  	s24 =	simm.s32 $0x2070  }
0x1f8: {  	v2 =	vld [tilespmem:s24+$0x0]  }
0x1f9: {  	v4 =	vld [tilespmem:s24+$0xFFFFFFA0]  }
0x1fa: {  	v6 =	vld [tilespmem:s24+$0xFFFFFFB0]  }
0x1fb: {  	v5 =	vld [tilespmem:s24+$0xFFFFFFC0]  }
0x1fc: {  	v3 =	vld [tilespmem:s24+$0xFFFFFFD0]  }
0x1fd: {  	v1 =	vld [tilespmem:s24+$0xFFFFFFE0];
	v8 =	vsub.f32 v2, v0  }
0x1fe: {  	v2 =	vld [tilespmem:s24+$0xFFFFFFF0];
	v7 =	vsub.f32 v4, v0  }
0x1ff: {  	s25 =	simm.s32 $0x0;
	s26 =	simm.s32 $0x20F0;
	v4 =	vld [tilespmem:s24+$0xFFFFFF90];
	v6 =	vsub.f32 v6, v0;
	v8 =	vmax.f32 v8, $0.0e+00  }
.LBB2_41:
0x200: {  	v9 =	vld [tilespmem:s26+$0x0];
	s25 =	sadd.s32 $0x8, s25;
	v7 =	vmax.f32 v7, $0.0e+00;
	v5 =	vsub.f32 v5, v0;
	[tilespmem:s24+$0x0] =	vst v8  }
0x201: {  	v8 =	vld [tilespmem:s26+$0xFFFFFFA0];
	p0 =	slt.u32 s25, $0x1F8;
	[tilespmem:s24+$0xFFFFFFA0] =	vst v7;
	v6 =	vmax.f32 v6, $0.0e+00;
	v3 =	vsub.f32 v3, v0  }
0x202: {  	v10 =	vld [tilespmem:s26+$0xFFFFFFB0];
	[tilespmem:s24+$0xFFFFFFB0] =	vst v6;
	v6 =	vmax.f32 v5, $0.0e+00;
	v1 =	vsub.f32 v1, v0  }
.Ltmp37:
0x203: {  	v5 =	vld [tilespmem:s26+$0xFFFFFFC0];
	[tilespmem:s24+$0xFFFFFFC0] =	vst v6;
	v6 =	vmax.f32 v3, $0.0e+00;
	v2 =	vsub.f32 v2, v0;
	(pc) =	sbr.rel @p0 .LBB2_41-.Ltmp37, $4  }
0x204: {  	v3 =	vld [tilespmem:s26+$0xFFFFFFD0];
	v4 =	vsub.f32 v4, v0;
	[tilespmem:s24+$0xFFFFFFD0] =	vst v6;
	v6 =	vmax.f32 v1, $0.0e+00  }
0x205: {  	v1 =	vld [tilespmem:s26+$0xFFFFFFE0];
	v9 =	vsub.f32 v9, v0;
	[tilespmem:s24+$0xFFFFFFE0] =	vst v6;
	v6 =	vmax.f32 v2, $0.0e+00  }
0x206: {  	v7 =	vsub.f32 v8, v0;
	v2 =	vld [tilespmem:s26+$0xFFFFFFF0];
	v11 =	vmax.f32 v4, $0.0e+00;
	[tilespmem:s24+$0xFFFFFFF0] =	vst v6  }
0x207: {  	v4 =	vld [tilespmem:s26+$0xFFFFFF90];
	v6 =	vsub.f32 v10, v0;
	v8 =	vmax.f32 v9, $0.0e+00;
	[tilespmem:s24+$0xFFFFFF90] =	vst v11;
	s24 =	smov.u32 s26;
	s26 =	sadd.s32 $0x80, s26  }
0x208: {  	v7 =	vmax.f32 v7, $0.0e+00;
	v5 =	vsub.f32 v5, v0;
	[tilespmem:s24+$0x0] =	vst v8  }
0x209: {  	[tilespmem:s24+$0xFFFFFFA0] =	vst v7;
	v6 =	vmax.f32 v6, $0.0e+00;
	v3 =	vsub.f32 v3, v0  }
0x20a: {  	[tilespmem:s24+$0xFFFFFFB0] =	vst v6;
	v5 =	vmax.f32 v5, $0.0e+00;
	v1 =	vsub.f32 v1, v0  }
0x20b: {  	[tilespmem:s24+$0xFFFFFFC0] =	vst v5;
	v3 =	vmax.f32 v3, $0.0e+00;
	v2 =	vsub.f32 v2, v0  }
0x20c: {  	v0 =	vsub.f32 v4, v0;
	[tilespmem:s24+$0xFFFFFFD0] =	vst v3;
	v1 =	vmax.f32 v1, $0.0e+00  }
0x20d: {  	[tilespmem:s24+$0xFFFFFFE0] =	vst v1;
	v1 =	vmax.f32 v2, $0.0e+00  }
0x20e: {  	v0 =	vmax.f32 v0, $0.0e+00;
	[tilespmem:s24+$0xFFFFFFF0] =	vst v1  }
0x20f: {  	s12 =	simm.s32 $0x0;
	s0 =	simm.s32 $0x2000;
	[tilespmem:s24+$0xFFFFFF90] =	vst v0  }
0x210: {  	[hbm4b:s8+s12] =	stream.linear.scatter [tilespmem:s0], [sflag:$0x6], $0x2000, $0x38;
	[tilespmem:$0xA080] =	vst v63  }
0x211: {  	_ =	swait.ge [sflag:s17], $0x2000  }
0x212: {  	[sflag:s17] =	ssyncset.done $0x0  }
0x213: {  	s25 =	simm.s32 $0x4070;
	[sflag:s17] =	ssyncadd.s32 $0xFFFFE000  }
0x214: {  	v8 =	vld [tilespmem:s25+$0xFFFFFF90]  }
0x215: {  	v12 =	vld [tilespmem:s25+$0xFFFFFFA0]  }
0x216: {  	v13 =	vld [tilespmem:s25+$0xFFFFFFB0]  }
0x217: {  	v14 =	vld [tilespmem:s25+$0xFFFFFFC0]  }
0x218: {  	v0 =	vimm.f32 $-Inf  }
0x219: {  	v16 =	vld [tilespmem:s25+$0xFFFFFFD0];
	v0 =	vmax.f32 v0, v8  }
0x21a: {  	v1 =	vadd.f32 $-1.000000000e+00, v0;
	v0 =	vmax.f32 v0, v12  }
0x21b: {  	v2 =	vadd.f32 $-1.000000000e+00, v0;
	v3 =	vmax.f32 v0, v13  }
0x21c: {  	v0 =	vld [tilespmem:s25+$0xFFFFFFE0];
	vm4 =	vgt.f32 v8, v1;
	v1 =	vadd.f32 $-1.000000000e+00, v3;
	v3 =	vmax.f32 v3, v14  }
0x21d: {  	v4 =	vmpcnt.ones.xlane vm4;
	vm0 =	vgt.f32 v12, v2;
	v5 =	vadd.f32 $-1.000000000e+00, v3  }
0x21e: {  	v2 =	vld [tilespmem:s25+$0xFFFFFFF0];
	v3 =	vmax.f32 v3, v16;
	v6 =	vmpcnt.ones.xlane vm0;
	vm1 =	vgt.f32 v13, v1  }
0x21f: {  	v1 =	vld [tilespmem:s25+$0x0];
	vm7 =	vmmov vm0;
	v7 =	vmpcnt.ones.xlane vm1;
	(v2sf) =	vpush v4, $0x0  }
0x220: {  	vm2 =	vgt.f32 v14, v5;
	v4 =	vadd.f32 $-1.000000000e+00, v3;
	vm5 =	vmmov vm1  }
0x221: {  	(v2sf) =	vpush v6, $0x0;
	v5 =	vmpcnt.ones.xlane vm2;
	v3 =	vmax.f32 v3, v0  }
0x222: {  	(v2sf) =	vpush v7, $0x0;
	vm0 =	vgt.f32 v16, v4;
	v4 =	vadd.f32 $-1.000000000e+00, v3  }
0x223: {  	s26 =	simm.s32 $0x40F0;
	(v2sf) =	vpush v5, $0x0;
	v5 =	vmpcnt.ones.xlane vm0;
	v6 =	vmax.f32 v3, v2  }
0x224: {  	v3 =	vld [tilespmem:s26+$0xFFFFFF90];
	v7 =	vadd.f32 $-1.000000000e+00, v6;
	v9 =	vmax.f32 v6, v1;
	vm1 =	vgt.f32 v0, v4  }
0x225: {  	v4 =	vld [tilespmem:s26+$0xFFFFFFA0];
	v10 =	vadd.f32 $-1.000000000e+00, v9;
	(v2sf) =	vpush v5, $0x0;
	v11 =	vmpcnt.ones.xlane vm1  }
0x226: {  	vm10 =	vmmov vm2;
	v5 =	vld [tilespmem:s26+$0xFFFFFFB0];
	vm3 =	vgt.f32 v2, v7  }
0x227: {  	v6 =	vld [tilespmem:s26+$0xFFFFFFC0];
	v15 =	vmpcnt.ones.xlane vm3;
	vm2 =	vgt.f32 v1, v10;
	(v2sf) =	vpush v11, $0x0  }
0x228: {  	vm9 =	vmmov vm0;
	vm1 =	vmmov vm1;
	v10 =	vmpcnt.ones.xlane vm2  }
0x229: {  	v7 =	vld [tilespmem:s26+$0xFFFFFFD0];
	vm0 =	vmmov vm3;
	v9 =	vmax.f32 v9, v3;
	(v2sf) =	vpush v15, $0x0  }
0x22a: {  	v11 =	vadd.f32 $-1.000000000e+00, v9;
	v9 =	vmax.f32 v9, v4;
	(v2sf) =	vpush v10, $0x0  }
0x22b: {  	vm3 =	vmmov vm2;
	v10 =	vadd.f32 $-1.000000000e+00, v9;
	v9 =	vmax.f32 v9, v5  }
0x22c: {  	vm2 =	vgt.f32 v3, v11;
	v15 =	vadd.f32 $-1.000000000e+00, v9;
	v17 =	vmax.f32 v9, v6;
	v9 =	vld [tilespmem:s26+$0xFFFFFFE0]  }
0x22d: {  	v18 =	vmpcnt.ones.xlane vm2;
	vm8 =	vgt.f32 v4, v10;
	v19 =	vadd.f32 $-1.000000000e+00, v17  }
0x22e: {  	v11 =	vld [tilespmem:s26+$0xFFFFFFF0];
	v20 =	vmpcnt.ones.xlane vm8;
	vm11 =	vgt.f32 v5, v15;
	v15 =	vmax.f32 v17, v7  }
0x22f: {  	v10 =	vld [tilespmem:s26+$0x0];
	v17 =	vmpcnt.ones.xlane vm11;
	vm6 =	vgt.f32 v6, v19;
	(v2sf) =	vpush v18, $0x0  }
0x230: {  	v19 =	vadd.f32 $-1.000000000e+00, v15;
	s29 =	spop (v2sf);
	v18 =	vmpcnt.ones.xlane vm6;
	(v2sf) =	vpush v20, $0x0  }
0x231: {  	[tilespmem:s12+$0x8000] =	vst.msk vm4, v8;
	vm4 =	vmmov vm8;
	s0 =	sadd.s32 $0x0, s29;
	s2 =	spop (v2sf);
	v15 =	vmax.f32 v15, v9;
	(v2sf) =	vpush v17, $0x0  }
0x232: {  	s24 =	simm.s32 $0x4170;
	vm8 =	vgt.f32 v7, v19;
	[tilespmem:s0+$0x8000] =	vst.msk vm7, v12;
	s0 =	sadd.s32 s0, s2;
	s30 =	spop (v2sf);
	v12 =	vadd.f32 $-1.000000000e+00, v15;
	(v2sf) =	vpush v18, $0x0  }
0x233: {  	v8 =	vld [tilespmem:s24+$0xFFFFFFB0];
	v18 =	vmpcnt.ones.xlane vm8;
	v17 =	vmax.f32 v15, v11;
	s12 =	spop (v2sf);
	[tilespmem:s0+$0x8000] =	vst.msk vm5, v13;
	s0 =	sadd.s32 s0, s30;
	vm5 =	vmmov vm11  }
0x234: {  	v13 =	vld [tilespmem:s24+$0xFFFFFF90];
	v15 =	vadd.f32 $-1.000000000e+00, v17;
	[tilespmem:s0+$0x8000] =	vst.msk vm10, v14;
	s0 =	sadd.s32 s0, s12;
	vm7 =	vgt.f32 v9, v12;
	v14 =	vmax.f32 v17, v10;
	s31 =	spop (v2sf)  }
0x235: {  	s25 =	simm.s32 $0x10;
	s26 =	simm.s32 $0x41F0;
	v12 =	vld [tilespmem:s24+$0xFFFFFFA0];
	(v2sf) =	vpush v18, $0x0;
	[tilespmem:s0+$0x8000] =	vst.msk vm9, v16;
	v16 =	vmpcnt.ones.xlane vm7;
	v17 =	vadd.f32 $-1.000000000e+00, v14;
	s28 =	sadd.s32 s0, s31  }
.LBB2_43:
0x236: {  	v18 =	vld [tilespmem:s26+$0xFFFFFFB0];
	s25 =	sadd.s32 $0x8, s25;
	vm11 =	vgt.f32 v11, v15;
	s0 =	spop (v2sf);
	vm10 =	vmmov vm6;
	vm9 =	vmmov vm8  }
0x237: {  	p0 =	slt.u32 s25, $0x1F8;
	v15 =	vld [tilespmem:s24+$0xFFFFFFC0];
	v19 =	vmpcnt.ones.xlane vm11;
	vm6 =	vgt.f32 v10, v17;
	(v2sf) =	vpush v16, $0x0;
	s0 =	sadd.s32 s28, s0  }
0x238: {  	v16 =	vld [tilespmem:s24+$0xFFFFFFD0];
	v17 =	vmpcnt.ones.xlane vm6;
	[tilespmem:s0+$0x8000] =	vst.msk vm0, v2;
	s2 =	spop (v2sf);
	v2 =	vmov v11;
	vm0 =	vmmov vm11  }
0x239: {  	v11 =	vmax.f32 v14, v13;
	(v2sf) =	vpush v19, $0x0;
	[tilespmem:s28+$0x8000] =	vst.msk vm1, v0;
	s0 =	sadd.s32 s0, s2;
	s2 =	spop (v2sf);
	v0 =	vmovc v9;
	vm1 =	vmmov vm7  }
0x23a: {  	v9 =	vadd.f32 $-1.000000000e+00, v11;
	v11 =	vmax.f32 v11, v12;
	(v2sf) =	vpush v17, $0x0;
	[tilespmem:s0+$0x8000] =	vst.msk vm3, v1;
	s0 =	sadd.s32 s0, s2;
	v1 =	vmovc v10  }
0x23b: {  	vm3 =	vmmov vm6;
	v10 =	vadd.f32 $-1.000000000e+00, v11;
	v11 =	vmax.f32 v11, v8;
	[tilespmem:s0+$0x8000] =	vst.msk vm2, v3;
	v3 =	vmovc v13  }
0x23c: {  	vm2 =	vgt.f32 v3, v9;
	v13 =	vadd.f32 $-1.000000000e+00, v11;
	v14 =	vmax.f32 v11, v15;
	v9 =	vld [tilespmem:s24+$0xFFFFFFE0]  }
0x23d: {  	v17 =	vmpcnt.ones.xlane vm2;
	vm8 =	vgt.f32 v12, v10;
	v19 =	vadd.f32 $-1.000000000e+00, v14;
	v11 =	vld [tilespmem:s24+$0xFFFFFFF0]  }
0x23e: {  	v20 =	vmpcnt.ones.xlane vm8;
	vm7 =	vgt.f32 v8, v13;
	v13 =	vmax.f32 v14, v16;
	v10 =	vld [tilespmem:s24+$0x0];
	s2 =	spop (v2sf);
	s24 =	smov.u32 s26  }
0x23f: {  	v14 =	vmpcnt.ones.xlane vm7;
	vm6 =	vgt.f32 v15, v19;
	(v2sf) =	vpush v17, $0x0;
	s0 =	sadd.s32 s0, s2;
	s2 =	spop (v2sf)  }
0x240: {  	v19 =	vadd.f32 $-1.000000000e+00, v13;
	v17 =	vmpcnt.ones.xlane vm6;
	(v2sf) =	vpush v20, $0x0;
	[tilespmem:s0+$0x8000] =	vst.msk vm4, v4;
	s0 =	sadd.s32 s0, s2;
	s2 =	spop (v2sf);
	v4 =	vmovc v12  }
.Ltmp38:
0x241: {  	vm4 =	vmmov vm8;
	v12 =	vmax.f32 v13, v9;
	(v2sf) =	vpush v14, $0x0;
	[tilespmem:s0+$0x8000] =	vst.msk vm5, v5;
	s0 =	sadd.s32 s0, s2;
	s2 =	spop (v2sf);
	v5 =	vmovc v8;
	v8 =	vmovc v18;
	(pc) =	sbr.rel @p0 .LBB2_43-.Ltmp38, $4  }
0x242: {  	vm8 =	vgt.f32 v16, v19;
	v14 =	vadd.f32 $-1.000000000e+00, v12;
	(v2sf) =	vpush v17, $0x0;
	[tilespmem:s0+$0x8000] =	vst.msk vm10, v6;
	s0 =	sadd.s32 s0, s2;
	v6 =	vmovc v15  }
0x243: {  	vm5 =	vmmov vm7;
	v18 =	vmpcnt.ones.xlane vm8;
	v12 =	vmax.f32 v12, v11;
	[tilespmem:s0+$0x8000] =	vst.msk vm9, v7;
	v7 =	vmovc v16  }
0x244: {  	v15 =	vadd.f32 $-1.000000000e+00, v12;
	v13 =	vld [tilespmem:s26+$0xFFFFFF90];
	vm7 =	vgt.f32 v9, v14;
	v14 =	vmax.f32 v12, v10;
	s2 =	spop (v2sf)  }
0x245: {  	s26 =	sadd.s32 $0x80, s26;
	v12 =	vld [tilespmem:s24+$0xFFFFFFA0];
	v16 =	vmpcnt.ones.xlane vm7;
	v17 =	vadd.f32 $-1.000000000e+00, v14;
	(v2sf) =	vpush v18, $0x0;
	s28 =	sadd.s32 s0, s2  }
0x246: {  	_ =	sdelay $0x1  }
0x247: {  	vm9 =	vgt.f32 v11, v15;
	v43 =	vimm.s32 $0x0;
	v45 =	vimm.s32 $0x0  }
0x248: {  	v15 =	vsel vm9, $0xFFFFFFFF, v43;
	vm15 =	vgt.f32 v10, v17;
	v14 =	vmax.f32 v14, v13  }
0x249: {  	v18 =	vld [tilespmem:s24+$0xFFFFFFC0];
	[tilespmem:$0x1FF70] =	vst v15;
	v17 =	vsel vm15, $0xFFFFFFFF, v45;
	v47 =	vadd.f32 $-1.000000000e+00, v14  }
0x24a: {  	v48 =	vimm.s32 $0x0;
	[tilespmem:$0x1FF80] =	vst v17  }
0x24b: {  	v44 =	vmpcnt.ones.xlane vm9;
	(v2sf) =	vpush v16, $0x0;
	v46 =	vld [tilespmem:s24+$0xFFFFFFD0];
	vm9 =	vgt.f32 v13, v47  }
0x24c: {  	s0 =	spop (v2sf);
	v19 =	vmpcnt.ones.xlane vm15;
	v14 =	vmax.f32 v14, v12;
	v15 =	vsel vm9, $0xFFFFFFFF, v48  }
0x24d: {  	s0 =	sadd.s32 s28, s0;
	(v2sf) =	vpush v44, $0x0;
	v20 =	vadd.f32 $-1.000000000e+00, v14;
	v14 =	vmax.f32 v14, v8;
	[tilespmem:$0x1FF90] =	vst v15  }
0x24e: {  	s2 =	spop (v2sf);
	(v2sf) =	vpush v19, $0x0;
	v49 =	vmax.f32 v14, v18;
	v14 =	vadd.f32 $-1.000000000e+00, v14;
	v50 =	vld [tilespmem:s24+$0xFFFFFFE0];
	[tilespmem:s0+$0x8000] =	vst.msk vm0, v2  }
0x24f: {  	s12 =	spop (v2sf);
	s2 =	sadd.s32 s0, s2;
	vm12 =	vgt.f32 v12, v20;
	v51 =	vadd.f32 $-1.000000000e+00, v49;
	v52 =	vmpcnt.ones.xlane vm9;
	v21 =	vld [tilespmem:s24+$0xFFFFFFF0];
	[tilespmem:s28+$0x8000] =	vst.msk vm1, v0  }
0x250: {  	s12 =	sadd.s32 s2, s12;
	v22 =	vmpcnt.ones.xlane vm12;
	vm11 =	vgt.f32 v8, v14;
	s30 =	spop (v2sf);
	v23 =	vld [tilespmem:s24+$0x0];
	v53 =	vmax.f32 v49, v46;
	[tilespmem:s2+$0x8000] =	vst.msk vm3, v1  }
0x251: {  	vm13 =	vgt.f32 v18, v51;
	v54 =	vmpcnt.ones.xlane vm11;
	(v2sf) =	vpush v52, $0x0;
	s25 =	spop (v2sf);
	s24 =	sadd.s32 s12, s30;
	[tilespmem:s12+$0x8000] =	vst.msk vm2, v3  }
0x252: {  	v55 =	vmpcnt.ones.xlane vm13;
	v56 =	vadd.f32 $-1.000000000e+00, v53;
	(v2sf) =	vpush v22, $0x0;
	s26 =	spop (v2sf);
	s25 =	sadd.s32 s24, s25;
	[tilespmem:s24+$0x8000] =	vst.msk vm4, v4  }
0x253: {  	(v2sf) =	vpush v54, $0x0;
	s29 =	spop (v2sf);
	s26 =	sadd.s32 s25, s26;
	[tilespmem:s25+$0x8000] =	vst.msk vm5, v5;
	vm5 =	vmmov vm6;
	v14 =	vmax.f32 v53, v50  }
0x254: {  	vm6 =	vmmov vm8;
	s29 =	sadd.s32 s26, s29;
	[tilespmem:s26+$0x8000] =	vst.msk vm5, v6;
	v57 =	vadd.f32 $-1.000000000e+00, v14;
	v14 =	vmax.f32 v14, v21  }
0x255: {  	vm10 =	vgt.f32 v46, v56;
	[tilespmem:s29+$0x8000] =	vst.msk vm6, v7;
	v58 =	vadd.f32 $-1.000000000e+00, v14;
	v14 =	vmax.f32 v14, v23  }
0x256: {  	v59 =	vmpcnt.ones.xlane vm10;
	v0 =	vld [tilespmem:$0x1FF70];
	v24 =	vadd.f32 $-1.000000000e+00, v14;
	vm14 =	vgt.f32 v50, v57  }
0x257: {  	(v2sf) =	vpush v55, $0x0;
	v60 =	vmpcnt.ones.xlane vm14;
	vm9 =	vgt.f32 v21, v58  }
0x258: {  	(v2sf) =	vpush v59, $0x0;
	v61 =	vmpcnt.ones.xlane vm9;
	vm15 =	vgt.f32 v23, v24  }
0x259: {  	(v2sf) =	vpush v60, $0x0;
	v62 =	vmpcnt.ones.xlane vm15  }
0x25a: {  	s30 =	spop (v2sf);
	(v2sf) =	vpush v61, $0x0  }
0x25b: {  	s30 =	sadd.s32 s29, s30;
	s31 =	spop (v2sf);
	vm8 =	vnez.u8 v0;
	(v2sf) =	vpush v62, $0x0  }
0x25c: {  	(xrf0) =	vmax.scan.msk.f32 $0xffff, v14;
	s31 =	sadd.s32 s30, s31;
	vm0 =	vmmov vm8  }
0x25d: {  	[tilespmem:s31+$0x8000] =	vst.msk vm0, v11  }
0x25e: {  	v0 =	vld [tilespmem:$0x1FF80];
	_ =	sdelay $0x2  }
0x25f: {  	s0 =	spop (v2sf)  }
0x260: {  	s28 =	spop (v2sf);
	s0 =	sadd.s32 s31, s0;
	v63, _, _ =	vpop (xrf0)  }
0x261: {  	vm4 =	vmmov vm7;
	s28 =	sadd.s32 s0, s28;
	(v2sf) =	vpush v63, $0xF;
	s2 =	spop (v2sf);
	vm5 =	vnez.u8 v0  }
0x262: {  	[tilespmem:s30+$0x8000] =	vst.msk vm4, v9;
	s2 =	sadd.s32 s28, s2;
	s12 =	spop (v2sf);
	vm0 =	vmmov vm5  }
0x263: {  	s12 =	sadd.s32 s2, s12;
	s24 =	spop (v2sf);
	[tilespmem:s0+$0x8000] =	vst.msk vm0, v10  }
0x264: {  	s24 =	sadd.s32 s12, s24;
	s25 =	spop (v2sf);
	v0 =	vld [tilespmem:$0x1FF90]  }
0x265: {  	s25 =	sadd.s32 s24, s25;
	s26 =	spop (v2sf)  }
0x266: {  	s26 =	sadd.s32 s25, s26;
	s29 =	spop (v2sf)  }
0x267: {  	s29 =	sadd.s32 s26, s29;
	s31 =	spop (v2sf)  }
0x268: {  	s30 =	sadd.s32 s29, s31;
	s31 =	spop (v2sf)  }
0x269: {  	vm7 =	vnez.u8 v0;
	s0 =	sadd.s32 s30, s31  }
0x26a: {  	[tilespmem:s28+$0x8000] =	vst.msk vm7, v13;
	s28 =	sadd.s32 $0xF, s0  }
0x26b: {  	s31 =	sand.u32 $0xF, s28  }
0x26c: {  	vm8 =	vmmov vm11;
	p1 =	slt.s32 s28, $0x1;
	p0 =	sne.s32 s31, $0x0;
	s31 =	sshra.s32 s28, $0x1F  }
0x26d: {  	vm11 =	vmmov vm13;
	[tilespmem:s12+$0x8000] =	vst.msk vm8, v8;
	s12 =	sshrl.u32 s31, $0x1C;
	p0 =	por !p1, !p0  }
0x26e: {  	vm6 =	vmmov vm12;
	[tilespmem:s24+$0x8000] =	vst.msk vm11, v18;
	s24 =	simm.s32 $0x1;
	s12 =	sadd.s32 s12, s28;
	p0 =	por !p0, !p0  }
0x26f: {  	vm12 =	vmmov vm10;
	[tilespmem:s2+$0x8000] =	vst.msk vm6, v12;
	s12 =	sshra.s32 s12, $0x4;
	s24 =	simm.s32 @!p0 $0x0  }
0x270: {  	[tilespmem:s25+$0x8000] =	vst.msk vm12, v46;
	s2 =	spop (v2sf);
	s25 =	ssub.s32 s12, s24  }
0x271: {  	s2 =	sadd.f32 $-1.000000000e+00, s2;
	p0 =	slt.s32 s25, $0x1  }
.Ltmp39:
0x272: {  	vm14 =	vmmov vm14;
	(pc) =	sbr.rel @p0 .LBB2_62-.Ltmp39, $4  }
0x273: {  	vm13 =	vmmov vm9;
	[tilespmem:s26+$0x8000] =	vst.msk vm14, v50;
	s31 =	sadd.f32 $-1.000000000e+00, s2  }
0x274: {  	vm15 =	vmmov vm15;
	[tilespmem:s29+$0x8000] =	vst.msk vm13, v21  }
0x275: {  	[tilespmem:s30+$0x8000] =	vst.msk vm15, v23;
	v2 =	vmov s31  }
0x276: {  	v1 =	vimm.f32 $0.0e+00;
	s26 =	simm.s32 $0x8000;
	v0 =	vmov s2;
	[tilespmem:s0+$0x8000] =	vst v2;
	s24 =	simm.s32 $0x0  }
0x277: {  	p1 =	sne.s32 s25, $0x1  }
.Ltmp40:
0x278: {  	_ = 	snop;
	(pc) =	sbr.rel @!p1 .LBB2_46-.Ltmp40, $2  }
0x279: {  	_ =	sdelay $0x2  }
0x27a: {  	v3 =	vld [tilespmem:s26+$0x0];
	s25 =	sadd.s32 $0xFFFFFFFF, s25;
	p0 =	por $0x0, $0x0  }
0x27b: {  	_ =	sdelay $0x3  }
0x27c: {  	vm0 =	vgt.f32 v3, v0  }
0x27d: {  	v4 =	vmpcnt.ones.xlane vm0;
	_ =	sdelay $0x1  }
0x27e: {  	(v2sf) =	vpush v4, $0x0;
	_ =	sdelay $0x2  }
0x27f: {  	p1 =	sne.s32 s25, $0x1  }
.Ltmp41:
0x280: {  	_ = 	snop;
	(pc) =	sbr.rel @!p1 .LBB2_59-.Ltmp41, $3  }
0x281: {  	_ =	sdelay $0x1  }
0x282: {  	s26 =	sadd.s32 $0x10, s26;
	v5 =	vnsel vm0, $0x0, v3;
	[tilespmem:s24+$0x8000] =	vst.msk vm0, v3  }
0x283: {  	s28 =	sadd.s32 $0xFFFFFFFF, s25;
	p0 =	por $0x1, $0x1;
	s25 =	simm.s32 $0x0;
	v1 =	vadd.f32 v5, v1;
	v3 =	vld [tilespmem:s26+$0x0]  }
.LBB2_60:
0x284: {  	p1 =	sne.s32 s28, $0x1;
	_ =	sdelay $0x3  }
0x285: {  	vm0 =	vgt.f32 v3, v0  }
0x286: {  	v4 =	vmpcnt.ones.xlane vm0;
	v5 =	vnsel vm0, $0x0, v3  }
0x287: {  	v1 =	vadd.f32 v5, v1;
	s0 =	spop (v2sf)  }
0x288: {  	(v2sf) =	vpush v4, $0x0;
	s25 =	sadd.s32 s25, s0  }
0x289: {  	[tilespmem:s25+$0x8000] =	vst.msk vm0, v3;
	_ =	sdelay $0x2  }
.Ltmp42:
0x28a: {  	(pc) =	sbr.rel @p1 .LBB2_60-.Ltmp42, $3  }
0x28b: {  	_ =	sdelay $0x1  }
0x28c: {  	s26 =	sadd.s32 $0x10, s26  }
0x28d: {  	s28 =	sadd.s32 $0xFFFFFFFF, s28;
	v3 =	vld [tilespmem:s26+$0x0]  }
.LBB2_61:
0x28e: {  	_ =	sdelay $0x3  }
0x28f: {  	vm0 =	vgt.f32 v3, v0  }
0x290: {  	v4 =	vmpcnt.ones.xlane vm0;
	_ =	sdelay $0x1  }
0x291: {  	(v2sf) =	vpush v4, $0x0;
	_ =	sdelay $0xc  }
0x292: {  	s0 =	spop @p0 (v2sf)  }
0x293: {  	s0 =	sadd.s32 @p0 s25, s0  }
0x294: {  	v63 =	vnsel vm0, $0x0, v3;
	s24 =	smov.u32 @p0 s0;
	s31 =	spop (v2sf)  }
0x295: {  	v1 =	vadd.f32 v63, v1;
	[tilespmem:s24+$0x8000] =	vst.msk vm0, v3;
	s24 =	sadd.s32 s24, s31  }
.LBB2_62:
0x296: {  	p0 =	seq.s32 s24, $0xFFFFFFFF  }
.Ltmp43:
0x297: {  	_ = 	snop;
	(pc) =	sbr.rel @p0 .LBB2_66-.Ltmp43, $4  }
0x298: {  	[tilespmem:s24+$0x8000] =	vst v2  }
0x299: {  	[tilespmem:s24+$0x8010] =	vst v2  }
0x29a: {  	[tilespmem:s24+$0x8020] =	vst v2  }
0x29b: {  	[tilespmem:s24+$0x8030] =	vst v2  }
0x29c: {  	s0 =	sadd.s32 $0xF, s24  }
0x29d: {  	s2 =	sshra.s32 s0, $0x1F;
	s12 =	sand.u32 $0xF, s0  }
0x29e: {  	v2 =	vld [tilespmem:$0x8000];
	p0 =	slt.s32 s0, $0x1;
	s2 =	sshrl.u32 s2, $0x1C;
	p1 =	sne.s32 s12, $0x0  }
.Ltmp44:
0x29f: {  	s12 =	simm.s32 $0x1;
	p0 =	por !p0, !p1;
	(pc) =	sbr.rel .LBB2_64-.Ltmp44, $4  }
0x2a0: {  	s0 =	sadd.s32 s2, s0;
	s2 =	simm.s32 $0xFFFFFFFF;
	p0 =	por !p0, !p0  }
0x2a1: {  	v3 =	vld [tilespmem:$0x8010];
	s0 =	sshra.s32 s0, $0x4;
	s2 =	simm.s32 @!p0 $0x0;
	s12 =	simm.s32 @!p0 $0x0  }
0x2a2: {  	v4 =	vld [tilespmem:$0x8020];
	s12 =	ssub.s32 s0, s12;
	s0 =	sadd.s32 s2, s0  }
0x2a3: {  	v5 =	vld [tilespmem:$0x8030];
	v6 =	vadd.f32 $0.0e+00, v2;
	s25 =	sadd.s32 $0xFFFFFFFC, s0;
	p0 =	slt.s32 s12, $0x5  }
.LBB2_74:
0x2a4: {  	s28 =	smov.u32 s26  }
.LBB2_83:
0x2a5: {  	v8 =	vmpcnt.ones.xlane vm0;
	_ =	sdelay $0x1  }
0x2a6: {  	(v2sf) =	vpush v8, $0x0;
	_ =	sdelay $0x9  }
0x2a7: {  	s0 =	sadd.s32 @p3 s28, s29;
	s2 =	spop @p2 (v2sf);
	s12 =	smov.u32 s26  }
0x2a8: {  	s2 =	smov.u32 @p2 s2;
	s12 =	smov.u32 @p3 s0  }
0x2a9: {  	s0 =	sadd.s32 @p2 s12, s2;
	s12 =	smov.u32 s26;
	s2 =	spop @p1 (v2sf)  }
0x2aa: {  	s12 =	smov.u32 @p2 s0;
	s2 =	smov.u32 @p1 s2  }
0x2ab: {  	s0 =	sadd.s32 @p1 s12, s2  }
0x2ac: {  	v7 =	vnsel vm0, $0x0, v7;
	s26 =	smov.u32 @p1 s0;
	s31 =	spop (v2sf)  }
0x2ad: {  	v1 =	vadd.f32 v7, v1;
	s26 =	sadd.s32 s26, s31  }
.LBB2_65:
0x2ae: {  	p1 =	sne.s32 s26, s24  }
.Ltmp45:
0x2af: {  	_ = 	snop;
	(pc) =	sbr.rel @!p1 .LBB2_66-.Ltmp45, $2  }
0x2b0: {  	_ =	sdelay $0x2  }
0x2b1: {  	s24 =	smov.u32 s26  }
.LBB2_64:
0x2b2: {  	_ = 	snop  }
0x2b3: {  	(xrf2) =	vadd.scan.msk.f32 $0xffff, v1;
	_ =	sdelay $0x9  }
0x2b4: {  	v1, _, _ =	vpop (xrf2)  }
0x2b5: {  	(v2sf) =	vpush v1, $0xF;
	_ =	sdelay $0x4  }
0x2b6: {  	s0 =	scvt.s32.f32 s24;
	_ =	sdelay $0x1  }
0x2b7: {  	v1 =	vmov s0  }
0x2b8: {  	(erf) = vrcp.f32 v1;
	_ =	sdelay $0x6  }
0x2b9: {  	s26 =	spop (v2sf)  }
0x2ba: {  	s0 =	sadd.f32 $-1.000000000e+00, s26  }
0x2bb: {  	v1 =	vpop (erf)  }
0x2bc: {  	v1 =	vmul.f32 s0, v1;
	_ =	sdelay $0x1  }
0x2bd: {  	v0 =	vmax.f32 v1, v0  }
0x2be: {  	vm0 =	vgt.f32 v2, v0  }
0x2bf: {  	vm1 =	vgt.f32 v3, v0;
	v1 =	vmpcnt.ones.xlane vm0  }
0x2c0: {  	vm2 =	vgt.f32 v4, v0;
	v7 =	vmpcnt.ones.xlane vm1  }
0x2c1: {  	vm3 =	vgt.f32 v5, v0;
	(v2sf) =	vpush v1, $0x0;
	v1 =	vmpcnt.ones.xlane vm2  }
0x2c2: {  	(v2sf) =	vpush v7, $0x0;
	v7 =	vmpcnt.ones.xlane vm3  }
0x2c3: {  	(v2sf) =	vpush v1, $0x0  }
0x2c4: {  	(v2sf) =	vpush v7, $0x0;
	_ =	sdelay $0xa  }
0x2c5: {  	v1 =	vnsel vm0, $0x0, v6;
	v7 =	vnsel vm1, $0x0, v3  }
.Ltmp46:
0x2c6: {  	v1 =	vadd.f32 v7, v1;
	s29 =	spop (v2sf);
	(pc) =	sbr.rel @p0 .LBB2_65-.Ltmp46, $4  }
0x2c7: {  	v7 =	vnsel vm2, $0x0, v4;
	s2 =	spop (v2sf)  }
0x2c8: {  	v1 =	vadd.f32 v1, v7;
	s0 =	sadd.s32 s29, s2;
	s30 =	spop (v2sf)  }
0x2c9: {  	v7 =	vnsel vm3, $0x0, v5;
	s0 =	sadd.s32 s30, s0;
	s31 =	spop (v2sf)  }
0x2ca: {  	s28 =	simm.s32 $0x8040;
	v1 =	vadd.f32 v1, v7;
	s26 =	sadd.s32 s31, s0  }
0x2cb: {  	v7 =	vld [tilespmem:s28+$0x0];
	p4 =	seq.s32 s25, $0x1  }
.Ltmp47:
0x2cc: {  	_ = 	snop;
	(pc) =	sbr.rel @p4 .LBB2_74-.Ltmp47, $3  }
0x2cd: {  	_ =	sdelay $0x1  }
0x2ce: {  	s29 =	sadd.s32 $0xFFFFFFFF, s25;
	s28 =	sadd.s32 $0x10, s28  }
0x2cf: {  	p1 =	por $0x0, $0x0;
	p2 =	por $0x0, $0x0;
	p3 =	por $0x0, $0x0;
	vm0 =	vgt.f32 v7, v0  }
0x2d0: {  	v8 =	vld [tilespmem:s28+$0x0];
	p4 =	seq.s32 s29, $0x1  }
.Ltmp48:
0x2d1: {  	v9 =	vmpcnt.ones.xlane vm0;
	(pc) =	sbr.rel @p4 .LBB2_76-.Ltmp48, $4  }
0x2d2: {  	_ = 	snop  }
0x2d3: {  	(v2sf) =	vpush v9, $0x0  }
0x2d4: {  	v7 =	vnsel vm0, $0x0, v7  }
0x2d5: {  	s29 =	sadd.s32 $0xFFFFFFFF, s29;
	s28 =	sadd.s32 $0x10, s28;
	p1 =	por $0x1, $0x1;
	v1 =	vadd.f32 v7, v1;
	vm0 =	vgt.f32 v8, v0  }
0x2d6: {  	v9 =	vmpcnt.ones.xlane vm0;
	_ =	sdelay $0x1  }
0x2d7: {  	(v2sf) =	vpush v9, $0x0;
	_ =	sdelay $0x3  }
0x2d8: {  	v7 =	vld [tilespmem:s28+$0x0];
	p4 =	seq.s32 s29, $0x1  }
.Ltmp49:
0x2d9: {  	_ = 	snop;
	(pc) =	sbr.rel @p4 .LBB2_78-.Ltmp49, $3  }
0x2da: {  	_ =	sdelay $0x1  }
0x2db: {  	v8 =	vnsel vm0, $0x0, v8  }
0x2dc: {  	s29 =	sadd.s32 $0xFFFFFFFF, s29;
	s28 =	sadd.s32 $0x10, s28;
	p2 =	por $0x1, $0x1;
	v1 =	vadd.f32 v8, v1;
	vm0 =	vgt.f32 v7, v0  }
0x2dd: {  	v9 =	vmpcnt.ones.xlane vm0;
	_ =	sdelay $0x1  }
0x2de: {  	(v2sf) =	vpush v9, $0x0;
	_ =	sdelay $0x2  }
0x2df: {  	v8 =	vld [tilespmem:s28+$0x0];
	p4 =	seq.s32 s29, $0x1  }
.Ltmp50:
0x2e0: {  	_ = 	snop;
	(pc) =	sbr.rel @p4 .LBB2_80-.Ltmp50, $3  }
0x2e1: {  	_ =	sdelay $0x1  }
0x2e2: {  	s30 =	sadd.s32 $0xFFFFFFFF, s29;
	v7 =	vnsel vm0, $0x0, v7;
	s31 =	sadd.s32 $0x10, s28  }
0x2e3: {  	s29 =	spop (v2sf);
	p3 =	por $0x1, $0x1;
	s28 =	smov.u32 s26;
	v1 =	vadd.f32 v7, v1;
	vm0 =	vgt.f32 v8, v0  }
.LBB2_81:
0x2e4: {  	p4 =	seq.s32 s30, $0x1;
	s30 =	sadd.s32 $0xFFFFFFFF, s30;
	v7 =	vnsel vm0, $0x0, v8;
	v8 =	vld [tilespmem:s31+$0x0];
	v9 =	vmpcnt.ones.xlane vm0;
	s28 =	sadd.s32 s28, s29  }
.Ltmp51:
0x2e5: {  	v1 =	vadd.f32 v7, v1;
	(pc) =	sbr.rel @!p4 .LBB2_81-.Ltmp51, $2  }
0x2e6: {  	(v2sf) =	vpush v9, $0x0;
	_ =	sdelay $0x3  }
0x2e7: {  	s31 =	sadd.s32 $0x10, s31;
	vm0 =	vgt.f32 v8, v0;
	s29 =	spop (v2sf)  }
.Ltmp52:
0x2e8: {  	(pc) =	sbr.rel .LBB2_83-.Ltmp52, $2  }
0x2e9: {  	_ =	sdelay $0x2  }
0x2ea: {  	v7 =	vmov v8  }
.LBB2_76:
.Ltmp53:
0x2eb: {  	(pc) =	sbr.rel .LBB2_83-.Ltmp53, $2  }
0x2ec: {  	_ =	sdelay $0x2  }
0x2ed: {  	v7 =	vmov v8;
	s28 =	smov.u32 s26  }
.LBB2_78:
.Ltmp54:
0x2ee: {  	(pc) =	sbr.rel .LBB2_83-.Ltmp54, $2  }
0x2ef: {  	_ =	sdelay $0x2  }
0x2f0: {  	s28 =	smov.u32 s26  }
.LBB2_80:
.Ltmp55:
0x2f1: {  	(pc) =	sbr.rel .LBB2_83-.Ltmp55, $2  }
0x2f2: {  	_ =	sdelay $0x2  }
0x2f3: {  	v7 =	vmov v8;
	s28 =	smov.u32 s26  }
.LBB2_66:
0x2f4: {  	s24 =	simm.s32 $0x4070  }
0x2f5: {  	v2 =	vld [tilespmem:s24+$0x0]  }
0x2f6: {  	v4 =	vld [tilespmem:s24+$0xFFFFFFA0]  }
0x2f7: {  	v6 =	vld [tilespmem:s24+$0xFFFFFFB0]  }
0x2f8: {  	v5 =	vld [tilespmem:s24+$0xFFFFFFC0]  }
0x2f9: {  	v3 =	vld [tilespmem:s24+$0xFFFFFFD0]  }
0x2fa: {  	v1 =	vld [tilespmem:s24+$0xFFFFFFE0];
	v8 =	vsub.f32 v2, v0  }
0x2fb: {  	v2 =	vld [tilespmem:s24+$0xFFFFFFF0];
	v7 =	vsub.f32 v4, v0  }
0x2fc: {  	s25 =	simm.s32 $0x0;
	s26 =	simm.s32 $0x40F0;
	v4 =	vld [tilespmem:s24+$0xFFFFFF90];
	v6 =	vsub.f32 v6, v0;
	v8 =	vmax.f32 v8, $0.0e+00  }
.LBB2_67:
0x2fd: {  	v9 =	vld [tilespmem:s26+$0x0];
	s25 =	sadd.s32 $0x8, s25;
	v7 =	vmax.f32 v7, $0.0e+00;
	v5 =	vsub.f32 v5, v0;
	[tilespmem:s24+$0x0] =	vst v8  }
0x2fe: {  	v8 =	vld [tilespmem:s26+$0xFFFFFFA0];
	p0 =	slt.u32 s25, $0x1F8;
	[tilespmem:s24+$0xFFFFFFA0] =	vst v7;
	v6 =	vmax.f32 v6, $0.0e+00;
	v3 =	vsub.f32 v3, v0  }
0x2ff: {  	v10 =	vld [tilespmem:s26+$0xFFFFFFB0];
	[tilespmem:s24+$0xFFFFFFB0] =	vst v6;
	v6 =	vmax.f32 v5, $0.0e+00;
	v1 =	vsub.f32 v1, v0  }
.Ltmp56:
0x300: {  	v5 =	vld [tilespmem:s26+$0xFFFFFFC0];
	[tilespmem:s24+$0xFFFFFFC0] =	vst v6;
	v6 =	vmax.f32 v3, $0.0e+00;
	v2 =	vsub.f32 v2, v0;
	(pc) =	sbr.rel @p0 .LBB2_67-.Ltmp56, $4  }
0x301: {  	v3 =	vld [tilespmem:s26+$0xFFFFFFD0];
	v4 =	vsub.f32 v4, v0;
	[tilespmem:s24+$0xFFFFFFD0] =	vst v6;
	v6 =	vmax.f32 v1, $0.0e+00  }
0x302: {  	v1 =	vld [tilespmem:s26+$0xFFFFFFE0];
	v9 =	vsub.f32 v9, v0;
	[tilespmem:s24+$0xFFFFFFE0] =	vst v6;
	v6 =	vmax.f32 v2, $0.0e+00  }
0x303: {  	v7 =	vsub.f32 v8, v0;
	v2 =	vld [tilespmem:s26+$0xFFFFFFF0];
	v11 =	vmax.f32 v4, $0.0e+00;
	[tilespmem:s24+$0xFFFFFFF0] =	vst v6  }
0x304: {  	v4 =	vld [tilespmem:s26+$0xFFFFFF90];
	v6 =	vsub.f32 v10, v0;
	v8 =	vmax.f32 v9, $0.0e+00;
	[tilespmem:s24+$0xFFFFFF90] =	vst v11;
	s24 =	smov.u32 s26;
	s26 =	sadd.s32 $0x80, s26  }
0x305: {  	v7 =	vmax.f32 v7, $0.0e+00;
	v5 =	vsub.f32 v5, v0;
	[tilespmem:s24+$0x0] =	vst v8  }
0x306: {  	[tilespmem:s24+$0xFFFFFFA0] =	vst v7;
	v6 =	vmax.f32 v6, $0.0e+00;
	v3 =	vsub.f32 v3, v0  }
0x307: {  	[tilespmem:s24+$0xFFFFFFB0] =	vst v6;
	v5 =	vmax.f32 v5, $0.0e+00;
	v1 =	vsub.f32 v1, v0  }
0x308: {  	[tilespmem:s24+$0xFFFFFFC0] =	vst v5;
	v3 =	vmax.f32 v3, $0.0e+00;
	v2 =	vsub.f32 v2, v0  }
0x309: {  	v0 =	vsub.f32 v4, v0;
	[tilespmem:s24+$0xFFFFFFD0] =	vst v3;
	v1 =	vmax.f32 v1, $0.0e+00  }
0x30a: {  	[tilespmem:s24+$0xFFFFFFE0] =	vst v1;
	v1 =	vmax.f32 v2, $0.0e+00  }
0x30b: {  	v0 =	vmax.f32 v0, $0.0e+00;
	[tilespmem:s24+$0xFFFFFFF0] =	vst v1  }
0x30c: {  	s25 =	simm.s32 $0x0;
	[tilespmem:s24+$0xFFFFFF90] =	vst v0  }
0x30d: {  	[hbm4b:s9+s25] =	stream.linear.scatter [tilespmem:s13], [sflag:$0x7], $0x2000, $0x38;
	[tilespmem:$0xA080] =	vst v63  }
0x30e: {  	_ =	swait.ge [sflag:s18], $0x2000  }
0x30f: {  	[sflag:s18] =	ssyncset.done $0x0  }
0x310: {  	s0 =	simm.s32 $0x6070;
	[sflag:s18] =	ssyncadd.s32 $0xFFFFE000  }
0x311: {  	v8 =	vld [tilespmem:s0+$0xFFFFFF90]  }
0x312: {  	v12 =	vld [tilespmem:s0+$0xFFFFFFA0]  }
0x313: {  	v13 =	vld [tilespmem:s0+$0xFFFFFFB0]  }
0x314: {  	v14 =	vld [tilespmem:s0+$0xFFFFFFC0]  }
0x315: {  	v0 =	vimm.f32 $-Inf  }
0x316: {  	v16 =	vld [tilespmem:s0+$0xFFFFFFD0];
	v0 =	vmax.f32 v0, v8  }
0x317: {  	v1 =	vadd.f32 $-1.000000000e+00, v0;
	v0 =	vmax.f32 v0, v12  }
0x318: {  	v2 =	vadd.f32 $-1.000000000e+00, v0;
	v3 =	vmax.f32 v0, v13  }
0x319: {  	v0 =	vld [tilespmem:s0+$0xFFFFFFE0];
	vm4 =	vgt.f32 v8, v1;
	v1 =	vadd.f32 $-1.000000000e+00, v3;
	v3 =	vmax.f32 v3, v14  }
0x31a: {  	v4 =	vmpcnt.ones.xlane vm4;
	vm0 =	vgt.f32 v12, v2;
	v5 =	vadd.f32 $-1.000000000e+00, v3  }
0x31b: {  	v2 =	vld [tilespmem:s0+$0xFFFFFFF0];
	v3 =	vmax.f32 v3, v16;
	v6 =	vmpcnt.ones.xlane vm0;
	vm1 =	vgt.f32 v13, v1  }
0x31c: {  	v1 =	vld [tilespmem:s0+$0x0];
	vm7 =	vmmov vm0;
	v7 =	vmpcnt.ones.xlane vm1;
	(v2sf) =	vpush v4, $0x0  }
0x31d: {  	vm2 =	vgt.f32 v14, v5;
	v4 =	vadd.f32 $-1.000000000e+00, v3;
	vm5 =	vmmov vm1  }
0x31e: {  	(v2sf) =	vpush v6, $0x0;
	v5 =	vmpcnt.ones.xlane vm2;
	v3 =	vmax.f32 v3, v0  }
0x31f: {  	(v2sf) =	vpush v7, $0x0;
	vm0 =	vgt.f32 v16, v4;
	v4 =	vadd.f32 $-1.000000000e+00, v3  }
0x320: {  	s26 =	simm.s32 $0x60F0;
	(v2sf) =	vpush v5, $0x0;
	v5 =	vmpcnt.ones.xlane vm0;
	v6 =	vmax.f32 v3, v2  }
0x321: {  	v3 =	vld [tilespmem:s26+$0xFFFFFF90];
	v7 =	vadd.f32 $-1.000000000e+00, v6;
	v9 =	vmax.f32 v6, v1;
	vm1 =	vgt.f32 v0, v4  }
0x322: {  	v4 =	vld [tilespmem:s26+$0xFFFFFFA0];
	v10 =	vadd.f32 $-1.000000000e+00, v9;
	(v2sf) =	vpush v5, $0x0;
	v11 =	vmpcnt.ones.xlane vm1  }
0x323: {  	vm10 =	vmmov vm2;
	v5 =	vld [tilespmem:s26+$0xFFFFFFB0];
	vm3 =	vgt.f32 v2, v7  }
0x324: {  	v6 =	vld [tilespmem:s26+$0xFFFFFFC0];
	v15 =	vmpcnt.ones.xlane vm3;
	vm2 =	vgt.f32 v1, v10;
	(v2sf) =	vpush v11, $0x0  }
0x325: {  	vm9 =	vmmov vm0;
	vm1 =	vmmov vm1;
	v10 =	vmpcnt.ones.xlane vm2  }
0x326: {  	v7 =	vld [tilespmem:s26+$0xFFFFFFD0];
	vm0 =	vmmov vm3;
	v9 =	vmax.f32 v9, v3;
	(v2sf) =	vpush v15, $0x0  }
0x327: {  	v11 =	vadd.f32 $-1.000000000e+00, v9;
	v9 =	vmax.f32 v9, v4;
	(v2sf) =	vpush v10, $0x0  }
0x328: {  	vm3 =	vmmov vm2;
	v10 =	vadd.f32 $-1.000000000e+00, v9;
	v9 =	vmax.f32 v9, v5  }
0x329: {  	vm2 =	vgt.f32 v3, v11;
	v15 =	vadd.f32 $-1.000000000e+00, v9;
	v17 =	vmax.f32 v9, v6;
	v9 =	vld [tilespmem:s26+$0xFFFFFFE0]  }
0x32a: {  	v18 =	vmpcnt.ones.xlane vm2;
	vm8 =	vgt.f32 v4, v10;
	v19 =	vadd.f32 $-1.000000000e+00, v17  }
0x32b: {  	v11 =	vld [tilespmem:s26+$0xFFFFFFF0];
	v20 =	vmpcnt.ones.xlane vm8;
	vm11 =	vgt.f32 v5, v15;
	v15 =	vmax.f32 v17, v7  }
0x32c: {  	v10 =	vld [tilespmem:s26+$0x0];
	v17 =	vmpcnt.ones.xlane vm11;
	vm6 =	vgt.f32 v6, v19;
	(v2sf) =	vpush v18, $0x0  }
0x32d: {  	v19 =	vadd.f32 $-1.000000000e+00, v15;
	s29 =	spop (v2sf);
	v18 =	vmpcnt.ones.xlane vm6;
	(v2sf) =	vpush v20, $0x0  }
0x32e: {  	[tilespmem:s25+$0x8000] =	vst.msk vm4, v8;
	vm4 =	vmmov vm8;
	s0 =	sadd.s32 $0x0, s29;
	s2 =	spop (v2sf);
	v15 =	vmax.f32 v15, v9;
	(v2sf) =	vpush v17, $0x0  }
0x32f: {  	s24 =	simm.s32 $0x6170;
	vm8 =	vgt.f32 v7, v19;
	[tilespmem:s0+$0x8000] =	vst.msk vm7, v12;
	s0 =	sadd.s32 s0, s2;
	s30 =	spop (v2sf);
	v12 =	vadd.f32 $-1.000000000e+00, v15;
	(v2sf) =	vpush v18, $0x0  }
0x330: {  	v8 =	vld [tilespmem:s24+$0xFFFFFFB0];
	v18 =	vmpcnt.ones.xlane vm8;
	v17 =	vmax.f32 v15, v11;
	s12 =	spop (v2sf);
	[tilespmem:s0+$0x8000] =	vst.msk vm5, v13;
	s0 =	sadd.s32 s0, s30;
	vm5 =	vmmov vm11  }
0x331: {  	v13 =	vld [tilespmem:s24+$0xFFFFFF90];
	v15 =	vadd.f32 $-1.000000000e+00, v17;
	[tilespmem:s0+$0x8000] =	vst.msk vm10, v14;
	s0 =	sadd.s32 s0, s12;
	vm7 =	vgt.f32 v9, v12;
	v14 =	vmax.f32 v17, v10;
	s31 =	spop (v2sf)  }
0x332: {  	s25 =	simm.s32 $0x10;
	s26 =	simm.s32 $0x61F0;
	v12 =	vld [tilespmem:s24+$0xFFFFFFA0];
	(v2sf) =	vpush v18, $0x0;
	[tilespmem:s0+$0x8000] =	vst.msk vm9, v16;
	v16 =	vmpcnt.ones.xlane vm7;
	v17 =	vadd.f32 $-1.000000000e+00, v14;
	s28 =	sadd.s32 s0, s31  }
.LBB2_69:
0x333: {  	v18 =	vld [tilespmem:s26+$0xFFFFFFB0];
	s25 =	sadd.s32 $0x8, s25;
	vm11 =	vgt.f32 v11, v15;
	s0 =	spop (v2sf);
	vm10 =	vmmov vm6;
	vm9 =	vmmov vm8  }
0x334: {  	p0 =	slt.u32 s25, $0x1F8;
	v15 =	vld [tilespmem:s24+$0xFFFFFFC0];
	v19 =	vmpcnt.ones.xlane vm11;
	vm6 =	vgt.f32 v10, v17;
	(v2sf) =	vpush v16, $0x0;
	s0 =	sadd.s32 s28, s0  }
0x335: {  	v16 =	vld [tilespmem:s24+$0xFFFFFFD0];
	v17 =	vmpcnt.ones.xlane vm6;
	[tilespmem:s0+$0x8000] =	vst.msk vm0, v2;
	s2 =	spop (v2sf);
	v2 =	vmov v11;
	vm0 =	vmmov vm11  }
0x336: {  	v11 =	vmax.f32 v14, v13;
	(v2sf) =	vpush v19, $0x0;
	[tilespmem:s28+$0x8000] =	vst.msk vm1, v0;
	s0 =	sadd.s32 s0, s2;
	s2 =	spop (v2sf);
	v0 =	vmovc v9;
	vm1 =	vmmov vm7  }
0x337: {  	v9 =	vadd.f32 $-1.000000000e+00, v11;
	v11 =	vmax.f32 v11, v12;
	(v2sf) =	vpush v17, $0x0;
	[tilespmem:s0+$0x8000] =	vst.msk vm3, v1;
	s0 =	sadd.s32 s0, s2;
	v1 =	vmovc v10  }
0x338: {  	vm3 =	vmmov vm6;
	v10 =	vadd.f32 $-1.000000000e+00, v11;
	v11 =	vmax.f32 v11, v8;
	[tilespmem:s0+$0x8000] =	vst.msk vm2, v3;
	v3 =	vmovc v13  }
0x339: {  	vm2 =	vgt.f32 v3, v9;
	v13 =	vadd.f32 $-1.000000000e+00, v11;
	v14 =	vmax.f32 v11, v15;
	v9 =	vld [tilespmem:s24+$0xFFFFFFE0]  }
0x33a: {  	v17 =	vmpcnt.ones.xlane vm2;
	vm8 =	vgt.f32 v12, v10;
	v19 =	vadd.f32 $-1.000000000e+00, v14;
	v11 =	vld [tilespmem:s24+$0xFFFFFFF0]  }
0x33b: {  	v20 =	vmpcnt.ones.xlane vm8;
	vm7 =	vgt.f32 v8, v13;
	v13 =	vmax.f32 v14, v16;
	v10 =	vld [tilespmem:s24+$0x0];
	s2 =	spop (v2sf);
	s24 =	smov.u32 s26  }
0x33c: {  	v14 =	vmpcnt.ones.xlane vm7;
	vm6 =	vgt.f32 v15, v19;
	(v2sf) =	vpush v17, $0x0;
	s0 =	sadd.s32 s0, s2;
	s2 =	spop (v2sf)  }
0x33d: {  	v19 =	vadd.f32 $-1.000000000e+00, v13;
	v17 =	vmpcnt.ones.xlane vm6;
	(v2sf) =	vpush v20, $0x0;
	[tilespmem:s0+$0x8000] =	vst.msk vm4, v4;
	s0 =	sadd.s32 s0, s2;
	s2 =	spop (v2sf);
	v4 =	vmovc v12  }
.Ltmp57:
0x33e: {  	vm4 =	vmmov vm8;
	v12 =	vmax.f32 v13, v9;
	(v2sf) =	vpush v14, $0x0;
	[tilespmem:s0+$0x8000] =	vst.msk vm5, v5;
	s0 =	sadd.s32 s0, s2;
	s2 =	spop (v2sf);
	v5 =	vmovc v8;
	v8 =	vmovc v18;
	(pc) =	sbr.rel @p0 .LBB2_69-.Ltmp57, $4  }
0x33f: {  	vm8 =	vgt.f32 v16, v19;
	v14 =	vadd.f32 $-1.000000000e+00, v12;
	(v2sf) =	vpush v17, $0x0;
	[tilespmem:s0+$0x8000] =	vst.msk vm10, v6;
	s0 =	sadd.s32 s0, s2;
	v6 =	vmovc v15  }
0x340: {  	vm5 =	vmmov vm7;
	v18 =	vmpcnt.ones.xlane vm8;
	v12 =	vmax.f32 v12, v11;
	[tilespmem:s0+$0x8000] =	vst.msk vm9, v7;
	v7 =	vmovc v16  }
0x341: {  	v15 =	vadd.f32 $-1.000000000e+00, v12;
	v13 =	vld [tilespmem:s26+$0xFFFFFF90];
	vm7 =	vgt.f32 v9, v14;
	v14 =	vmax.f32 v12, v10;
	s2 =	spop (v2sf)  }
0x342: {  	s26 =	sadd.s32 $0x80, s26;
	v12 =	vld [tilespmem:s24+$0xFFFFFFA0];
	v16 =	vmpcnt.ones.xlane vm7;
	v17 =	vadd.f32 $-1.000000000e+00, v14;
	(v2sf) =	vpush v18, $0x0;
	s28 =	sadd.s32 s0, s2  }
0x343: {  	_ =	sdelay $0x1  }
0x344: {  	vm9 =	vgt.f32 v11, v15;
	v43 =	vimm.s32 $0x0;
	v45 =	vimm.s32 $0x0  }
0x345: {  	v15 =	vsel vm9, $0xFFFFFFFF, v43;
	vm15 =	vgt.f32 v10, v17;
	v14 =	vmax.f32 v14, v13  }
0x346: {  	v18 =	vld [tilespmem:s24+$0xFFFFFFC0];
	[tilespmem:$0x1FF40] =	vst v15;
	v17 =	vsel vm15, $0xFFFFFFFF, v45;
	v47 =	vadd.f32 $-1.000000000e+00, v14  }
0x347: {  	v48 =	vimm.s32 $0x0;
	[tilespmem:$0x1FF50] =	vst v17  }
0x348: {  	v44 =	vmpcnt.ones.xlane vm9;
	(v2sf) =	vpush v16, $0x0;
	v46 =	vld [tilespmem:s24+$0xFFFFFFD0];
	vm9 =	vgt.f32 v13, v47  }
0x349: {  	s0 =	spop (v2sf);
	v19 =	vmpcnt.ones.xlane vm15;
	v14 =	vmax.f32 v14, v12;
	v15 =	vsel vm9, $0xFFFFFFFF, v48  }
0x34a: {  	s0 =	sadd.s32 s28, s0;
	(v2sf) =	vpush v44, $0x0;
	v20 =	vadd.f32 $-1.000000000e+00, v14;
	v14 =	vmax.f32 v14, v8;
	[tilespmem:$0x1FF60] =	vst v15  }
0x34b: {  	s2 =	spop (v2sf);
	(v2sf) =	vpush v19, $0x0;
	v49 =	vmax.f32 v14, v18;
	v14 =	vadd.f32 $-1.000000000e+00, v14;
	v50 =	vld [tilespmem:s24+$0xFFFFFFE0];
	[tilespmem:s0+$0x8000] =	vst.msk vm0, v2  }
0x34c: {  	s12 =	spop (v2sf);
	s2 =	sadd.s32 s0, s2;
	vm12 =	vgt.f32 v12, v20;
	v51 =	vadd.f32 $-1.000000000e+00, v49;
	v52 =	vmpcnt.ones.xlane vm9;
	v21 =	vld [tilespmem:s24+$0xFFFFFFF0];
	[tilespmem:s28+$0x8000] =	vst.msk vm1, v0  }
0x34d: {  	s12 =	sadd.s32 s2, s12;
	v22 =	vmpcnt.ones.xlane vm12;
	vm11 =	vgt.f32 v8, v14;
	s30 =	spop (v2sf);
	v23 =	vld [tilespmem:s24+$0x0];
	v53 =	vmax.f32 v49, v46;
	[tilespmem:s2+$0x8000] =	vst.msk vm3, v1  }
0x34e: {  	vm13 =	vgt.f32 v18, v51;
	v54 =	vmpcnt.ones.xlane vm11;
	(v2sf) =	vpush v52, $0x0;
	s25 =	spop (v2sf);
	s24 =	sadd.s32 s12, s30;
	[tilespmem:s12+$0x8000] =	vst.msk vm2, v3  }
0x34f: {  	v55 =	vmpcnt.ones.xlane vm13;
	v56 =	vadd.f32 $-1.000000000e+00, v53;
	(v2sf) =	vpush v22, $0x0;
	s26 =	spop (v2sf);
	s25 =	sadd.s32 s24, s25;
	[tilespmem:s24+$0x8000] =	vst.msk vm4, v4  }
0x350: {  	(v2sf) =	vpush v54, $0x0;
	s29 =	spop (v2sf);
	s26 =	sadd.s32 s25, s26;
	[tilespmem:s25+$0x8000] =	vst.msk vm5, v5;
	vm5 =	vmmov vm6;
	v14 =	vmax.f32 v53, v50  }
0x351: {  	vm6 =	vmmov vm8;
	s29 =	sadd.s32 s26, s29;
	[tilespmem:s26+$0x8000] =	vst.msk vm5, v6;
	v57 =	vadd.f32 $-1.000000000e+00, v14;
	v14 =	vmax.f32 v14, v21  }
0x352: {  	vm10 =	vgt.f32 v46, v56;
	[tilespmem:s29+$0x8000] =	vst.msk vm6, v7;
	v58 =	vadd.f32 $-1.000000000e+00, v14;
	v14 =	vmax.f32 v14, v23  }
0x353: {  	v59 =	vmpcnt.ones.xlane vm10;
	v0 =	vld [tilespmem:$0x1FF40];
	v24 =	vadd.f32 $-1.000000000e+00, v14;
	vm14 =	vgt.f32 v50, v57  }
0x354: {  	(v2sf) =	vpush v55, $0x0;
	v60 =	vmpcnt.ones.xlane vm14;
	vm9 =	vgt.f32 v21, v58  }
0x355: {  	(v2sf) =	vpush v59, $0x0;
	v61 =	vmpcnt.ones.xlane vm9;
	vm15 =	vgt.f32 v23, v24  }
0x356: {  	(v2sf) =	vpush v60, $0x0;
	v62 =	vmpcnt.ones.xlane vm15  }
0x357: {  	s30 =	spop (v2sf);
	(v2sf) =	vpush v61, $0x0  }
0x358: {  	s30 =	sadd.s32 s29, s30;
	s31 =	spop (v2sf);
	vm8 =	vnez.u8 v0;
	(v2sf) =	vpush v62, $0x0  }
0x359: {  	(xrf0) =	vmax.scan.msk.f32 $0xffff, v14;
	s31 =	sadd.s32 s30, s31;
	vm0 =	vmmov vm8  }
0x35a: {  	[tilespmem:s31+$0x8000] =	vst.msk vm0, v11  }
0x35b: {  	v0 =	vld [tilespmem:$0x1FF50];
	_ =	sdelay $0x2  }
0x35c: {  	s0 =	spop (v2sf)  }
0x35d: {  	s28 =	spop (v2sf);
	s0 =	sadd.s32 s31, s0;
	v63, _, _ =	vpop (xrf0)  }
0x35e: {  	vm4 =	vmmov vm7;
	s28 =	sadd.s32 s0, s28;
	(v2sf) =	vpush v63, $0xF;
	s2 =	spop (v2sf);
	vm5 =	vnez.u8 v0  }
0x35f: {  	[tilespmem:s30+$0x8000] =	vst.msk vm4, v9;
	s2 =	sadd.s32 s28, s2;
	s12 =	spop (v2sf);
	vm0 =	vmmov vm5  }
0x360: {  	s12 =	sadd.s32 s2, s12;
	s24 =	spop (v2sf);
	[tilespmem:s0+$0x8000] =	vst.msk vm0, v10  }
0x361: {  	s24 =	sadd.s32 s12, s24;
	s25 =	spop (v2sf);
	v0 =	vld [tilespmem:$0x1FF60]  }
0x362: {  	s25 =	sadd.s32 s24, s25;
	s26 =	spop (v2sf)  }
0x363: {  	s26 =	sadd.s32 s25, s26;
	s29 =	spop (v2sf)  }
0x364: {  	s29 =	sadd.s32 s26, s29;
	s31 =	spop (v2sf)  }
0x365: {  	s30 =	sadd.s32 s29, s31;
	s31 =	spop (v2sf)  }
0x366: {  	vm7 =	vnez.u8 v0;
	s0 =	sadd.s32 s30, s31  }
0x367: {  	[tilespmem:s28+$0x8000] =	vst.msk vm7, v13;
	s28 =	sadd.s32 $0xF, s0  }
0x368: {  	s31 =	sand.u32 $0xF, s28  }
0x369: {  	vm8 =	vmmov vm11;
	p1 =	slt.s32 s28, $0x1;
	p0 =	sne.s32 s31, $0x0;
	s31 =	sshra.s32 s28, $0x1F  }
0x36a: {  	vm11 =	vmmov vm13;
	[tilespmem:s12+$0x8000] =	vst.msk vm8, v8;
	s12 =	sshrl.u32 s31, $0x1C;
	p0 =	por !p1, !p0  }
0x36b: {  	vm6 =	vmmov vm12;
	[tilespmem:s24+$0x8000] =	vst.msk vm11, v18;
	s24 =	simm.s32 $0x1;
	s12 =	sadd.s32 s12, s28;
	p0 =	por !p0, !p0  }
0x36c: {  	vm12 =	vmmov vm10;
	[tilespmem:s2+$0x8000] =	vst.msk vm6, v12;
	s12 =	sshra.s32 s12, $0x4;
	s24 =	simm.s32 @!p0 $0x0  }
0x36d: {  	[tilespmem:s25+$0x8000] =	vst.msk vm12, v46;
	s2 =	spop (v2sf);
	s25 =	ssub.s32 s12, s24  }
0x36e: {  	s2 =	sadd.f32 $-1.000000000e+00, s2;
	p0 =	slt.s32 s25, $0x1  }
.Ltmp58:
0x36f: {  	vm14 =	vmmov vm14;
	(pc) =	sbr.rel @p0 .LBB2_88-.Ltmp58, $4  }
0x370: {  	vm13 =	vmmov vm9;
	[tilespmem:s26+$0x8000] =	vst.msk vm14, v50;
	s31 =	sadd.f32 $-1.000000000e+00, s2  }
0x371: {  	vm15 =	vmmov vm15;
	[tilespmem:s29+$0x8000] =	vst.msk vm13, v21  }
0x372: {  	[tilespmem:s30+$0x8000] =	vst.msk vm15, v23;
	v2 =	vmov s31  }
0x373: {  	v1 =	vimm.f32 $0.0e+00;
	s26 =	simm.s32 $0x8000;
	v0 =	vmov s2;
	[tilespmem:s0+$0x8000] =	vst v2;
	s24 =	simm.s32 $0x0  }
0x374: {  	p1 =	sne.s32 s25, $0x1  }
.Ltmp59:
0x375: {  	_ = 	snop;
	(pc) =	sbr.rel @!p1 .LBB2_72-.Ltmp59, $2  }
0x376: {  	_ =	sdelay $0x2  }
0x377: {  	v3 =	vld [tilespmem:s26+$0x0];
	s25 =	sadd.s32 $0xFFFFFFFF, s25;
	p0 =	por $0x0, $0x0  }
0x378: {  	_ =	sdelay $0x3  }
0x379: {  	vm0 =	vgt.f32 v3, v0  }
0x37a: {  	v4 =	vmpcnt.ones.xlane vm0;
	_ =	sdelay $0x1  }
0x37b: {  	(v2sf) =	vpush v4, $0x0;
	_ =	sdelay $0x2  }
0x37c: {  	p1 =	sne.s32 s25, $0x1  }
.Ltmp60:
0x37d: {  	_ = 	snop;
	(pc) =	sbr.rel @!p1 .LBB2_85-.Ltmp60, $3  }
0x37e: {  	_ =	sdelay $0x1  }
0x37f: {  	s26 =	sadd.s32 $0x10, s26;
	v5 =	vnsel vm0, $0x0, v3;
	[tilespmem:s24+$0x8000] =	vst.msk vm0, v3  }
0x380: {  	s28 =	sadd.s32 $0xFFFFFFFF, s25;
	p0 =	por $0x1, $0x1;
	s25 =	simm.s32 $0x0;
	v1 =	vadd.f32 v5, v1;
	v3 =	vld [tilespmem:s26+$0x0]  }
.LBB2_86:
0x381: {  	p1 =	sne.s32 s28, $0x1;
	_ =	sdelay $0x3  }
0x382: {  	vm0 =	vgt.f32 v3, v0  }
0x383: {  	v4 =	vmpcnt.ones.xlane vm0;
	v5 =	vnsel vm0, $0x0, v3  }
0x384: {  	v1 =	vadd.f32 v5, v1;
	s0 =	spop (v2sf)  }
0x385: {  	(v2sf) =	vpush v4, $0x0;
	s25 =	sadd.s32 s25, s0  }
0x386: {  	[tilespmem:s25+$0x8000] =	vst.msk vm0, v3;
	_ =	sdelay $0x2  }
.Ltmp61:
0x387: {  	(pc) =	sbr.rel @p1 .LBB2_86-.Ltmp61, $3  }
0x388: {  	_ =	sdelay $0x1  }
0x389: {  	s26 =	sadd.s32 $0x10, s26  }
0x38a: {  	s28 =	sadd.s32 $0xFFFFFFFF, s28;
	v3 =	vld [tilespmem:s26+$0x0]  }
.LBB2_87:
0x38b: {  	_ =	sdelay $0x3  }
0x38c: {  	vm0 =	vgt.f32 v3, v0  }
0x38d: {  	v4 =	vmpcnt.ones.xlane vm0;
	_ =	sdelay $0x1  }
0x38e: {  	(v2sf) =	vpush v4, $0x0;
	_ =	sdelay $0xc  }
0x38f: {  	s0 =	spop @p0 (v2sf)  }
0x390: {  	s0 =	sadd.s32 @p0 s25, s0  }
0x391: {  	v63 =	vnsel vm0, $0x0, v3;
	s24 =	smov.u32 @p0 s0;
	s31 =	spop (v2sf)  }
0x392: {  	v1 =	vadd.f32 v63, v1;
	[tilespmem:s24+$0x8000] =	vst.msk vm0, v3;
	s24 =	sadd.s32 s24, s31  }
.LBB2_88:
0x393: {  	p0 =	seq.s32 s24, $0xFFFFFFFF  }
.Ltmp62:
0x394: {  	_ = 	snop;
	(pc) =	sbr.rel @p0 .LBB2_92-.Ltmp62, $4  }
0x395: {  	[tilespmem:s24+$0x8000] =	vst v2  }
0x396: {  	[tilespmem:s24+$0x8010] =	vst v2  }
0x397: {  	[tilespmem:s24+$0x8020] =	vst v2  }
0x398: {  	[tilespmem:s24+$0x8030] =	vst v2  }
0x399: {  	s0 =	sadd.s32 $0xF, s24  }
0x39a: {  	s2 =	sshra.s32 s0, $0x1F;
	s12 =	sand.u32 $0xF, s0  }
0x39b: {  	v2 =	vld [tilespmem:$0x8000];
	p0 =	slt.s32 s0, $0x1;
	s2 =	sshrl.u32 s2, $0x1C;
	p1 =	sne.s32 s12, $0x0  }
.Ltmp63:
0x39c: {  	s12 =	simm.s32 $0x1;
	p0 =	por !p0, !p1;
	(pc) =	sbr.rel .LBB2_90-.Ltmp63, $4  }
0x39d: {  	s0 =	sadd.s32 s2, s0;
	s2 =	simm.s32 $0xFFFFFFFF;
	p0 =	por !p0, !p0  }
0x39e: {  	v3 =	vld [tilespmem:$0x8010];
	s0 =	sshra.s32 s0, $0x4;
	s2 =	simm.s32 @!p0 $0x0;
	s12 =	simm.s32 @!p0 $0x0  }
0x39f: {  	v4 =	vld [tilespmem:$0x8020];
	s12 =	ssub.s32 s0, s12;
	s0 =	sadd.s32 s2, s0  }
0x3a0: {  	v5 =	vld [tilespmem:$0x8030];
	v6 =	vadd.f32 $0.0e+00, v2;
	s25 =	sadd.s32 $0xFFFFFFFC, s0;
	p0 =	slt.s32 s12, $0x5  }
.LBB2_97:
0x3a1: {  	s28 =	smov.u32 s26  }
.LBB2_106:
0x3a2: {  	v8 =	vmpcnt.ones.xlane vm0;
	_ =	sdelay $0x1  }
0x3a3: {  	(v2sf) =	vpush v8, $0x0;
	_ =	sdelay $0x9  }
0x3a4: {  	s0 =	sadd.s32 @p3 s28, s29;
	s2 =	spop @p2 (v2sf);
	s12 =	smov.u32 s26  }
0x3a5: {  	s2 =	smov.u32 @p2 s2;
	s12 =	smov.u32 @p3 s0  }
0x3a6: {  	s0 =	sadd.s32 @p2 s12, s2;
	s12 =	smov.u32 s26;
	s2 =	spop @p1 (v2sf)  }
0x3a7: {  	s12 =	smov.u32 @p2 s0;
	s2 =	smov.u32 @p1 s2  }
0x3a8: {  	s0 =	sadd.s32 @p1 s12, s2  }
0x3a9: {  	v7 =	vnsel vm0, $0x0, v7;
	s26 =	smov.u32 @p1 s0;
	s31 =	spop (v2sf)  }
0x3aa: {  	v1 =	vadd.f32 v7, v1;
	s26 =	sadd.s32 s26, s31  }
.LBB2_91:
0x3ab: {  	p1 =	sne.s32 s26, s24  }
.Ltmp64:
0x3ac: {  	_ = 	snop;
	(pc) =	sbr.rel @!p1 .LBB2_92-.Ltmp64, $2  }
0x3ad: {  	_ =	sdelay $0x2  }
0x3ae: {  	s24 =	smov.u32 s26  }
.LBB2_90:
0x3af: {  	_ = 	snop  }
0x3b0: {  	(xrf2) =	vadd.scan.msk.f32 $0xffff, v1;
	_ =	sdelay $0x9  }
0x3b1: {  	v1, _, _ =	vpop (xrf2)  }
0x3b2: {  	(v2sf) =	vpush v1, $0xF;
	_ =	sdelay $0x4  }
0x3b3: {  	s0 =	scvt.s32.f32 s24;
	_ =	sdelay $0x1  }
0x3b4: {  	v1 =	vmov s0  }
0x3b5: {  	(erf) = vrcp.f32 v1;
	_ =	sdelay $0x6  }
0x3b6: {  	s26 =	spop (v2sf)  }
0x3b7: {  	s0 =	sadd.f32 $-1.000000000e+00, s26  }
0x3b8: {  	v1 =	vpop (erf)  }
0x3b9: {  	v1 =	vmul.f32 s0, v1;
	_ =	sdelay $0x1  }
0x3ba: {  	v0 =	vmax.f32 v1, v0  }
0x3bb: {  	vm0 =	vgt.f32 v2, v0  }
0x3bc: {  	vm1 =	vgt.f32 v3, v0;
	v1 =	vmpcnt.ones.xlane vm0  }
0x3bd: {  	vm2 =	vgt.f32 v4, v0;
	v7 =	vmpcnt.ones.xlane vm1  }
0x3be: {  	vm3 =	vgt.f32 v5, v0;
	(v2sf) =	vpush v1, $0x0;
	v1 =	vmpcnt.ones.xlane vm2  }
0x3bf: {  	(v2sf) =	vpush v7, $0x0;
	v7 =	vmpcnt.ones.xlane vm3  }
0x3c0: {  	(v2sf) =	vpush v1, $0x0  }
0x3c1: {  	(v2sf) =	vpush v7, $0x0;
	_ =	sdelay $0xa  }
0x3c2: {  	v1 =	vnsel vm0, $0x0, v6;
	v7 =	vnsel vm1, $0x0, v3  }
.Ltmp65:
0x3c3: {  	v1 =	vadd.f32 v7, v1;
	s29 =	spop (v2sf);
	(pc) =	sbr.rel @p0 .LBB2_91-.Ltmp65, $4  }
0x3c4: {  	v7 =	vnsel vm2, $0x0, v4;
	s2 =	spop (v2sf)  }
0x3c5: {  	v1 =	vadd.f32 v1, v7;
	s0 =	sadd.s32 s29, s2;
	s30 =	spop (v2sf)  }
0x3c6: {  	v7 =	vnsel vm3, $0x0, v5;
	s0 =	sadd.s32 s30, s0;
	s31 =	spop (v2sf)  }
0x3c7: {  	s28 =	simm.s32 $0x8040;
	v1 =	vadd.f32 v1, v7;
	s26 =	sadd.s32 s31, s0  }
0x3c8: {  	v7 =	vld [tilespmem:s28+$0x0];
	p4 =	seq.s32 s25, $0x1  }
.Ltmp66:
0x3c9: {  	_ = 	snop;
	(pc) =	sbr.rel @p4 .LBB2_97-.Ltmp66, $3  }
0x3ca: {  	_ =	sdelay $0x1  }
0x3cb: {  	s29 =	sadd.s32 $0xFFFFFFFF, s25;
	s28 =	sadd.s32 $0x10, s28  }
0x3cc: {  	p1 =	por $0x0, $0x0;
	p2 =	por $0x0, $0x0;
	p3 =	por $0x0, $0x0;
	vm0 =	vgt.f32 v7, v0  }
0x3cd: {  	v8 =	vld [tilespmem:s28+$0x0];
	p4 =	seq.s32 s29, $0x1  }
.Ltmp67:
0x3ce: {  	v9 =	vmpcnt.ones.xlane vm0;
	(pc) =	sbr.rel @p4 .LBB2_99-.Ltmp67, $4  }
0x3cf: {  	_ = 	snop  }
0x3d0: {  	(v2sf) =	vpush v9, $0x0  }
0x3d1: {  	v7 =	vnsel vm0, $0x0, v7  }
0x3d2: {  	s29 =	sadd.s32 $0xFFFFFFFF, s29;
	s28 =	sadd.s32 $0x10, s28;
	p1 =	por $0x1, $0x1;
	v1 =	vadd.f32 v7, v1;
	vm0 =	vgt.f32 v8, v0  }
0x3d3: {  	v9 =	vmpcnt.ones.xlane vm0;
	_ =	sdelay $0x1  }
0x3d4: {  	(v2sf) =	vpush v9, $0x0;
	_ =	sdelay $0x3  }
0x3d5: {  	v7 =	vld [tilespmem:s28+$0x0];
	p4 =	seq.s32 s29, $0x1  }
.Ltmp68:
0x3d6: {  	_ = 	snop;
	(pc) =	sbr.rel @p4 .LBB2_101-.Ltmp68, $3  }
0x3d7: {  	_ =	sdelay $0x1  }
0x3d8: {  	v8 =	vnsel vm0, $0x0, v8  }
0x3d9: {  	s29 =	sadd.s32 $0xFFFFFFFF, s29;
	s28 =	sadd.s32 $0x10, s28;
	p2 =	por $0x1, $0x1;
	v1 =	vadd.f32 v8, v1;
	vm0 =	vgt.f32 v7, v0  }
0x3da: {  	v9 =	vmpcnt.ones.xlane vm0;
	_ =	sdelay $0x1  }
0x3db: {  	(v2sf) =	vpush v9, $0x0;
	_ =	sdelay $0x2  }
0x3dc: {  	v8 =	vld [tilespmem:s28+$0x0];
	p4 =	seq.s32 s29, $0x1  }
.Ltmp69:
0x3dd: {  	_ = 	snop;
	(pc) =	sbr.rel @p4 .LBB2_103-.Ltmp69, $3  }
0x3de: {  	_ =	sdelay $0x1  }
0x3df: {  	s30 =	sadd.s32 $0xFFFFFFFF, s29;
	v7 =	vnsel vm0, $0x0, v7;
	s31 =	sadd.s32 $0x10, s28  }
0x3e0: {  	s29 =	spop (v2sf);
	p3 =	por $0x1, $0x1;
	s28 =	smov.u32 s26;
	v1 =	vadd.f32 v7, v1;
	vm0 =	vgt.f32 v8, v0  }
.LBB2_104:
0x3e1: {  	p4 =	seq.s32 s30, $0x1;
	s30 =	sadd.s32 $0xFFFFFFFF, s30;
	v7 =	vnsel vm0, $0x0, v8;
	v8 =	vld [tilespmem:s31+$0x0];
	v9 =	vmpcnt.ones.xlane vm0;
	s28 =	sadd.s32 s28, s29  }
.Ltmp70:
0x3e2: {  	v1 =	vadd.f32 v7, v1;
	(pc) =	sbr.rel @!p4 .LBB2_104-.Ltmp70, $2  }
0x3e3: {  	(v2sf) =	vpush v9, $0x0;
	_ =	sdelay $0x3  }
0x3e4: {  	s31 =	sadd.s32 $0x10, s31;
	vm0 =	vgt.f32 v8, v0;
	s29 =	spop (v2sf)  }
.Ltmp71:
0x3e5: {  	(pc) =	sbr.rel .LBB2_106-.Ltmp71, $2  }
0x3e6: {  	_ =	sdelay $0x2  }
0x3e7: {  	v7 =	vmov v8  }
.LBB2_99:
.Ltmp72:
0x3e8: {  	(pc) =	sbr.rel .LBB2_106-.Ltmp72, $2  }
0x3e9: {  	_ =	sdelay $0x2  }
0x3ea: {  	v7 =	vmov v8;
	s28 =	smov.u32 s26  }
.LBB2_101:
.Ltmp73:
0x3eb: {  	(pc) =	sbr.rel .LBB2_106-.Ltmp73, $2  }
0x3ec: {  	_ =	sdelay $0x2  }
0x3ed: {  	s28 =	smov.u32 s26  }
.LBB2_103:
.Ltmp74:
0x3ee: {  	(pc) =	sbr.rel .LBB2_106-.Ltmp74, $2  }
0x3ef: {  	_ =	sdelay $0x2  }
0x3f0: {  	v7 =	vmov v8;
	s28 =	smov.u32 s26  }
.LBB2_92:
0x3f1: {  	s24 =	simm.s32 $0x6070  }
0x3f2: {  	v2 =	vld [tilespmem:s24+$0x0]  }
0x3f3: {  	v4 =	vld [tilespmem:s24+$0xFFFFFFA0]  }
0x3f4: {  	v6 =	vld [tilespmem:s24+$0xFFFFFFB0]  }
0x3f5: {  	v5 =	vld [tilespmem:s24+$0xFFFFFFC0]  }
0x3f6: {  	v3 =	vld [tilespmem:s24+$0xFFFFFFD0]  }
0x3f7: {  	v1 =	vld [tilespmem:s24+$0xFFFFFFE0];
	v8 =	vsub.f32 v2, v0  }
0x3f8: {  	v2 =	vld [tilespmem:s24+$0xFFFFFFF0];
	v7 =	vsub.f32 v4, v0  }
0x3f9: {  	s25 =	simm.s32 $0x0;
	s26 =	simm.s32 $0x60F0;
	v4 =	vld [tilespmem:s24+$0xFFFFFF90];
	v6 =	vsub.f32 v6, v0;
	v8 =	vmax.f32 v8, $0.0e+00  }
.LBB2_93:
0x3fa: {  	v9 =	vld [tilespmem:s26+$0x0];
	s25 =	sadd.s32 $0x8, s25;
	v7 =	vmax.f32 v7, $0.0e+00;
	v5 =	vsub.f32 v5, v0;
	[tilespmem:s24+$0x0] =	vst v8  }
0x3fb: {  	v8 =	vld [tilespmem:s26+$0xFFFFFFA0];
	p0 =	slt.u32 s25, $0x1F8;
	[tilespmem:s24+$0xFFFFFFA0] =	vst v7;
	v6 =	vmax.f32 v6, $0.0e+00;
	v3 =	vsub.f32 v3, v0  }
0x3fc: {  	v10 =	vld [tilespmem:s26+$0xFFFFFFB0];
	[tilespmem:s24+$0xFFFFFFB0] =	vst v6;
	v6 =	vmax.f32 v5, $0.0e+00;
	v1 =	vsub.f32 v1, v0  }
.Ltmp75:
0x3fd: {  	v5 =	vld [tilespmem:s26+$0xFFFFFFC0];
	[tilespmem:s24+$0xFFFFFFC0] =	vst v6;
	v6 =	vmax.f32 v3, $0.0e+00;
	v2 =	vsub.f32 v2, v0;
	(pc) =	sbr.rel @p0 .LBB2_93-.Ltmp75, $4  }
0x3fe: {  	v3 =	vld [tilespmem:s26+$0xFFFFFFD0];
	v4 =	vsub.f32 v4, v0;
	[tilespmem:s24+$0xFFFFFFD0] =	vst v6;
	v6 =	vmax.f32 v1, $0.0e+00  }
0x3ff: {  	v1 =	vld [tilespmem:s26+$0xFFFFFFE0];
	v9 =	vsub.f32 v9, v0;
	[tilespmem:s24+$0xFFFFFFE0] =	vst v6;
	v6 =	vmax.f32 v2, $0.0e+00  }
0x400: {  	v7 =	vsub.f32 v8, v0;
	v2 =	vld [tilespmem:s26+$0xFFFFFFF0];
	v11 =	vmax.f32 v4, $0.0e+00;
	[tilespmem:s24+$0xFFFFFFF0] =	vst v6  }
0x401: {  	v4 =	vld [tilespmem:s26+$0xFFFFFF90];
	v6 =	vsub.f32 v10, v0;
	v8 =	vmax.f32 v9, $0.0e+00;
	[tilespmem:s24+$0xFFFFFF90] =	vst v11;
	s24 =	smov.u32 s26;
	s26 =	sadd.s32 $0x80, s26  }
0x402: {  	v7 =	vmax.f32 v7, $0.0e+00;
	v5 =	vsub.f32 v5, v0;
	[tilespmem:s24+$0x0] =	vst v8  }
0x403: {  	[tilespmem:s24+$0xFFFFFFA0] =	vst v7;
	v6 =	vmax.f32 v6, $0.0e+00;
	v3 =	vsub.f32 v3, v0  }
0x404: {  	[tilespmem:s24+$0xFFFFFFB0] =	vst v6;
	v5 =	vmax.f32 v5, $0.0e+00;
	v1 =	vsub.f32 v1, v0  }
0x405: {  	[tilespmem:s24+$0xFFFFFFC0] =	vst v5;
	v3 =	vmax.f32 v3, $0.0e+00;
	v2 =	vsub.f32 v2, v0  }
0x406: {  	v62 =	vsub.f32 v4, v0;
	[tilespmem:s24+$0xFFFFFFD0] =	vst v3;
	v1 =	vmax.f32 v1, $0.0e+00  }
0x407: {  	[tilespmem:s24+$0xFFFFFFE0] =	vst v1;
	v63 =	vmax.f32 v2, $0.0e+00  }
0x408: {  	v0 =	vmax.f32 v62, $0.0e+00;
	[tilespmem:s24+$0xFFFFFFF0] =	vst v63  }
0x409: {  	[tilespmem:s24+$0xFFFFFF90] =	vst v0  }
0x40a: {  	[hbm4b:s10+s1] =	stream.linear.scatter [tilespmem:s14], [sflag:$0x8], $0x2000, $0x38;
	[tilespmem:$0xA080] =	vst v63  }
0x40b: {  	_ =	swait.ge [sflag:s19], $0x2000  }
0x40c: {  	[sflag:s19] =	ssyncset.done $0x0  }
0x40d: {  	[sflag:s19] =	ssyncadd.s32 $0xFFFFE000  }
0x40e: {  	_ =	swait.ge [sflag:s20], $0x2000  }
0x40f: {  	[sflag:s20] =	ssyncset.done $0x0  }
0x410: {  	s23 =	sadd.s32 $0x1, s23;
	[sflag:s20] =	ssyncadd.s32 $0xFFFFE000  }
0x411: {  	p0 =	sne.s32 s23, s11;
	_ =	swait.ge [sflag:s21], $0x2000  }
.Ltmp76:
0x412: {  	[sflag:s21] =	ssyncset.done $0x0;
	(pc) =	sbr.rel @p0 .LBB2_1-.Ltmp76, $4  }
.Ltmp77:
0x413: {  	[sflag:s21] =	ssyncadd.s32 $0xFFFFE000;
	(pc) =	sbr.rel @!p0 .LBB2_95-.Ltmp77, $4  }
0x414: {  	_ =	swait.ge [sflag:s22], $0x2000  }
0x415: {  	[sflag:s22] =	ssyncset.done $0x0  }
0x416: {  	[sflag:s22] =	ssyncadd.s32 $0xFFFFE000  }
0x417: {  	_ = 	snop  }
.LBB2_5:
.Ltmp78:
0x418: {  	(pc) =	sbr.rel .LBB2_9-.Ltmp78, $2  }
0x419: {  	_ =	sdelay $0x2  }
0x41a: {  	s25 =	simm.s32 $0x0  }
.LBB2_20:
.Ltmp79:
0x41b: {  	(pc) =	sbr.rel .LBB2_35-.Ltmp79, $2  }
0x41c: {  	_ =	sdelay $0x2  }
0x41d: {  	s25 =	simm.s32 $0x0  }
.LBB2_46:
.Ltmp80:
0x41e: {  	(pc) =	sbr.rel .LBB2_61-.Ltmp80, $2  }
0x41f: {  	_ =	sdelay $0x2  }
0x420: {  	s25 =	simm.s32 $0x0  }
.LBB2_72:
.Ltmp81:
0x421: {  	(pc) =	sbr.rel .LBB2_87-.Ltmp81, $2  }
0x422: {  	_ =	sdelay $0x2  }
0x423: {  	s25 =	simm.s32 $0x0  }
.LBB2_7:
.Ltmp82:
0x424: {  	(pc) =	sbr.rel .LBB2_9-.Ltmp82, $2  }
0x425: {  	_ =	sdelay $0x2  }
0x426: {  	s25 =	simm.s32 $0x0  }
.LBB2_33:
.Ltmp83:
0x427: {  	(pc) =	sbr.rel .LBB2_35-.Ltmp83, $2  }
0x428: {  	_ =	sdelay $0x2  }
0x429: {  	s25 =	simm.s32 $0x0  }
.LBB2_59:
.Ltmp84:
0x42a: {  	(pc) =	sbr.rel .LBB2_61-.Ltmp84, $2  }
0x42b: {  	_ =	sdelay $0x2  }
0x42c: {  	s25 =	simm.s32 $0x0  }
.LBB2_85:
.Ltmp85:
0x42d: {  	(pc) =	sbr.rel .LBB2_87-.Ltmp85, $2  }
0x42e: {  	_ =	sdelay $0x2  }
0x42f: {  	s25 =	simm.s32 $0x0  }
.LBB2_95:
0x430: {  	_ =	sfence.sel $0x180000  }
0x431: {  	[bflag:$0x0] =	sbarrier.arrive $0xFFFF  }
0x432: {  	_ =	strace $0x90000047  }
0x433: {  	s0 =	stileid.u32;
	[bflag:$0x2] =	sbarrier.arrive $0xFFFF  }
0x434: {  	p0 =	sne.s32 s0, $0x0;
	s0 =	rddreg [dreg:$0x2]  }
0x435: {  	s0 =	sadd.s32 @!p0 $0x100000, s0  }
0x436: {  	[sflag:s0] =	ssyncadd.tile.s32 @!p0 $0x1;
	_ =	shalt  }
.Lfunc_end2:
_tile_overlayer_lowered:
.L_overlay_start_2:
0x437: {  	(tag) =	ssettag $0x2  }
0x438: {  	s0 =	rddreg [dreg:$0x0];
	s2 =	stileid.u32  }
0x439: {  	s1 =	rddreg [dreg:$0x1];
	p0 =	sne.s32 s2, $0x0  }
0x43a: {  	s3 =	rddreg [dreg:$0x2];
	[bflag:$0x3] =	sbarrier.arrive $0xFFFF;
	s2 =	simm.s32 @!p0 $0x1C09  }
0x43b: {  	[timem:s3], [sflag:s2] =	dma.local @!p0 [hbm:s0], s1  }
0x43c: {  	s0 =	simm.s32 @!p0 $0x9  }
0x43d: {  	_ =	swait.ge @!p0 [sflag:s0], s1  }
0x43e: {  	s1 =	ssub.s32 @!p0 $0x0, s1;
	[sflag:s0] =	ssyncset.done @!p0 $0x0  }
0x43f: {  	[sflag:s0] =	ssyncadd.s32 @!p0 s1  }
0x440: {  	[bflag:$0x3] =	sbarrier.arrive $0xFFFF  }
0x441: {  	_ =	shalt  }

</sc_bundles>
